<compile_context>
chip_gen: v7x
topology: tpu7x:2x2x1
jax: 0.10.2.dev20260603
libtpu: 0.0.44.dev20260713+nightly
codegen_flags: <defaults>
</compile_context>

<pallas_src>
import jax
import jax.numpy as jnp
from jax import lax
from jax.experimental import pallas as pl
from jax.experimental.pallas import tpu as pltpu
from jax.experimental.pallas import tpu_sc as plsc

POOL_SIZE = 100000
POOL_DIM = 128
EPS = 1e-8

TC_ROWS = 74400
TC_BLOCK = 7440
TC_GRID = TC_ROWS // TC_BLOCK

_T_DIMS = (((1,), (1,)), ((), ()))
_N_DIMS = (((1,), (0,)), ((), ()))

L = 16
NK = POOL_DIM // L
NWORKERS = 32
SC_ROWS = POOL_SIZE - TC_ROWS
QUOTA = SC_ROWS // NWORKERS
CHUNK = 80

_MAGIC = 0x5F3759DF


def _tc_body(x_ref, mem_ref, out_ref, acc_ref):
    i = pl.program_id(0)
    x2 = x_ref[...]
    ones2 = jnp.ones((1, POOL_DIM), jnp.float32)
    xnsq = jnp.maximum(jnp.sum(x2 * x2), EPS * EPS)

    m = mem_ref[...]
    dots = jax.lax.dot_general(x2, m, _T_DIMS,
                               preferred_element_type=jnp.float32)
    nsq = jax.lax.dot_general(ones2, m * m, _T_DIMS,
                              preferred_element_type=jnp.float32)
    sims = dots * jax.lax.rsqrt(jnp.maximum(nsq, EPS * EPS) * xnsq)
    partial = jax.lax.dot_general(sims, m, _N_DIMS,
                                  preferred_element_type=jnp.float32)

    @pl.when(i == 0)
    def _():
        acc_ref[...] = jnp.zeros_like(acc_ref)

    acc_ref[...] += partial

    @pl.when(i == TC_GRID - 1)
    def _():
        out_ref[...] = acc_ref[...]


def _rsqrt16(a):
    i = plsc.bitcast(a, jnp.int32)
    i = jnp.int32(_MAGIC) - lax.shift_right_logical(i, 1)
    y = plsc.bitcast(i, jnp.float32)
    y = y * (1.5 - 0.5 * a * y * y)
    return y


def _row_update(buf, r, x_regs, xnsq_vec, acc):
    rv = [buf[r, pl.ds(k * L, L)] for k in range(NK)]
    dotv = rv[0] * x_regs[0]
    nv = rv[0] * rv[0]
    for k in range(1, NK):
        dotv = dotv + rv[k] * x_regs[k]
        nv = nv + rv[k] * rv[k]
    dotb = jnp.full((L,), jnp.sum(dotv), jnp.float32)
    nsqb = jnp.full((L,), jnp.sum(nv), jnp.float32)
    a = jnp.maximum(nsqb, EPS * EPS) * xnsq_vec
    sim = dotb * _rsqrt16(a)
    return [acc[k] + sim * rv[k] for k in range(NK)]


def _sc_body(x_hbm, mem_hbm, part_hbm, xv, buf0, buf1, accv, sem0, sem1, semx):
    wid = lax.axis_index("s") * 2 + lax.axis_index("c")
    base = TC_ROWS + wid * QUOTA
    nchunks = QUOTA // CHUNK

    pltpu.make_async_copy(x_hbm, xv, semx).start()
    pltpu.make_async_copy(x_hbm, xv, semx).wait()
    x_regs = [xv[pl.ds(k * L, L)] for k in range(NK)]
    xnv = x_regs[0] * x_regs[0]
    for k in range(1, NK):
        xnv = xnv + x_regs[k] * x_regs[k]
    xnsq_vec = jnp.maximum(jnp.full((L,), jnp.sum(xnv), jnp.float32),
                           EPS * EPS)

    def start_dma(c, buf, sem):
        pltpu.make_async_copy(mem_hbm.at[pl.ds(base + c * CHUNK, CHUNK), :],
                              buf, sem).start()

    def wait_dma(buf, sem):
        pltpu.make_async_copy(mem_hbm.at[pl.ds(0, CHUNK), :], buf, sem).wait()

    def compute_chunk(buf, acc):
        def row_block(rb, acc_t):
            acc_l = list(acc_t)
            rbase = rb * 8
            for j in range(8):
                acc_l = _row_update(buf, rbase + j, x_regs, xnsq_vec, acc_l)
            return tuple(acc_l)

        return list(lax.fori_loop(0, CHUNK // 8, row_block, tuple(acc)))

    start_dma(0, buf0, sem0)

    def pair_body(p, acc):
        c0 = p * 2
        start_dma(c0 + 1, buf1, sem1)
        wait_dma(buf0, sem0)
        acc = compute_chunk(buf0, list(acc))

        @pl.when(c0 + 2 < nchunks)
        def _():
            start_dma(c0 + 2, buf0, sem0)

        wait_dma(buf1, sem1)
        acc = compute_chunk(buf1, acc)
        return tuple(acc)

    acc0 = tuple(jnp.zeros((L,), jnp.float32) for _ in range(NK))
    acc = lax.fori_loop(0, nchunks // 2, pair_body, acc0)

    for k in range(NK):
        accv[pl.ds(k * L, L)] = acc[k]
    pltpu.make_async_copy(accv, part_hbm.at[wid], semx).start()
    pltpu.make_async_copy(accv, part_hbm.at[wid], semx).wait()


def _combine_body(sc_ref, tc_ref, out_ref):
    s = jnp.sum(sc_ref[...], axis=0) + tc_ref[0, :]
    out_ref[...] = (s / jnp.max(jnp.abs(s)))[None, :]


@jax.jit
def kernel(x, mem):
    x2 = x.reshape(1, POOL_DIM)
    mesh = plsc.VectorSubcoreMesh(core_axis_name="c", subcore_axis_name="s")
    sc_parts = pl.kernel(
        _sc_body,
        out_type=jax.ShapeDtypeStruct((NWORKERS, POOL_DIM), jnp.float32),
        mesh=mesh,
        compiler_params=pltpu.CompilerParams(needs_layout_passes=False, has_side_effects=False, skip_device_barrier=True),
        scratch_types=[
            pltpu.VMEM((POOL_DIM,), jnp.float32),
            pltpu.VMEM((CHUNK, POOL_DIM), jnp.float32),
            pltpu.VMEM((CHUNK, POOL_DIM), jnp.float32),
            pltpu.VMEM((POOL_DIM,), jnp.float32),
            pltpu.SemaphoreType.DMA,
            pltpu.SemaphoreType.DMA,
            pltpu.SemaphoreType.DMA,
        ],
    )(x, mem)
    tc_part = pl.pallas_call(
        _tc_body,
        grid=(TC_GRID,),
        in_specs=[
            pl.BlockSpec((1, POOL_DIM), lambda i: (0, 0)),
            pl.BlockSpec((TC_BLOCK, POOL_DIM), lambda i: (i, 0)),
        ],
        out_specs=pl.BlockSpec((1, POOL_DIM), lambda i: (0, 0)),
        out_shape=jax.ShapeDtypeStruct((1, POOL_DIM), jnp.float32),
        scratch_shapes=[pltpu.VMEM((1, POOL_DIM), jnp.float32)],
    )(x2, mem)
    out = pl.pallas_call(
        _combine_body,
        out_shape=jax.ShapeDtypeStruct((1, POOL_DIM), jnp.float32),
    )(sc_parts, tc_part)
    return out.reshape(POOL_DIM)

# --- scband reference (transcript-rebuilt; emitter-appended) ---
"""Pipeline reference for scband-my-hippo-13022340841659 (READ-ONLY COPY).

The authoritative reference and input builder live on the scoring server;
editing this copy changes nothing except your own understanding.
"""

import jax, jax.numpy as jnp
import numpy as np

POOL_SIZE = 100000
POOL_DIM = 128
EPS = 1e-8

def setup_inputs(seed: int = 0) -> dict:
    key = jax.random.key(seed)
    kx, km = jax.random.split(key)
    x = jax.random.normal(kx, (POOL_DIM,), dtype=jnp.float32)
    # memPool: poolSize independent randn(poolDim) vectors, stacked as a matrix
    mem = jax.random.normal(km, (POOL_SIZE, POOL_DIM), dtype=jnp.float32)
    return {"x": x, "mem": mem}

def reference(x, mem):
    # Faithful vectorization of myHippo.resonancer:
    #   for each memory row i:
    #     sim_i = cosine_similarity(x, mem_i)   (torch eps=1e-8)
    #     outputBuffer += sim_i * mem_i          (uses mem_i BEFORE its in-place update)
    #   return outputBuffer / outputBuffer.abs().max()
    xn = jnp.maximum(jnp.linalg.norm(x), EPS)
    mn = jnp.maximum(jnp.linalg.norm(mem, axis=1), EPS)
    sims = (mem @ x) / (mn * xn)          # [poolSize] cosine similarities
    out = sims @ mem                       # sum_i sim_i * mem_i  -> [poolDim]
    out = out / jnp.max(jnp.abs(out))
    return out

if __name__ == "__main__":
    import jax
    _d = setup_inputs()
    print(jax.jit(kernel)(*tuple(_d.values())))

</pallas_src>

<mosaic_0001>
#map = affine_map<(d0, d1) -> (0)>
#map1 = affine_map<(d0, d1) -> (0, 0)>
module attributes {stable_mosaic.version = 14 : i64} {
  func.func @_sc_body(%arg0: i32, %arg1: i32, %arg2: memref<128xf32, #tpu.memory_space<hbm>>, %arg3: memref<100000x128xf32, #tpu.memory_space<hbm>>, %arg4: memref<32x128xf32, #tpu.memory_space<hbm>>, %arg5: memref<128xf32, #tpu.memory_space<vmem>>, %arg6: memref<80x128xf32, #tpu.memory_space<vmem>>, %arg7: memref<80x128xf32, #tpu.memory_space<vmem>>, %arg8: memref<128xf32, #tpu.memory_space<vmem>>, %arg9: memref<!tpu.dma_semaphore, #tpu.memory_space<semaphore_mem>>, %arg10: memref<!tpu.dma_semaphore, #tpu.memory_space<semaphore_mem>>, %arg11: memref<!tpu.dma_semaphore, #tpu.memory_space<semaphore_mem>>) attributes {dimension_semantics = [#tpu.dimension_semantics<core_parallel>, #tpu.dimension_semantics<subcore_parallel>], iteration_bounds = array<i64: 2, 16>, scalar_prefetch = 0 : i64, scratch_operands = 7 : i64, tpu.core_type = #tpu.core_type<sc_vector_subcore>, window_params = [{transform_indices = #map}, {transform_indices = #map1}, {transform_indices = #map1}]} {
    %mul3A = arith.constant 2 : i32
    %mul3A_0 = arith.muli %arg1, %mul3A : i32
    %add3A = arith.addi %mul3A_0, %arg0 : i32
    %mul3A_1 = arith.constant 800 : i32
    %mul3A_2 = arith.muli %add3A, %mul3A_1 : i32
    %add3A_3 = arith.constant 74400 : i32
    %add3A_4 = arith.addi %add3A_3, %mul3A_2 : i32
    tpu.enqueue_dma source(%arg2 : memref<128xf32, #tpu.memory_space<hbm>>) target(%arg5 : memref<128xf32, #tpu.memory_space<vmem>>) target_semaphore(%arg11 : memref<!tpu.dma_semaphore, #tpu.memory_space<semaphore_mem>>)
    tpu.wait_dma2 semaphore(%arg11 : memref<!tpu.dma_semaphore, #tpu.memory_space<semaphore_mem>>) src(%arg2 : memref<128xf32, #tpu.memory_space<hbm>>) dst(%arg5 : memref<128xf32, #tpu.memory_space<vmem>>)
    %get3A = arith.constant 0 : index
    %get3A_5 = tpu.vector_load %arg5[%get3A] {strides = array<i32>} : memref<128xf32, #tpu.memory_space<vmem>>, vector<16xf32>,
    %get3A_6 = arith.constant 16 : index
    %get3A_7 = tpu.vector_load %arg5[%get3A_6] {strides = array<i32>} : memref<128xf32, #tpu.memory_space<vmem>>, vector<16xf32>,
    %get3A_8 = arith.constant 32 : index
    %get3A_9 = tpu.vector_load %arg5[%get3A_8] {strides = array<i32>} : memref<128xf32, #tpu.memory_space<vmem>>, vector<16xf32>,
    %get3A_10 = arith.constant 48 : index
    %get3A_11 = tpu.vector_load %arg5[%get3A_10] {strides = array<i32>} : memref<128xf32, #tpu.memory_space<vmem>>, vector<16xf32>,
    %get3A_12 = arith.constant 64 : index
    %get3A_13 = tpu.vector_load %arg5[%get3A_12] {strides = array<i32>} : memref<128xf32, #tpu.memory_space<vmem>>, vector<16xf32>,
    %get3A_14 = arith.constant 80 : index
    %get3A_15 = tpu.vector_load %arg5[%get3A_14] {strides = array<i32>} : memref<128xf32, #tpu.memory_space<vmem>>, vector<16xf32>,
    %get3A_16 = arith.constant 96 : index
    %get3A_17 = tpu.vector_load %arg5[%get3A_16] {strides = array<i32>} : memref<128xf32, #tpu.memory_space<vmem>>, vector<16xf32>,
    %get3A_18 = arith.constant 112 : index
    %get3A_19 = tpu.vector_load %arg5[%get3A_18] {strides = array<i32>} : memref<128xf32, #tpu.memory_space<vmem>>, vector<16xf32>,
    %mul3A_20 = arith.mulf %get3A_5, %get3A_5 : vector<16xf32>
    %mul3A_21 = arith.mulf %get3A_7, %get3A_7 : vector<16xf32>
    %add3A_22 = arith.addf %mul3A_20, %mul3A_21 : vector<16xf32>
    %mul3A_23 = arith.mulf %get3A_9, %get3A_9 : vector<16xf32>
    %add3A_24 = arith.addf %add3A_22, %mul3A_23 : vector<16xf32>
    %mul3A_25 = arith.mulf %get3A_11, %get3A_11 : vector<16xf32>
    %add3A_26 = arith.addf %add3A_24, %mul3A_25 : vector<16xf32>
    %mul3A_27 = arith.mulf %get3A_13, %get3A_13 : vector<16xf32>
    %add3A_28 = arith.addf %add3A_26, %mul3A_27 : vector<16xf32>
    %mul3A_29 = arith.mulf %get3A_15, %get3A_15 : vector<16xf32>
    %add3A_30 = arith.addf %add3A_28, %mul3A_29 : vector<16xf32>
    %mul3A_31 = arith.mulf %get3A_17, %get3A_17 : vector<16xf32>
    %add3A_32 = arith.addf %add3A_30, %mul3A_31 : vector<16xf32>
    %mul3A_33 = arith.mulf %get3A_19, %get3A_19 : vector<16xf32>
    %add3A_34 = arith.addf %add3A_32, %mul3A_33 : vector<16xf32>
    %reduce_sum3A = arith.constant true
    %reduce_sum3A_35 = vector.broadcast %reduce_sum3A : i1 to vector<16xi1>
    %reduce_sum3A_36 = tpu.scan <sum>, %add3A_34 masked %reduce_sum3A_35 : vector<16xf32>, vector<16xi1> -> vector<16xf32>
    %reduce_sum3A_37 = vector.extract %reduce_sum3A_36[15] : f32 from vector<16xf32>
    %broadcast_in_dim3A = vector.broadcast %reduce_sum3A_37 : f32 to vector<16xf32>
    %max3A = arith.constant 1.000000e-16 : f32
    %max3A_38 = vector.broadcast %max3A : f32 to vector<16xf32>
    %max3A_39 = arith.maximumf %broadcast_in_dim3A, %max3A_38 : vector<16xf32>
    %add3A_40 = arith.constant 0 : i32
    %add3A_41 = arith.addi %add3A_4, %add3A_40 : i32
    %dma_start3A = arith.constant 0 : i32
    %dma_start3A_42 = tpu.memref_slice %arg3[%add3A_41, %dma_start3A] : memref<100000x128xf32, #tpu.memory_space<hbm>> -> memref<80x128xf32, #tpu.memory_space<hbm>>
    %dma_start3A_43 = arith.constant 0 : i32
    %dma_start3A_44 = tpu.memref_slice %arg3[%add3A_41, %dma_start3A_43] : memref<100000x128xf32, #tpu.memory_space<hbm>> -> memref<80x128xf32, #tpu.memory_space<hbm>>
    tpu.enqueue_dma source(%dma_start3A_44 : memref<80x128xf32, #tpu.memory_space<hbm>>) target(%arg6 : memref<80x128xf32, #tpu.memory_space<vmem>>) target_semaphore(%arg9 : memref<!tpu.dma_semaphore, #tpu.memory_space<semaphore_mem>>)
    %broadcast_in_dim3A_45 = arith.constant 0.000000e+00 : f32
    %broadcast_in_dim3A_46 = vector.broadcast %broadcast_in_dim3A_45 : f32 to vector<16xf32>
    %broadcast_in_dim3A_47 = arith.constant 0.000000e+00 : f32
    %broadcast_in_dim3A_48 = vector.broadcast %broadcast_in_dim3A_47 : f32 to vector<16xf32>
    %broadcast_in_dim3A_49 = arith.constant 0.000000e+00 : f32
    %broadcast_in_dim3A_50 = vector.broadcast %broadcast_in_dim3A_49 : f32 to vector<16xf32>
    %broadcast_in_dim3A_51 = arith.constant 0.000000e+00 : f32
    %broadcast_in_dim3A_52 = vector.broadcast %broadcast_in_dim3A_51 : f32 to vector<16xf32>
    %broadcast_in_dim3A_53 = arith.constant 0.000000e+00 : f32
    %broadcast_in_dim3A_54 = vector.broadcast %broadcast_in_dim3A_53 : f32 to vector<16xf32>
    %broadcast_in_dim3A_55 = arith.constant 0.000000e+00 : f32
    %broadcast_in_dim3A_56 = vector.broadcast %broadcast_in_dim3A_55 : f32 to vector<16xf32>
    %broadcast_in_dim3A_57 = arith.constant 0.000000e+00 : f32
    %broadcast_in_dim3A_58 = vector.broadcast %broadcast_in_dim3A_57 : f32 to vector<16xf32>
    %broadcast_in_dim3A_59 = arith.constant 0.000000e+00 : f32
    %broadcast_in_dim3A_60 = vector.broadcast %broadcast_in_dim3A_59 : f32 to vector<16xf32>
    %scan3A = arith.constant 0 : i32
    %scan3A_61 = arith.constant 5 : i32
    %scan3A_62 = arith.addi %scan3A, %scan3A_61 : i32
    %scan3A_63 = arith.constant 1 : i32
    %scan3A_64:8 = scf.for %scan3A_92 = %scan3A to %scan3A_62 step %scan3A_63 iter_args(%scan3A_93 = %broadcast_in_dim3A_46, %scan3A_94 = %broadcast_in_dim3A_48, %scan3A_95 = %broadcast_in_dim3A_50, %scan3A_96 = %broadcast_in_dim3A_52, %scan3A_97 = %broadcast_in_dim3A_54, %scan3A_98 = %broadcast_in_dim3A_56, %scan3A_99 = %broadcast_in_dim3A_58, %scan3A_100 = %broadcast_in_dim3A_60) -> (vector<16xf32>, vector<16xf32>, vector<16xf32>, vector<16xf32>, vector<16xf32>, vector<16xf32>, vector<16xf32>, vector<16xf32>)  : i32 {
      %mul3A_101 = arith.constant 2 : i32
      %mul3A_102 = arith.muli %scan3A_92, %mul3A_101 : i32
      %add3A_103 = arith.constant 1 : i32
      %add3A_104 = arith.addi %mul3A_102, %add3A_103 : i32
      %mul3A_105 = arith.constant 80 : i32
      %mul3A_106 = arith.muli %add3A_104, %mul3A_105 : i32
      %add3A_107 = arith.addi %add3A_4, %mul3A_106 : i32
      %dma_start3A_108 = arith.constant 0 : i32
      %dma_start3A_109 = tpu.memref_slice %arg3[%add3A_107, %dma_start3A_108] : memref<100000x128xf32, #tpu.memory_space<hbm>> -> memref<80x128xf32, #tpu.memory_space<hbm>>
      %dma_start3A_110 = arith.constant 0 : i32
      %dma_start3A_111 = tpu.memref_slice %arg3[%add3A_107, %dma_start3A_110] : memref<100000x128xf32, #tpu.memory_space<hbm>> -> memref<80x128xf32, #tpu.memory_space<hbm>>
      tpu.enqueue_dma source(%dma_start3A_111 : memref<80x128xf32, #tpu.memory_space<hbm>>) target(%arg7 : memref<80x128xf32, #tpu.memory_space<vmem>>) target_semaphore(%arg10 : memref<!tpu.dma_semaphore, #tpu.memory_space<semaphore_mem>>)
      %dma_wait3A_112 = arith.constant 0 : i32
      %dma_wait3A_113 = arith.constant 0 : i32
      %dma_wait3A_114 = tpu.memref_slice %arg3[%dma_wait3A_112, %dma_wait3A_113] : memref<100000x128xf32, #tpu.memory_space<hbm>> -> memref<80x128xf32, #tpu.memory_space<hbm>>
      %dma_wait3A_115 = arith.constant 0 : i32
      %dma_wait3A_116 = arith.constant 0 : i32
      %dma_wait3A_117 = tpu.memref_slice %arg3[%dma_wait3A_115, %dma_wait3A_116] : memref<100000x128xf32, #tpu.memory_space<hbm>> -> memref<80x128xf32, #tpu.memory_space<hbm>>
      tpu.wait_dma2 semaphore(%arg9 : memref<!tpu.dma_semaphore, #tpu.memory_space<semaphore_mem>>) src(%dma_wait3A_117 : memref<80x128xf32, #tpu.memory_space<hbm>>) dst(%arg6 : memref<80x128xf32, #tpu.memory_space<vmem>>)
      %scan3A_118 = arith.constant 0 : i32
      %scan3A_119 = arith.constant 10 : i32
      %scan3A_120 = arith.addi %scan3A_118, %scan3A_119 : i32
      %scan3A_121 = arith.constant 1 : i32
      %scan3A_122:8 = scf.for %scan3A_140 = %scan3A_118 to %scan3A_120 step %scan3A_121 iter_args(%scan3A_141 = %scan3A_93, %scan3A_142 = %scan3A_94, %scan3A_143 = %scan3A_95, %scan3A_144 = %scan3A_96, %scan3A_145 = %scan3A_97, %scan3A_146 = %scan3A_98, %scan3A_147 = %scan3A_99, %scan3A_148 = %scan3A_100) -> (vector<16xf32>, vector<16xf32>, vector<16xf32>, vector<16xf32>, vector<16xf32>, vector<16xf32>, vector<16xf32>, vector<16xf32>)  : i32 {
        %mul3A_149 = arith.constant 8 : i32
        %mul3A_150 = arith.muli %scan3A_140, %mul3A_149 : i32
        %add3A_151 = arith.constant 0 : i32
        %add3A_152 = arith.addi %mul3A_150, %add3A_151 : i32
        %get3A_153 = arith.index_cast %add3A_152 : i32 to index
        %get3A_154 = arith.constant 0 : index
        %get3A_155 = tpu.vector_load %arg6[%get3A_153, %get3A_154] {strides = array<i32>} : memref<80x128xf32, #tpu.memory_space<vmem>>, vector<16xf32>,
        %get3A_156 = arith.index_cast %add3A_152 : i32 to index
        %get3A_157 = arith.constant 16 : index
        %get3A_158 = tpu.vector_load %arg6[%get3A_156, %get3A_157] {strides = array<i32>} : memref<80x128xf32, #tpu.memory_space<vmem>>, vector<16xf32>,
        %get3A_159 = arith.index_cast %add3A_152 : i32 to index
        %get3A_160 = arith.constant 32 : index
        %get3A_161 = tpu.vector_load %arg6[%get3A_159, %get3A_160] {strides = array<i32>} : memref<80x128xf32, #tpu.memory_space<vmem>>, vector<16xf32>,
        %get3A_162 = arith.index_cast %add3A_152 : i32 to index
        %get3A_163 = arith.constant 48 : index
        %get3A_164 = tpu.vector_load %arg6[%get3A_162, %get3A_163] {strides = array<i32>} : memref<80x128xf32, #tpu.memory_space<vmem>>, vector<16xf32>,
        %get3A_165 = arith.index_cast %add3A_152 : i32 to index
        %get3A_166 = arith.constant 64 : index
        %get3A_167 = tpu.vector_load %arg6[%get3A_165, %get3A_166] {strides = array<i32>} : memref<80x128xf32, #tpu.memory_space<vmem>>, vector<16xf32>,
        %get3A_168 = arith.index_cast %add3A_152 : i32 to index
        %get3A_169 = arith.constant 80 : index
        %get3A_170 = tpu.vector_load %arg6[%get3A_168, %get3A_169] {strides = array<i32>} : memref<80x128xf32, #tpu.memory_space<vmem>>, vector<16xf32>,
        %get3A_171 = arith.index_cast %add3A_152 : i32 to index
        %get3A_172 = arith.constant 96 : index
        %get3A_173 = tpu.vector_load %arg6[%get3A_171, %get3A_172] {strides = array<i32>} : memref<80x128xf32, #tpu.memory_space<vmem>>, vector<16xf32>,
        %get3A_174 = arith.index_cast %add3A_152 : i32 to index
        %get3A_175 = arith.constant 112 : index
        %get3A_176 = tpu.vector_load %arg6[%get3A_174, %get3A_175] {strides = array<i32>} : memref<80x128xf32, #tpu.memory_space<vmem>>, vector<16xf32>,
        %mul3A_177 = arith.mulf %get3A_155, %get3A_5 : vector<16xf32>
        %mul3A_178 = arith.mulf %get3A_155, %get3A_155 : vector<16xf32>
        %mul3A_179 = arith.mulf %get3A_158, %get3A_7 : vector<16xf32>
        %add3A_180 = arith.addf %mul3A_177, %mul3A_179 : vector<16xf32>
        %mul3A_181 = arith.mulf %get3A_158, %get3A_158 : vector<16xf32>
        %add3A_182 = arith.addf %mul3A_178, %mul3A_181 : vector<16xf32>
        %mul3A_183 = arith.mulf %get3A_161, %get3A_9 : vector<16xf32>
        %add3A_184 = arith.addf %add3A_180, %mul3A_183 : vector<16xf32>
        %mul3A_185 = arith.mulf %get3A_161, %get3A_161 : vector<16xf32>
        %add3A_186 = arith.addf %add3A_182, %mul3A_185 : vector<16xf32>
        %mul3A_187 = arith.mulf %get3A_164, %get3A_11 : vector<16xf32>
        %add3A_188 = arith.addf %add3A_184, %mul3A_187 : vector<16xf32>
        %mul3A_189 = arith.mulf %get3A_164, %get3A_164 : vector<16xf32>
        %add3A_190 = arith.addf %add3A_186, %mul3A_189 : vector<16xf32>
        %mul3A_191 = arith.mulf %get3A_167, %get3A_13 : vector<16xf32>
        %add3A_192 = arith.addf %add3A_188, %mul3A_191 : vector<16xf32>
        %mul3A_193 = arith.mulf %get3A_167, %get3A_167 : vector<16xf32>
        %add3A_194 = arith.addf %add3A_190, %mul3A_193 : vector<16xf32>
        %mul3A_195 = arith.mulf %get3A_170, %get3A_15 : vector<16xf32>
        %add3A_196 = arith.addf %add3A_192, %mul3A_195 : vector<16xf32>
        %mul3A_197 = arith.mulf %get3A_170, %get3A_170 : vector<16xf32>
        %add3A_198 = arith.addf %add3A_194, %mul3A_197 : vector<16xf32>
        %mul3A_199 = arith.mulf %get3A_173, %get3A_17 : vector<16xf32>
        %add3A_200 = arith.addf %add3A_196, %mul3A_199 : vector<16xf32>
        %mul3A_201 = arith.mulf %get3A_173, %get3A_173 : vector<16xf32>
        %add3A_202 = arith.addf %add3A_198, %mul3A_201 : vector<16xf32>
        %mul3A_203 = arith.mulf %get3A_176, %get3A_19 : vector<16xf32>
        %add3A_204 = arith.addf %add3A_200, %mul3A_203 : vector<16xf32>
        %mul3A_205 = arith.mulf %get3A_176, %get3A_176 : vector<16xf32>
        %add3A_206 = arith.addf %add3A_202, %mul3A_205 : vector<16xf32>
        %reduce_sum3A_207 = arith.constant true
        %reduce_sum3A_208 = vector.broadcast %reduce_sum3A_207 : i1 to vector<16xi1>
        %reduce_sum3A_209 = tpu.scan <sum>, %add3A_204 masked %reduce_sum3A_208 : vector<16xf32>, vector<16xi1> -> vector<16xf32>
        %reduce_sum3A_210 = vector.extract %reduce_sum3A_209[15] : f32 from vector<16xf32>
        %broadcast_in_dim3A_211 = vector.broadcast %reduce_sum3A_210 : f32 to vector<16xf32>
        %reduce_sum3A_212 = arith.constant true
        %reduce_sum3A_213 = vector.broadcast %reduce_sum3A_212 : i1 to vector<16xi1>
        %reduce_sum3A_214 = tpu.scan <sum>, %add3A_206 masked %reduce_sum3A_213 : vector<16xf32>, vector<16xi1> -> vector<16xf32>
        %reduce_sum3A_215 = vector.extract %reduce_sum3A_214[15] : f32 from vector<16xf32>
        %broadcast_in_dim3A_216 = vector.broadcast %reduce_sum3A_215 : f32 to vector<16xf32>
        %max3A_217 = arith.constant 1.000000e-16 : f32
        %max3A_218 = vector.broadcast %max3A_217 : f32 to vector<16xf32>
        %max3A_219 = arith.maximumf %broadcast_in_dim3A_216, %max3A_218 : vector<16xf32>
        %mul3A_220 = arith.mulf %max3A_219, %max3A_39 : vector<16xf32>
        %bitcast3A = vector.bitcast %mul3A_220 : vector<16xf32> to vector<16xi32>
        %shift_right_logical3A = arith.constant 1 : i32
        %shift_right_logical3A_221 = vector.broadcast %shift_right_logical3A : i32 to vector<16xi32>
        %shift_right_logical3A_222 = arith.shrui %bitcast3A, %shift_right_logical3A_221 : vector<16xi32>
        %sub3A = arith.constant 1597463007 : i32
        %sub3A_223 = vector.broadcast %sub3A : i32 to vector<16xi32>
        %sub3A_224 = arith.subi %sub3A_223, %shift_right_logical3A_222 : vector<16xi32>
        %bitcast3A_225 = vector.bitcast %sub3A_224 : vector<16xi32> to vector<16xf32>
        %mul3A_226 = arith.constant 5.000000e-01 : f32
        %mul3A_227 = vector.broadcast %mul3A_226 : f32 to vector<16xf32>
        %mul3A_228 = arith.mulf %mul3A_227, %mul3A_220 : vector<16xf32>
        %mul3A_229 = arith.mulf %mul3A_228, %bitcast3A_225 : vector<16xf32>
        %mul3A_230 = arith.mulf %mul3A_229, %bitcast3A_225 : vector<16xf32>
        %sub3A_231 = arith.constant 1.500000e+00 : f32
        %sub3A_232 = vector.broadcast %sub3A_231 : f32 to vector<16xf32>
        %sub3A_233 = arith.subf %sub3A_232, %mul3A_230 : vector<16xf32>
        %mul3A_234 = arith.mulf %bitcast3A_225, %sub3A_233 : vector<16xf32>
        %mul3A_235 = arith.mulf %broadcast_in_dim3A_211, %mul3A_234 : vector<16xf32>
        %mul3A_236 = arith.mulf %mul3A_235, %get3A_155 : vector<16xf32>
        %add3A_237 = arith.addf %scan3A_141, %mul3A_236 : vector<16xf32>
        %mul3A_238 = arith.mulf %mul3A_235, %get3A_158 : vector<16xf32>
        %add3A_239 = arith.addf %scan3A_142, %mul3A_238 : vector<16xf32>
        %mul3A_240 = arith.mulf %mul3A_235, %get3A_161 : vector<16xf32>
        %add3A_241 = arith.addf %scan3A_143, %mul3A_240 : vector<16xf32>
        %mul3A_242 = arith.mulf %mul3A_235, %get3A_164 : vector<16xf32>
        %add3A_243 = arith.addf %scan3A_144, %mul3A_242 : vector<16xf32>
        %mul3A_244 = arith.mulf %mul3A_235, %get3A_167 : vector<16xf32>
        %add3A_245 = arith.addf %scan3A_145, %mul3A_244 : vector<16xf32>
        %mul3A_246 = arith.mulf %mul3A_235, %get3A_170 : vector<16xf32>
        %add3A_247 = arith.addf %scan3A_146, %mul3A_246 : vector<16xf32>
        %mul3A_248 = arith.mulf %mul3A_235, %get3A_173 : vector<16xf32>
        %add3A_249 = arith.addf %scan3A_147, %mul3A_248 : vector<16xf32>
        %mul3A_250 = arith.mulf %mul3A_235, %get3A_176 : vector<16xf32>
        %add3A_251 = arith.addf %scan3A_148, %mul3A_250 : vector<16xf32>
        %add3A_252 = arith.constant 1 : i32
        %add3A_253 = arith.addi %mul3A_150, %add3A_252 : i32
        %get3A_254 = arith.index_cast %add3A_253 : i32 to index
        %get3A_255 = arith.constant 0 : index
        %get3A_256 = tpu.vector_load %arg6[%get3A_254, %get3A_255] {strides = array<i32>} : memref<80x128xf32, #tpu.memory_space<vmem>>, vector<16xf32>,
        %get3A_257 = arith.index_cast %add3A_253 : i32 to index
        %get3A_258 = arith.constant 16 : index
        %get3A_259 = tpu.vector_load %arg6[%get3A_257, %get3A_258] {strides = array<i32>} : memref<80x128xf32, #tpu.memory_space<vmem>>, vector<16xf32>,
        %get3A_260 = arith.index_cast %add3A_253 : i32 to index
        %get3A_261 = arith.constant 32 : index
        %get3A_262 = tpu.vector_load %arg6[%get3A_260, %get3A_261] {strides = array<i32>} : memref<80x128xf32, #tpu.memory_space<vmem>>, vector<16xf32>,
        %get3A_263 = arith.index_cast %add3A_253 : i32 to index
        %get3A_264 = arith.constant 48 : index
        %get3A_265 = tpu.vector_load %arg6[%get3A_263, %get3A_264] {strides = array<i32>} : memref<80x128xf32, #tpu.memory_space<vmem>>, vector<16xf32>,
        %get3A_266 = arith.index_cast %add3A_253 : i32 to index
        %get3A_267 = arith.constant 64 : index
        %get3A_268 = tpu.vector_load %arg6[%get3A_266, %get3A_267] {strides = array<i32>} : memref<80x128xf32, #tpu.memory_space<vmem>>, vector<16xf32>,
        %get3A_269 = arith.index_cast %add3A_253 : i32 to index
        %get3A_270 = arith.constant 80 : index
        %get3A_271 = tpu.vector_load %arg6[%get3A_269, %get3A_270] {strides = array<i32>} : memref<80x128xf32, #tpu.memory_space<vmem>>, vector<16xf32>,
        %get3A_272 = arith.index_cast %add3A_253 : i32 to index
        %get3A_273 = arith.constant 96 : index
        %get3A_274 = tpu.vector_load %arg6[%get3A_272, %get3A_273] {strides = array<i32>} : memref<80x128xf32, #tpu.memory_space<vmem>>, vector<16xf32>,
        %get3A_275 = arith.index_cast %add3A_253 : i32 to index
        %get3A_276 = arith.constant 112 : index
        %get3A_277 = tpu.vector_load %arg6[%get3A_275, %get3A_276] {strides = array<i32>} : memref<80x128xf32, #tpu.memory_space<vmem>>, vector<16xf32>,
        %mul3A_278 = arith.mulf %get3A_256, %get3A_5 : vector<16xf32>
        %mul3A_279 = arith.mulf %get3A_256, %get3A_256 : vector<16xf32>
        %mul3A_280 = arith.mulf %get3A_259, %get3A_7 : vector<16xf32>
        %add3A_281 = arith.addf %mul3A_278, %mul3A_280 : vector<16xf32>
        %mul3A_282 = arith.mulf %get3A_259, %get3A_259 : vector<16xf32>
        %add3A_283 = arith.addf %mul3A_279, %mul3A_282 : vector<16xf32>
        %mul3A_284 = arith.mulf %get3A_262, %get3A_9 : vector<16xf32>
        %add3A_285 = arith.addf %add3A_281, %mul3A_284 : vector<16xf32>
        %mul3A_286 = arith.mulf %get3A_262, %get3A_262 : vector<16xf32>
        %add3A_287 = arith.addf %add3A_283, %mul3A_286 : vector<16xf32>
        %mul3A_288 = arith.mulf %get3A_265, %get3A_11 : vector<16xf32>
        %add3A_289 = arith.addf %add3A_285, %mul3A_288 : vector<16xf32>
        %mul3A_290 = arith.mulf %get3A_265, %get3A_265 : vector<16xf32>
        %add3A_291 = arith.addf %add3A_287, %mul3A_290 : vector<16xf32>
        %mul3A_292 = arith.mulf %get3A_268, %get3A_13 : vector<16xf32>
        %add3A_293 = arith.addf %add3A_289, %mul3A_292 : vector<16xf32>
        %mul3A_294 = arith.mulf %get3A_268, %get3A_268 : vector<16xf32>
        %add3A_295 = arith.addf %add3A_291, %mul3A_294 : vector<16xf32>
        %mul3A_296 = arith.mulf %get3A_271, %get3A_15 : vector<16xf32>
        %add3A_297 = arith.addf %add3A_293, %mul3A_296 : vector<16xf32>
        %mul3A_298 = arith.mulf %get3A_271, %get3A_271 : vector<16xf32>
        %add3A_299 = arith.addf %add3A_295, %mul3A_298 : vector<16xf32>
        %mul3A_300 = arith.mulf %get3A_274, %get3A_17 : vector<16xf32>
        %add3A_301 = arith.addf %add3A_297, %mul3A_300 : vector<16xf32>
        %mul3A_302 = arith.mulf %get3A_274, %get3A_274 : vector<16xf32>
        %add3A_303 = arith.addf %add3A_299, %mul3A_302 : vector<16xf32>
        %mul3A_304 = arith.mulf %get3A_277, %get3A_19 : vector<16xf32>
        %add3A_305 = arith.addf %add3A_301, %mul3A_304 : vector<16xf32>
        %mul3A_306 = arith.mulf %get3A_277, %get3A_277 : vector<16xf32>
        %add3A_307 = arith.addf %add3A_303, %mul3A_306 : vector<16xf32>
        %reduce_sum3A_308 = arith.constant true
        %reduce_sum3A_309 = vector.broadcast %reduce_sum3A_308 : i1 to vector<16xi1>
        %reduce_sum3A_310 = tpu.scan <sum>, %add3A_305 masked %reduce_sum3A_309 : vector<16xf32>, vector<16xi1> -> vector<16xf32>
        %reduce_sum3A_311 = vector.extract %reduce_sum3A_310[15] : f32 from vector<16xf32>
        %broadcast_in_dim3A_312 = vector.broadcast %reduce_sum3A_311 : f32 to vector<16xf32>
        %reduce_sum3A_313 = arith.constant true
        %reduce_sum3A_314 = vector.broadcast %reduce_sum3A_313 : i1 to vector<16xi1>
        %reduce_sum3A_315 = tpu.scan <sum>, %add3A_307 masked %reduce_sum3A_314 : vector<16xf32>, vector<16xi1> -> vector<16xf32>
        %reduce_sum3A_316 = vector.extract %reduce_sum3A_315[15] : f32 from vector<16xf32>
        %broadcast_in_dim3A_317 = vector.broadcast %reduce_sum3A_316 : f32 to vector<16xf32>
        %max3A_318 = arith.constant 1.000000e-16 : f32
        %max3A_319 = vector.broadcast %max3A_318 : f32 to vector<16xf32>
        %max3A_320 = arith.maximumf %broadcast_in_dim3A_317, %max3A_319 : vector<16xf32>
        %mul3A_321 = arith.mulf %max3A_320, %max3A_39 : vector<16xf32>
        %bitcast3A_322 = vector.bitcast %mul3A_321 : vector<16xf32> to vector<16xi32>
        %shift_right_logical3A_323 = arith.constant 1 : i32
        %shift_right_logical3A_324 = vector.broadcast %shift_right_logical3A_323 : i32 to vector<16xi32>
        %shift_right_logical3A_325 = arith.shrui %bitcast3A_322, %shift_right_logical3A_324 : vector<16xi32>
        %sub3A_326 = arith.constant 1597463007 : i32
        %sub3A_327 = vector.broadcast %sub3A_326 : i32 to vector<16xi32>
        %sub3A_328 = arith.subi %sub3A_327, %shift_right_logical3A_325 : vector<16xi32>
        %bitcast3A_329 = vector.bitcast %sub3A_328 : vector<16xi32> to vector<16xf32>
        %mul3A_330 = arith.constant 5.000000e-01 : f32
        %mul3A_331 = vector.broadcast %mul3A_330 : f32 to vector<16xf32>
        %mul3A_332 = arith.mulf %mul3A_331, %mul3A_321 : vector<16xf32>
        %mul3A_333 = arith.mulf %mul3A_332, %bitcast3A_329 : vector<16xf32>
        %mul3A_334 = arith.mulf %mul3A_333, %bitcast3A_329 : vector<16xf32>
        %sub3A_335 = arith.constant 1.500000e+00 : f32
        %sub3A_336 = vector.broadcast %sub3A_335 : f32 to vector<16xf32>
        %sub3A_337 = arith.subf %sub3A_336, %mul3A_334 : vector<16xf32>
        %mul3A_338 = arith.mulf %bitcast3A_329, %sub3A_337 : vector<16xf32>
        %mul3A_339 = arith.mulf %broadcast_in_dim3A_312, %mul3A_338 : vector<16xf32>
        %mul3A_340 = arith.mulf %mul3A_339, %get3A_256 : vector<16xf32>
        %add3A_341 = arith.addf %add3A_237, %mul3A_340 : vector<16xf32>
        %mul3A_342 = arith.mulf %mul3A_339, %get3A_259 : vector<16xf32>
        %add3A_343 = arith.addf %add3A_239, %mul3A_342 : vector<16xf32>
        %mul3A_344 = arith.mulf %mul3A_339, %get3A_262 : vector<16xf32>
        %add3A_345 = arith.addf %add3A_241, %mul3A_344 : vector<16xf32>
        %mul3A_346 = arith.mulf %mul3A_339, %get3A_265 : vector<16xf32>
        %add3A_347 = arith.addf %add3A_243, %mul3A_346 : vector<16xf32>
        %mul3A_348 = arith.mulf %mul3A_339, %get3A_268 : vector<16xf32>
        %add3A_349 = arith.addf %add3A_245, %mul3A_348 : vector<16xf32>
        %mul3A_350 = arith.mulf %mul3A_339, %get3A_271 : vector<16xf32>
        %add3A_351 = arith.addf %add3A_247, %mul3A_350 : vector<16xf32>
        %mul3A_352 = arith.mulf %mul3A_339, %get3A_274 : vector<16xf32>
        %add3A_353 = arith.addf %add3A_249, %mul3A_352 : vector<16xf32>
        %mul3A_354 = arith.mulf %mul3A_339, %get3A_277 : vector<16xf32>
        %add3A_355 = arith.addf %add3A_251, %mul3A_354 : vector<16xf32>
        %add3A_356 = arith.constant 2 : i32
        %add3A_357 = arith.addi %mul3A_150, %add3A_356 : i32
        %get3A_358 = arith.index_cast %add3A_357 : i32 to index
        %get3A_359 = arith.constant 0 : index
        %get3A_360 = tpu.vector_load %arg6[%get3A_358, %get3A_359] {strides = array<i32>} : memref<80x128xf32, #tpu.memory_space<vmem>>, vector<16xf32>,
        %get3A_361 = arith.index_cast %add3A_357 : i32 to index
        %get3A_362 = arith.constant 16 : index
        %get3A_363 = tpu.vector_load %arg6[%get3A_361, %get3A_362] {strides = array<i32>} : memref<80x128xf32, #tpu.memory_space<vmem>>, vector<16xf32>,
        %get3A_364 = arith.index_cast %add3A_357 : i32 to index
        %get3A_365 = arith.constant 32 : index
        %get3A_366 = tpu.vector_load %arg6[%get3A_364, %get3A_365] {strides = array<i32>} : memref<80x128xf32, #tpu.memory_space<vmem>>, vector<16xf32>,
        %get3A_367 = arith.index_cast %add3A_357 : i32 to index
        %get3A_368 = arith.constant 48 : index
        %get3A_369 = tpu.vector_load %arg6[%get3A_367, %get3A_368] {strides = array<i32>} : memref<80x128xf32, #tpu.memory_space<vmem>>, vector<16xf32>,
        %get3A_370 = arith.index_cast %add3A_357 : i32 to index
        %get3A_371 = arith.constant 64 : index
        %get3A_372 = tpu.vector_load %arg6[%get3A_370, %get3A_371] {strides = array<i32>} : memref<80x128xf32, #tpu.memory_space<vmem>>, vector<16xf32>,
        %get3A_373 = arith.index_cast %add3A_357 : i32 to index
        %get3A_374 = arith.constant 80 : index
        %get3A_375 = tpu.vector_load %arg6[%get3A_373, %get3A_374] {strides = array<i32>} : memref<80x128xf32, #tpu.memory_space<vmem>>, vector<16xf32>,
        %get3A_376 = arith.index_cast %add3A_357 : i32 to index
        %get3A_377 = arith.constant 96 : index
        %get3A_378 = tpu.vector_load %arg6[%get3A_376, %get3A_377] {strides = array<i32>} : memref<80x128xf32, #tpu.memory_space<vmem>>, vector<16xf32>,
        %get3A_379 = arith.index_cast %add3A_357 : i32 to index
        %get3A_380 = arith.constant 112 : index
        %get3A_381 = tpu.vector_load %arg6[%get3A_379, %get3A_380] {strides = array<i32>} : memref<80x128xf32, #tpu.memory_space<vmem>>, vector<16xf32>,
        %mul3A_382 = arith.mulf %get3A_360, %get3A_5 : vector<16xf32>
        %mul3A_383 = arith.mulf %get3A_360, %get3A_360 : vector<16xf32>
        %mul3A_384 = arith.mulf %get3A_363, %get3A_7 : vector<16xf32>
        %add3A_385 = arith.addf %mul3A_382, %mul3A_384 : vector<16xf32>
        %mul3A_386 = arith.mulf %get3A_363, %get3A_363 : vector<16xf32>
        %add3A_387 = arith.addf %mul3A_383, %mul3A_386 : vector<16xf32>
        %mul3A_388 = arith.mulf %get3A_366, %get3A_9 : vector<16xf32>
        %add3A_389 = arith.addf %add3A_385, %mul3A_388 : vector<16xf32>
        %mul3A_390 = arith.mulf %get3A_366, %get3A_366 : vector<16xf32>
        %add3A_391 = arith.addf %add3A_387, %mul3A_390 : vector<16xf32>
        %mul3A_392 = arith.mulf %get3A_369, %get3A_11 : vector<16xf32>
        %add3A_393 = arith.addf %add3A_389, %mul3A_392 : vector<16xf32>
        %mul3A_394 = arith.mulf %get3A_369, %get3A_369 : vector<16xf32>
        %add3A_395 = arith.addf %add3A_391, %mul3A_394 : vector<16xf32>
        %mul3A_396 = arith.mulf %get3A_372, %get3A_13 : vector<16xf32>
        %add3A_397 = arith.addf %add3A_393, %mul3A_396 : vector<16xf32>
        %mul3A_398 = arith.mulf %get3A_372, %get3A_372 : vector<16xf32>
        %add3A_399 = arith.addf %add3A_395, %mul3A_398 : vector<16xf32>
        %mul3A_400 = arith.mulf %get3A_375, %get3A_15 : vector<16xf32>
        %add3A_401 = arith.addf %add3A_397, %mul3A_400 : vector<16xf32>
        %mul3A_402 = arith.mulf %get3A_375, %get3A_375 : vector<16xf32>
        %add3A_403 = arith.addf %add3A_399, %mul3A_402 : vector<16xf32>
        %mul3A_404 = arith.mulf %get3A_378, %get3A_17 : vector<16xf32>
        %add3A_405 = arith.addf %add3A_401, %mul3A_404 : vector<16xf32>
        %mul3A_406 = arith.mulf %get3A_378, %get3A_378 : vector<16xf32>
        %add3A_407 = arith.addf %add3A_403, %mul3A_406 : vector<16xf32>
        %mul3A_408 = arith.mulf %get3A_381, %get3A_19 : vector<16xf32>
        %add3A_409 = arith.addf %add3A_405, %mul3A_408 : vector<16xf32>
        %mul3A_410 = arith.mulf %get3A_381, %get3A_381 : vector<16xf32>
        %add3A_411 = arith.addf %add3A_407, %mul3A_410 : vector<16xf32>
        %reduce_sum3A_412 = arith.constant true
        %reduce_sum3A_413 = vector.broadcast %reduce_sum3A_412 : i1 to vector<16xi1>
        %reduce_sum3A_414 = tpu.scan <sum>, %add3A_409 masked %reduce_sum3A_413 : vector<16xf32>, vector<16xi1> -> vector<16xf32>
        %reduce_sum3A_415 = vector.extract %reduce_sum3A_414[15] : f32 from vector<16xf32>
        %broadcast_in_dim3A_416 = vector.broadcast %reduce_sum3A_415 : f32 to vector<16xf32>
        %reduce_sum3A_417 = arith.constant true
        %reduce_sum3A_418 = vector.broadcast %reduce_sum3A_417 : i1 to vector<16xi1>
        %reduce_sum3A_419 = tpu.scan <sum>, %add3A_411 masked %reduce_sum3A_418 : vector<16xf32>, vector<16xi1> -> vector<16xf32>
        %reduce_sum3A_420 = vector.extract %reduce_sum3A_419[15] : f32 from vector<16xf32>
        %broadcast_in_dim3A_421 = vector.broadcast %reduce_sum3A_420 : f32 to vector<16xf32>
        %max3A_422 = arith.constant 1.000000e-16 : f32
        %max3A_423 = vector.broadcast %max3A_422 : f32 to vector<16xf32>
        %max3A_424 = arith.maximumf %broadcast_in_dim3A_421, %max3A_423 : vector<16xf32>
        %mul3A_425 = arith.mulf %max3A_424, %max3A_39 : vector<16xf32>
        %bitcast3A_426 = vector.bitcast %mul3A_425 : vector<16xf32> to vector<16xi32>
        %shift_right_logical3A_427 = arith.constant 1 : i32
        %shift_right_logical3A_428 = vector.broadcast %shift_right_logical3A_427 : i32 to vector<16xi32>
        %shift_right_logical3A_429 = arith.shrui %bitcast3A_426, %shift_right_logical3A_428 : vector<16xi32>
        %sub3A_430 = arith.constant 1597463007 : i32
        %sub3A_431 = vector.broadcast %sub3A_430 : i32 to vector<16xi32>
        %sub3A_432 = arith.subi %sub3A_431, %shift_right_logical3A_429 : vector<16xi32>
        %bitcast3A_433 = vector.bitcast %sub3A_432 : vector<16xi32> to vector<16xf32>
        %mul3A_434 = arith.constant 5.000000e-01 : f32
        %mul3A_435 = vector.broadcast %mul3A_434 : f32 to vector<16xf32>
        %mul3A_436 = arith.mulf %mul3A_435, %mul3A_425 : vector<16xf32>
        %mul3A_437 = arith.mulf %mul3A_436, %bitcast3A_433 : vector<16xf32>
        %mul3A_438 = arith.mulf %mul3A_437, %bitcast3A_433 : vector<16xf32>
        %sub3A_439 = arith.constant 1.500000e+00 : f32
        %sub3A_440 = vector.broadcast %sub3A_439 : f32 to vector<16xf32>
        %sub3A_441 = arith.subf %sub3A_440, %mul3A_438 : vector<16xf32>
        %mul3A_442 = arith.mulf %bitcast3A_433, %sub3A_441 : vector<16xf32>
        %mul3A_443 = arith.mulf %broadcast_in_dim3A_416, %mul3A_442 : vector<16xf32>
        %mul3A_444 = arith.mulf %mul3A_443, %get3A_360 : vector<16xf32>
        %add3A_445 = arith.addf %add3A_341, %mul3A_444 : vector<16xf32>
        %mul3A_446 = arith.mulf %mul3A_443, %get3A_363 : vector<16xf32>
        %add3A_447 = arith.addf %add3A_343, %mul3A_446 : vector<16xf32>
        %mul3A_448 = arith.mulf %mul3A_443, %get3A_366 : vector<16xf32>
        %add3A_449 = arith.addf %add3A_345, %mul3A_448 : vector<16xf32>
        %mul3A_450 = arith.mulf %mul3A_443, %get3A_369 : vector<16xf32>
        %add3A_451 = arith.addf %add3A_347, %mul3A_450 : vector<16xf32>
        %mul3A_452 = arith.mulf %mul3A_443, %get3A_372 : vector<16xf32>
        %add3A_453 = arith.addf %add3A_349, %mul3A_452 : vector<16xf32>
        %mul3A_454 = arith.mulf %mul3A_443, %get3A_375 : vector<16xf32>
        %add3A_455 = arith.addf %add3A_351, %mul3A_454 : vector<16xf32>
        %mul3A_456 = arith.mulf %mul3A_443, %get3A_378 : vector<16xf32>
        %add3A_457 = arith.addf %add3A_353, %mul3A_456 : vector<16xf32>
        %mul3A_458 = arith.mulf %mul3A_443, %get3A_381 : vector<16xf32>
        %add3A_459 = arith.addf %add3A_355, %mul3A_458 : vector<16xf32>
        %add3A_460 = arith.constant 3 : i32
        %add3A_461 = arith.addi %mul3A_150, %add3A_460 : i32
        %get3A_462 = arith.index_cast %add3A_461 : i32 to index
        %get3A_463 = arith.constant 0 : index
        %get3A_464 = tpu.vector_load %arg6[%get3A_462, %get3A_463] {strides = array<i32>} : memref<80x128xf32, #tpu.memory_space<vmem>>, vector<16xf32>,
        %get3A_465 = arith.index_cast %add3A_461 : i32 to index
        %get3A_466 = arith.constant 16 : index
        %get3A_467 = tpu.vector_load %arg6[%get3A_465, %get3A_466] {strides = array<i32>} : memref<80x128xf32, #tpu.memory_space<vmem>>, vector<16xf32>,
        %get3A_468 = arith.index_cast %add3A_461 : i32 to index
        %get3A_469 = arith.constant 32 : index
        %get3A_470 = tpu.vector_load %arg6[%get3A_468, %get3A_469] {strides = array<i32>} : memref<80x128xf32, #tpu.memory_space<vmem>>, vector<16xf32>,
        %get3A_471 = arith.index_cast %add3A_461 : i32 to index
        %get3A_472 = arith.constant 48 : index
        %get3A_473 = tpu.vector_load %arg6[%get3A_471, %get3A_472] {strides = array<i32>} : memref<80x128xf32, #tpu.memory_space<vmem>>, vector<16xf32>,
        %get3A_474 = arith.index_cast %add3A_461 : i32 to index
        %get3A_475 = arith.constant 64 : index
        %get3A_476 = tpu.vector_load %arg6[%get3A_474, %get3A_475] {strides = array<i32>} : memref<80x128xf32, #tpu.memory_space<vmem>>, vector<16xf32>,
        %get3A_477 = arith.index_cast %add3A_461 : i32 to index
        %get3A_478 = arith.constant 80 : index
        %get3A_479 = tpu.vector_load %arg6[%get3A_477, %get3A_478] {strides = array<i32>} : memref<80x128xf32, #tpu.memory_space<vmem>>, vector<16xf32>,
        %get3A_480 = arith.index_cast %add3A_461 : i32 to index
        %get3A_481 = arith.constant 96 : index
        %get3A_482 = tpu.vector_load %arg6[%get3A_480, %get3A_481] {strides = array<i32>} : memref<80x128xf32, #tpu.memory_space<vmem>>, vector<16xf32>,
        %get3A_483 = arith.index_cast %add3A_461 : i32 to index
        %get3A_484 = arith.constant 112 : index
        %get3A_485 = tpu.vector_load %arg6[%get3A_483, %get3A_484] {strides = array<i32>} : memref<80x128xf32, #tpu.memory_space<vmem>>, vector<16xf32>,
        %mul3A_486 = arith.mulf %get3A_464, %get3A_5 : vector<16xf32>
        %mul3A_487 = arith.mulf %get3A_464, %get3A_464 : vector<16xf32>
        %mul3A_488 = arith.mulf %get3A_467, %get3A_7 : vector<16xf32>
        %add3A_489 = arith.addf %mul3A_486, %mul3A_488 : vector<16xf32>
        %mul3A_490 = arith.mulf %get3A_467, %get3A_467 : vector<16xf32>
        %add3A_491 = arith.addf %mul3A_487, %mul3A_490 : vector<16xf32>
        %mul3A_492 = arith.mulf %get3A_470, %get3A_9 : vector<16xf32>
        %add3A_493 = arith.addf %add3A_489, %mul3A_492 : vector<16xf32>
        %mul3A_494 = arith.mulf %get3A_470, %get3A_470 : vector<16xf32>
        %add3A_495 = arith.addf %add3A_491, %mul3A_494 : vector<16xf32>
        %mul3A_496 = arith.mulf %get3A_473, %get3A_11 : vector<16xf32>
        %add3A_497 = arith.addf %add3A_493, %mul3A_496 : vector<16xf32>
        %mul3A_498 = arith.mulf %get3A_473, %get3A_473 : vector<16xf32>
        %add3A_499 = arith.addf %add3A_495, %mul3A_498 : vector<16xf32>
        %mul3A_500 = arith.mulf %get3A_476, %get3A_13 : vector<16xf32>
        %add3A_501 = arith.addf %add3A_497, %mul3A_500 : vector<16xf32>
        %mul3A_502 = arith.mulf %get3A_476, %get3A_476 : vector<16xf32>
        %add3A_503 = arith.addf %add3A_499, %mul3A_502 : vector<16xf32>
        %mul3A_504 = arith.mulf %get3A_479, %get3A_15 : vector<16xf32>
        %add3A_505 = arith.addf %add3A_501, %mul3A_504 : vector<16xf32>
        %mul3A_506 = arith.mulf %get3A_479, %get3A_479 : vector<16xf32>
        %add3A_507 = arith.addf %add3A_503, %mul3A_506 : vector<16xf32>
        %mul3A_508 = arith.mulf %get3A_482, %get3A_17 : vector<16xf32>
        %add3A_509 = arith.addf %add3A_505, %mul3A_508 : vector<16xf32>
        %mul3A_510 = arith.mulf %get3A_482, %get3A_482 : vector<16xf32>
        %add3A_511 = arith.addf %add3A_507, %mul3A_510 : vector<16xf32>
        %mul3A_512 = arith.mulf %get3A_485, %get3A_19 : vector<16xf32>
        %add3A_513 = arith.addf %add3A_509, %mul3A_512 : vector<16xf32>
        %mul3A_514 = arith.mulf %get3A_485, %get3A_485 : vector<16xf32>
        %add3A_515 = arith.addf %add3A_511, %mul3A_514 : vector<16xf32>
        %reduce_sum3A_516 = arith.constant true
        %reduce_sum3A_517 = vector.broadcast %reduce_sum3A_516 : i1 to vector<16xi1>
        %reduce_sum3A_518 = tpu.scan <sum>, %add3A_513 masked %reduce_sum3A_517 : vector<16xf32>, vector<16xi1> -> vector<16xf32>
        %reduce_sum3A_519 = vector.extract %reduce_sum3A_518[15] : f32 from vector<16xf32>
        %broadcast_in_dim3A_520 = vector.broadcast %reduce_sum3A_519 : f32 to vector<16xf32>
        %reduce_sum3A_521 = arith.constant true
        %reduce_sum3A_522 = vector.broadcast %reduce_sum3A_521 : i1 to vector<16xi1>
        %reduce_sum3A_523 = tpu.scan <sum>, %add3A_515 masked %reduce_sum3A_522 : vector<16xf32>, vector<16xi1> -> vector<16xf32>
        %reduce_sum3A_524 = vector.extract %reduce_sum3A_523[15] : f32 from vector<16xf32>
        %broadcast_in_dim3A_525 = vector.broadcast %reduce_sum3A_524 : f32 to vector<16xf32>
        %max3A_526 = arith.constant 1.000000e-16 : f32
        %max3A_527 = vector.broadcast %max3A_526 : f32 to vector<16xf32>
        %max3A_528 = arith.maximumf %broadcast_in_dim3A_525, %max3A_527 : vector<16xf32>
        %mul3A_529 = arith.mulf %max3A_528, %max3A_39 : vector<16xf32>
        %bitcast3A_530 = vector.bitcast %mul3A_529 : vector<16xf32> to vector<16xi32>
        %shift_right_logical3A_531 = arith.constant 1 : i32
        %shift_right_logical3A_532 = vector.broadcast %shift_right_logical3A_531 : i32 to vector<16xi32>
        %shift_right_logical3A_533 = arith.shrui %bitcast3A_530, %shift_right_logical3A_532 : vector<16xi32>
        %sub3A_534 = arith.constant 1597463007 : i32
        %sub3A_535 = vector.broadcast %sub3A_534 : i32 to vector<16xi32>
        %sub3A_536 = arith.subi %sub3A_535, %shift_right_logical3A_533 : vector<16xi32>
        %bitcast3A_537 = vector.bitcast %sub3A_536 : vector<16xi32> to vector<16xf32>
        %mul3A_538 = arith.constant 5.000000e-01 : f32
        %mul3A_539 = vector.broadcast %mul3A_538 : f32 to vector<16xf32>
        %mul3A_540 = arith.mulf %mul3A_539, %mul3A_529 : vector<16xf32>
        %mul3A_541 = arith.mulf %mul3A_540, %bitcast3A_537 : vector<16xf32>
        %mul3A_542 = arith.mulf %mul3A_541, %bitcast3A_537 : vector<16xf32>
        %sub3A_543 = arith.constant 1.500000e+00 : f32
        %sub3A_544 = vector.broadcast %sub3A_543 : f32 to vector<16xf32>
        %sub3A_545 = arith.subf %sub3A_544, %mul3A_542 : vector<16xf32>
        %mul3A_546 = arith.mulf %bitcast3A_537, %sub3A_545 : vector<16xf32>
        %mul3A_547 = arith.mulf %broadcast_in_dim3A_520, %mul3A_546 : vector<16xf32>
        %mul3A_548 = arith.mulf %mul3A_547, %get3A_464 : vector<16xf32>
        %add3A_549 = arith.addf %add3A_445, %mul3A_548 : vector<16xf32>
        %mul3A_550 = arith.mulf %mul3A_547, %get3A_467 : vector<16xf32>
        %add3A_551 = arith.addf %add3A_447, %mul3A_550 : vector<16xf32>
        %mul3A_552 = arith.mulf %mul3A_547, %get3A_470 : vector<16xf32>
        %add3A_553 = arith.addf %add3A_449, %mul3A_552 : vector<16xf32>
        %mul3A_554 = arith.mulf %mul3A_547, %get3A_473 : vector<16xf32>
        %add3A_555 = arith.addf %add3A_451, %mul3A_554 : vector<16xf32>
        %mul3A_556 = arith.mulf %mul3A_547, %get3A_476 : vector<16xf32>
        %add3A_557 = arith.addf %add3A_453, %mul3A_556 : vector<16xf32>
        %mul3A_558 = arith.mulf %mul3A_547, %get3A_479 : vector<16xf32>
        %add3A_559 = arith.addf %add3A_455, %mul3A_558 : vector<16xf32>
        %mul3A_560 = arith.mulf %mul3A_547, %get3A_482 : vector<16xf32>
        %add3A_561 = arith.addf %add3A_457, %mul3A_560 : vector<16xf32>
        %mul3A_562 = arith.mulf %mul3A_547, %get3A_485 : vector<16xf32>
        %add3A_563 = arith.addf %add3A_459, %mul3A_562 : vector<16xf32>
        %add3A_564 = arith.constant 4 : i32
        %add3A_565 = arith.addi %mul3A_150, %add3A_564 : i32
        %get3A_566 = arith.index_cast %add3A_565 : i32 to index
        %get3A_567 = arith.constant 0 : index
        %get3A_568 = tpu.vector_load %arg6[%get3A_566, %get3A_567] {strides = array<i32>} : memref<80x128xf32, #tpu.memory_space<vmem>>, vector<16xf32>,
        %get3A_569 = arith.index_cast %add3A_565 : i32 to index
        %get3A_570 = arith.constant 16 : index
        %get3A_571 = tpu.vector_load %arg6[%get3A_569, %get3A_570] {strides = array<i32>} : memref<80x128xf32, #tpu.memory_space<vmem>>, vector<16xf32>,
        %get3A_572 = arith.index_cast %add3A_565 : i32 to index
        %get3A_573 = arith.constant 32 : index
        %get3A_574 = tpu.vector_load %arg6[%get3A_572, %get3A_573] {strides = array<i32>} : memref<80x128xf32, #tpu.memory_space<vmem>>, vector<16xf32>,
        %get3A_575 = arith.index_cast %add3A_565 : i32 to index
        %get3A_576 = arith.constant 48 : index
        %get3A_577 = tpu.vector_load %arg6[%get3A_575, %get3A_576] {strides = array<i32>} : memref<80x128xf32, #tpu.memory_space<vmem>>, vector<16xf32>,
        %get3A_578 = arith.index_cast %add3A_565 : i32 to index
        %get3A_579 = arith.constant 64 : index
        %get3A_580 = tpu.vector_load %arg6[%get3A_578, %get3A_579] {strides = array<i32>} : memref<80x128xf32, #tpu.memory_space<vmem>>, vector<16xf32>,
        %get3A_581 = arith.index_cast %add3A_565 : i32 to index
        %get3A_582 = arith.constant 80 : index
        %get3A_583 = tpu.vector_load %arg6[%get3A_581, %get3A_582] {strides = array<i32>} : memref<80x128xf32, #tpu.memory_space<vmem>>, vector<16xf32>,
        %get3A_584 = arith.index_cast %add3A_565 : i32 to index
        %get3A_585 = arith.constant 96 : index
        %get3A_586 = tpu.vector_load %arg6[%get3A_584, %get3A_585] {strides = array<i32>} : memref<80x128xf32, #tpu.memory_space<vmem>>, vector<16xf32>,
        %get3A_587 = arith.index_cast %add3A_565 : i32 to index
        %get3A_588 = arith.constant 112 : index
        %get3A_589 = tpu.vector_load %arg6[%get3A_587, %get3A_588] {strides = array<i32>} : memref<80x128xf32, #tpu.memory_space<vmem>>, vector<16xf32>,
        %mul3A_590 = arith.mulf %get3A_568, %get3A_5 : vector<16xf32>
        %mul3A_591 = arith.mulf %get3A_568, %get3A_568 : vector<16xf32>
        %mul3A_592 = arith.mulf %get3A_571, %get3A_7 : vector<16xf32>
        %add3A_593 = arith.addf %mul3A_590, %mul3A_592 : vector<16xf32>
        %mul3A_594 = arith.mulf %get3A_571, %get3A_571 : vector<16xf32>
        %add3A_595 = arith.addf %mul3A_591, %mul3A_594 : vector<16xf32>
        %mul3A_596 = arith.mulf %get3A_574, %get3A_9 : vector<16xf32>
        %add3A_597 = arith.addf %add3A_593, %mul3A_596 : vector<16xf32>
        %mul3A_598 = arith.mulf %get3A_574, %get3A_574 : vector<16xf32>
        %add3A_599 = arith.addf %add3A_595, %mul3A_598 : vector<16xf32>
        %mul3A_600 = arith.mulf %get3A_577, %get3A_11 : vector<16xf32>
        %add3A_601 = arith.addf %add3A_597, %mul3A_600 : vector<16xf32>
        %mul3A_602 = arith.mulf %get3A_577, %get3A_577 : vector<16xf32>
        %add3A_603 = arith.addf %add3A_599, %mul3A_602 : vector<16xf32>
        %mul3A_604 = arith.mulf %get3A_580, %get3A_13 : vector<16xf32>
        %add3A_605 = arith.addf %add3A_601, %mul3A_604 : vector<16xf32>
        %mul3A_606 = arith.mulf %get3A_580, %get3A_580 : vector<16xf32>
        %add3A_607 = arith.addf %add3A_603, %mul3A_606 : vector<16xf32>
        %mul3A_608 = arith.mulf %get3A_583, %get3A_15 : vector<16xf32>
        %add3A_609 = arith.addf %add3A_605, %mul3A_608 : vector<16xf32>
        %mul3A_610 = arith.mulf %get3A_583, %get3A_583 : vector<16xf32>
        %add3A_611 = arith.addf %add3A_607, %mul3A_610 : vector<16xf32>
        %mul3A_612 = arith.mulf %get3A_586, %get3A_17 : vector<16xf32>
        %add3A_613 = arith.addf %add3A_609, %mul3A_612 : vector<16xf32>
        %mul3A_614 = arith.mulf %get3A_586, %get3A_586 : vector<16xf32>
        %add3A_615 = arith.addf %add3A_611, %mul3A_614 : vector<16xf32>
        %mul3A_616 = arith.mulf %get3A_589, %get3A_19 : vector<16xf32>
        %add3A_617 = arith.addf %add3A_613, %mul3A_616 : vector<16xf32>
        %mul3A_618 = arith.mulf %get3A_589, %get3A_589 : vector<16xf32>
        %add3A_619 = arith.addf %add3A_615, %mul3A_618 : vector<16xf32>
        %reduce_sum3A_620 = arith.constant true
        %reduce_sum3A_621 = vector.broadcast %reduce_sum3A_620 : i1 to vector<16xi1>
        %reduce_sum3A_622 = tpu.scan <sum>, %add3A_617 masked %reduce_sum3A_621 : vector<16xf32>, vector<16xi1> -> vector<16xf32>
        %reduce_sum3A_623 = vector.extract %reduce_sum3A_622[15] : f32 from vector<16xf32>
        %broadcast_in_dim3A_624 = vector.broadcast %reduce_sum3A_623 : f32 to vector<16xf32>
        %reduce_sum3A_625 = arith.constant true
        %reduce_sum3A_626 = vector.broadcast %reduce_sum3A_625 : i1 to vector<16xi1>
        %reduce_sum3A_627 = tpu.scan <sum>, %add3A_619 masked %reduce_sum3A_626 : vector<16xf32>, vector<16xi1> -> vector<16xf32>
        %reduce_sum3A_628 = vector.extract %reduce_sum3A_627[15] : f32 from vector<16xf32>
        %broadcast_in_dim3A_629 = vector.broadcast %reduce_sum3A_628 : f32 to vector<16xf32>
        %max3A_630 = arith.constant 1.000000e-16 : f32
        %max3A_631 = vector.broadcast %max3A_630 : f32 to vector<16xf32>
        %max3A_632 = arith.maximumf %broadcast_in_dim3A_629, %max3A_631 : vector<16xf32>
        %mul3A_633 = arith.mulf %max3A_632, %max3A_39 : vector<16xf32>
        %bitcast3A_634 = vector.bitcast %mul3A_633 : vector<16xf32> to vector<16xi32>
        %shift_right_logical3A_635 = arith.constant 1 : i32
        %shift_right_logical3A_636 = vector.broadcast %shift_right_logical3A_635 : i32 to vector<16xi32>
        %shift_right_logical3A_637 = arith.shrui %bitcast3A_634, %shift_right_logical3A_636 : vector<16xi32>
        %sub3A_638 = arith.constant 1597463007 : i32
        %sub3A_639 = vector.broadcast %sub3A_638 : i32 to vector<16xi32>
        %sub3A_640 = arith.subi %sub3A_639, %shift_right_logical3A_637 : vector<16xi32>
        %bitcast3A_641 = vector.bitcast %sub3A_640 : vector<16xi32> to vector<16xf32>
        %mul3A_642 = arith.constant 5.000000e-01 : f32
        %mul3A_643 = vector.broadcast %mul3A_642 : f32 to vector<16xf32>
        %mul3A_644 = arith.mulf %mul3A_643, %mul3A_633 : vector<16xf32>
        %mul3A_645 = arith.mulf %mul3A_644, %bitcast3A_641 : vector<16xf32>
        %mul3A_646 = arith.mulf %mul3A_645, %bitcast3A_641 : vector<16xf32>
        %sub3A_647 = arith.constant 1.500000e+00 : f32
        %sub3A_648 = vector.broadcast %sub3A_647 : f32 to vector<16xf32>
        %sub3A_649 = arith.subf %sub3A_648, %mul3A_646 : vector<16xf32>
        %mul3A_650 = arith.mulf %bitcast3A_641, %sub3A_649 : vector<16xf32>
        %mul3A_651 = arith.mulf %broadcast_in_dim3A_624, %mul3A_650 : vector<16xf32>
        %mul3A_652 = arith.mulf %mul3A_651, %get3A_568 : vector<16xf32>
        %add3A_653 = arith.addf %add3A_549, %mul3A_652 : vector<16xf32>
        %mul3A_654 = arith.mulf %mul3A_651, %get3A_571 : vector<16xf32>
        %add3A_655 = arith.addf %add3A_551, %mul3A_654 : vector<16xf32>
        %mul3A_656 = arith.mulf %mul3A_651, %get3A_574 : vector<16xf32>
        %add3A_657 = arith.addf %add3A_553, %mul3A_656 : vector<16xf32>
        %mul3A_658 = arith.mulf %mul3A_651, %get3A_577 : vector<16xf32>
        %add3A_659 = arith.addf %add3A_555, %mul3A_658 : vector<16xf32>
        %mul3A_660 = arith.mulf %mul3A_651, %get3A_580 : vector<16xf32>
        %add3A_661 = arith.addf %add3A_557, %mul3A_660 : vector<16xf32>
        %mul3A_662 = arith.mulf %mul3A_651, %get3A_583 : vector<16xf32>
        %add3A_663 = arith.addf %add3A_559, %mul3A_662 : vector<16xf32>
        %mul3A_664 = arith.mulf %mul3A_651, %get3A_586 : vector<16xf32>
        %add3A_665 = arith.addf %add3A_561, %mul3A_664 : vector<16xf32>
        %mul3A_666 = arith.mulf %mul3A_651, %get3A_589 : vector<16xf32>
        %add3A_667 = arith.addf %add3A_563, %mul3A_666 : vector<16xf32>
        %add3A_668 = arith.constant 5 : i32
        %add3A_669 = arith.addi %mul3A_150, %add3A_668 : i32
        %get3A_670 = arith.index_cast %add3A_669 : i32 to index
        %get3A_671 = arith.constant 0 : index
        %get3A_672 = tpu.vector_load %arg6[%get3A_670, %get3A_671] {strides = array<i32>} : memref<80x128xf32, #tpu.memory_space<vmem>>, vector<16xf32>,
        %get3A_673 = arith.index_cast %add3A_669 : i32 to index
        %get3A_674 = arith.constant 16 : index
        %get3A_675 = tpu.vector_load %arg6[%get3A_673, %get3A_674] {strides = array<i32>} : memref<80x128xf32, #tpu.memory_space<vmem>>, vector<16xf32>,
        %get3A_676 = arith.index_cast %add3A_669 : i32 to index
        %get3A_677 = arith.constant 32 : index
        %get3A_678 = tpu.vector_load %arg6[%get3A_676, %get3A_677] {strides = array<i32>} : memref<80x128xf32, #tpu.memory_space<vmem>>, vector<16xf32>,
        %get3A_679 = arith.index_cast %add3A_669 : i32 to index
        %get3A_680 = arith.constant 48 : index
        %get3A_681 = tpu.vector_load %arg6[%get3A_679, %get3A_680] {strides = array<i32>} : memref<80x128xf32, #tpu.memory_space<vmem>>, vector<16xf32>,
        %get3A_682 = arith.index_cast %add3A_669 : i32 to index
        %get3A_683 = arith.constant 64 : index
        %get3A_684 = tpu.vector_load %arg6[%get3A_682, %get3A_683] {strides = array<i32>} : memref<80x128xf32, #tpu.memory_space<vmem>>, vector<16xf32>,
        %get3A_685 = arith.index_cast %add3A_669 : i32 to index
        %get3A_686 = arith.constant 80 : index
        %get3A_687 = tpu.vector_load %arg6[%get3A_685, %get3A_686] {strides = array<i32>} : memref<80x128xf32, #tpu.memory_space<vmem>>, vector<16xf32>,
        %get3A_688 = arith.index_cast %add3A_669 : i32 to index
        %get3A_689 = arith.constant 96 : index
        %get3A_690 = tpu.vector_load %arg6[%get3A_688, %get3A_689] {strides = array<i32>} : memref<80x128xf32, #tpu.memory_space<vmem>>, vector<16xf32>,
        %get3A_691 = arith.index_cast %add3A_669 : i32 to index
        %get3A_692 = arith.constant 112 : index
        %get3A_693 = tpu.vector_load %arg6[%get3A_691, %get3A_692] {strides = array<i32>} : memref<80x128xf32, #tpu.memory_space<vmem>>, vector<16xf32>,
        %mul3A_694 = arith.mulf %get3A_672, %get3A_5 : vector<16xf32>
        %mul3A_695 = arith.mulf %get3A_672, %get3A_672 : vector<16xf32>
        %mul3A_696 = arith.mulf %get3A_675, %get3A_7 : vector<16xf32>
        %add3A_697 = arith.addf %mul3A_694, %mul3A_696 : vector<16xf32>
        %mul3A_698 = arith.mulf %get3A_675, %get3A_675 : vector<16xf32>
        %add3A_699 = arith.addf %mul3A_695, %mul3A_698 : vector<16xf32>
        %mul3A_700 = arith.mulf %get3A_678, %get3A_9 : vector<16xf32>
        %add3A_701 = arith.addf %add3A_697, %mul3A_700 : vector<16xf32>
        %mul3A_702 = arith.mulf %get3A_678, %get3A_678 : vector<16xf32>
        %add3A_703 = arith.addf %add3A_699, %mul3A_702 : vector<16xf32>
        %mul3A_704 = arith.mulf %get3A_681, %get3A_11 : vector<16xf32>
        %add3A_705 = arith.addf %add3A_701, %mul3A_704 : vector<16xf32>
        %mul3A_706 = arith.mulf %get3A_681, %get3A_681 : vector<16xf32>
        %add3A_707 = arith.addf %add3A_703, %mul3A_706 : vector<16xf32>
        %mul3A_708 = arith.mulf %get3A_684, %get3A_13 : vector<16xf32>
        %add3A_709 = arith.addf %add3A_705, %mul3A_708 : vector<16xf32>
        %mul3A_710 = arith.mulf %get3A_684, %get3A_684 : vector<16xf32>
        %add3A_711 = arith.addf %add3A_707, %mul3A_710 : vector<16xf32>
        %mul3A_712 = arith.mulf %get3A_687, %get3A_15 : vector<16xf32>
        %add3A_713 = arith.addf %add3A_709, %mul3A_712 : vector<16xf32>
        %mul3A_714 = arith.mulf %get3A_687, %get3A_687 : vector<16xf32>
        %add3A_715 = arith.addf %add3A_711, %mul3A_714 : vector<16xf32>
        %mul3A_716 = arith.mulf %get3A_690, %get3A_17 : vector<16xf32>
        %add3A_717 = arith.addf %add3A_713, %mul3A_716 : vector<16xf32>
        %mul3A_718 = arith.mulf %get3A_690, %get3A_690 : vector<16xf32>
        %add3A_719 = arith.addf %add3A_715, %mul3A_718 : vector<16xf32>
        %mul3A_720 = arith.mulf %get3A_693, %get3A_19 : vector<16xf32>
        %add3A_721 = arith.addf %add3A_717, %mul3A_720 : vector<16xf32>
        %mul3A_722 = arith.mulf %get3A_693, %get3A_693 : vector<16xf32>
        %add3A_723 = arith.addf %add3A_719, %mul3A_722 : vector<16xf32>
        %reduce_sum3A_724 = arith.constant true
        %reduce_sum3A_725 = vector.broadcast %reduce_sum3A_724 : i1 to vector<16xi1>
        %reduce_sum3A_726 = tpu.scan <sum>, %add3A_721 masked %reduce_sum3A_725 : vector<16xf32>, vector<16xi1> -> vector<16xf32>
        %reduce_sum3A_727 = vector.extract %reduce_sum3A_726[15] : f32 from vector<16xf32>
        %broadcast_in_dim3A_728 = vector.broadcast %reduce_sum3A_727 : f32 to vector<16xf32>
        %reduce_sum3A_729 = arith.constant true
        %reduce_sum3A_730 = vector.broadcast %reduce_sum3A_729 : i1 to vector<16xi1>
        %reduce_sum3A_731 = tpu.scan <sum>, %add3A_723 masked %reduce_sum3A_730 : vector<16xf32>, vector<16xi1> -> vector<16xf32>
        %reduce_sum3A_732 = vector.extract %reduce_sum3A_731[15] : f32 from vector<16xf32>
        %broadcast_in_dim3A_733 = vector.broadcast %reduce_sum3A_732 : f32 to vector<16xf32>
        %max3A_734 = arith.constant 1.000000e-16 : f32
        %max3A_735 = vector.broadcast %max3A_734 : f32 to vector<16xf32>
        %max3A_736 = arith.maximumf %broadcast_in_dim3A_733, %max3A_735 : vector<16xf32>
        %mul3A_737 = arith.mulf %max3A_736, %max3A_39 : vector<16xf32>
        %bitcast3A_738 = vector.bitcast %mul3A_737 : vector<16xf32> to vector<16xi32>
        %shift_right_logical3A_739 = arith.constant 1 : i32
        %shift_right_logical3A_740 = vector.broadcast %shift_right_logical3A_739 : i32 to vector<16xi32>
        %shift_right_logical3A_741 = arith.shrui %bitcast3A_738, %shift_right_logical3A_740 : vector<16xi32>
        %sub3A_742 = arith.constant 1597463007 : i32
        %sub3A_743 = vector.broadcast %sub3A_742 : i32 to vector<16xi32>
        %sub3A_744 = arith.subi %sub3A_743, %shift_right_logical3A_741 : vector<16xi32>
        %bitcast3A_745 = vector.bitcast %sub3A_744 : vector<16xi32> to vector<16xf32>
        %mul3A_746 = arith.constant 5.000000e-01 : f32
        %mul3A_747 = vector.broadcast %mul3A_746 : f32 to vector<16xf32>
        %mul3A_748 = arith.mulf %mul3A_747, %mul3A_737 : vector<16xf32>
        %mul3A_749 = arith.mulf %mul3A_748, %bitcast3A_745 : vector<16xf32>
        %mul3A_750 = arith.mulf %mul3A_749, %bitcast3A_745 : vector<16xf32>
        %sub3A_751 = arith.constant 1.500000e+00 : f32
        %sub3A_752 = vector.broadcast %sub3A_751 : f32 to vector<16xf32>
        %sub3A_753 = arith.subf %sub3A_752, %mul3A_750 : vector<16xf32>
        %mul3A_754 = arith.mulf %bitcast3A_745, %sub3A_753 : vector<16xf32>
        %mul3A_755 = arith.mulf %broadcast_in_dim3A_728, %mul3A_754 : vector<16xf32>
        %mul3A_756 = arith.mulf %mul3A_755, %get3A_672 : vector<16xf32>
        %add3A_757 = arith.addf %add3A_653, %mul3A_756 : vector<16xf32>
        %mul3A_758 = arith.mulf %mul3A_755, %get3A_675 : vector<16xf32>
        %add3A_759 = arith.addf %add3A_655, %mul3A_758 : vector<16xf32>
        %mul3A_760 = arith.mulf %mul3A_755, %get3A_678 : vector<16xf32>
        %add3A_761 = arith.addf %add3A_657, %mul3A_760 : vector<16xf32>
        %mul3A_762 = arith.mulf %mul3A_755, %get3A_681 : vector<16xf32>
        %add3A_763 = arith.addf %add3A_659, %mul3A_762 : vector<16xf32>
        %mul3A_764 = arith.mulf %mul3A_755, %get3A_684 : vector<16xf32>
        %add3A_765 = arith.addf %add3A_661, %mul3A_764 : vector<16xf32>
        %mul3A_766 = arith.mulf %mul3A_755, %get3A_687 : vector<16xf32>
        %add3A_767 = arith.addf %add3A_663, %mul3A_766 : vector<16xf32>
        %mul3A_768 = arith.mulf %mul3A_755, %get3A_690 : vector<16xf32>
        %add3A_769 = arith.addf %add3A_665, %mul3A_768 : vector<16xf32>
        %mul3A_770 = arith.mulf %mul3A_755, %get3A_693 : vector<16xf32>
        %add3A_771 = arith.addf %add3A_667, %mul3A_770 : vector<16xf32>
        %add3A_772 = arith.constant 6 : i32
        %add3A_773 = arith.addi %mul3A_150, %add3A_772 : i32
        %get3A_774 = arith.index_cast %add3A_773 : i32 to index
        %get3A_775 = arith.constant 0 : index
        %get3A_776 = tpu.vector_load %arg6[%get3A_774, %get3A_775] {strides = array<i32>} : memref<80x128xf32, #tpu.memory_space<vmem>>, vector<16xf32>,
        %get3A_777 = arith.index_cast %add3A_773 : i32 to index
        %get3A_778 = arith.constant 16 : index
        %get3A_779 = tpu.vector_load %arg6[%get3A_777, %get3A_778] {strides = array<i32>} : memref<80x128xf32, #tpu.memory_space<vmem>>, vector<16xf32>,
        %get3A_780 = arith.index_cast %add3A_773 : i32 to index
        %get3A_781 = arith.constant 32 : index
        %get3A_782 = tpu.vector_load %arg6[%get3A_780, %get3A_781] {strides = array<i32>} : memref<80x128xf32, #tpu.memory_space<vmem>>, vector<16xf32>,
        %get3A_783 = arith.index_cast %add3A_773 : i32 to index
        %get3A_784 = arith.constant 48 : index
        %get3A_785 = tpu.vector_load %arg6[%get3A_783, %get3A_784] {strides = array<i32>} : memref<80x128xf32, #tpu.memory_space<vmem>>, vector<16xf32>,
        %get3A_786 = arith.index_cast %add3A_773 : i32 to index
        %get3A_787 = arith.constant 64 : index
        %get3A_788 = tpu.vector_load %arg6[%get3A_786, %get3A_787] {strides = array<i32>} : memref<80x128xf32, #tpu.memory_space<vmem>>, vector<16xf32>,
        %get3A_789 = arith.index_cast %add3A_773 : i32 to index
        %get3A_790 = arith.constant 80 : index
        %get3A_791 = tpu.vector_load %arg6[%get3A_789, %get3A_790] {strides = array<i32>} : memref<80x128xf32, #tpu.memory_space<vmem>>, vector<16xf32>,
        %get3A_792 = arith.index_cast %add3A_773 : i32 to index
        %get3A_793 = arith.constant 96 : index
        %get3A_794 = tpu.vector_load %arg6[%get3A_792, %get3A_793] {strides = array<i32>} : memref<80x128xf32, #tpu.memory_space<vmem>>, vector<16xf32>,
        %get3A_795 = arith.index_cast %add3A_773 : i32 to index
        %get3A_796 = arith.constant 112 : index
        %get3A_797 = tpu.vector_load %arg6[%get3A_795, %get3A_796] {strides = array<i32>} : memref<80x128xf32, #tpu.memory_space<vmem>>, vector<16xf32>,
        %mul3A_798 = arith.mulf %get3A_776, %get3A_5 : vector<16xf32>
        %mul3A_799 = arith.mulf %get3A_776, %get3A_776 : vector<16xf32>
        %mul3A_800 = arith.mulf %get3A_779, %get3A_7 : vector<16xf32>
        %add3A_801 = arith.addf %mul3A_798, %mul3A_800 : vector<16xf32>
        %mul3A_802 = arith.mulf %get3A_779, %get3A_779 : vector<16xf32>
        %add3A_803 = arith.addf %mul3A_799, %mul3A_802 : vector<16xf32>
        %mul3A_804 = arith.mulf %get3A_782, %get3A_9 : vector<16xf32>
        %add3A_805 = arith.addf %add3A_801, %mul3A_804 : vector<16xf32>
        %mul3A_806 = arith.mulf %get3A_782, %get3A_782 : vector<16xf32>
        %add3A_807 = arith.addf %add3A_803, %mul3A_806 : vector<16xf32>
        %mul3A_808 = arith.mulf %get3A_785, %get3A_11 : vector<16xf32>
        %add3A_809 = arith.addf %add3A_805, %mul3A_808 : vector<16xf32>
        %mul3A_810 = arith.mulf %get3A_785, %get3A_785 : vector<16xf32>
        %add3A_811 = arith.addf %add3A_807, %mul3A_810 : vector<16xf32>
        %mul3A_812 = arith.mulf %get3A_788, %get3A_13 : vector<16xf32>
        %add3A_813 = arith.addf %add3A_809, %mul3A_812 : vector<16xf32>
        %mul3A_814 = arith.mulf %get3A_788, %get3A_788 : vector<16xf32>
        %add3A_815 = arith.addf %add3A_811, %mul3A_814 : vector<16xf32>
        %mul3A_816 = arith.mulf %get3A_791, %get3A_15 : vector<16xf32>
        %add3A_817 = arith.addf %add3A_813, %mul3A_816 : vector<16xf32>
        %mul3A_818 = arith.mulf %get3A_791, %get3A_791 : vector<16xf32>
        %add3A_819 = arith.addf %add3A_815, %mul3A_818 : vector<16xf32>
        %mul3A_820 = arith.mulf %get3A_794, %get3A_17 : vector<16xf32>
        %add3A_821 = arith.addf %add3A_817, %mul3A_820 : vector<16xf32>
        %mul3A_822 = arith.mulf %get3A_794, %get3A_794 : vector<16xf32>
        %add3A_823 = arith.addf %add3A_819, %mul3A_822 : vector<16xf32>
        %mul3A_824 = arith.mulf %get3A_797, %get3A_19 : vector<16xf32>
        %add3A_825 = arith.addf %add3A_821, %mul3A_824 : vector<16xf32>
        %mul3A_826 = arith.mulf %get3A_797, %get3A_797 : vector<16xf32>
        %add3A_827 = arith.addf %add3A_823, %mul3A_826 : vector<16xf32>
        %reduce_sum3A_828 = arith.constant true
        %reduce_sum3A_829 = vector.broadcast %reduce_sum3A_828 : i1 to vector<16xi1>
        %reduce_sum3A_830 = tpu.scan <sum>, %add3A_825 masked %reduce_sum3A_829 : vector<16xf32>, vector<16xi1> -> vector<16xf32>
        %reduce_sum3A_831 = vector.extract %reduce_sum3A_830[15] : f32 from vector<16xf32>
        %broadcast_in_dim3A_832 = vector.broadcast %reduce_sum3A_831 : f32 to vector<16xf32>
        %reduce_sum3A_833 = arith.constant true
        %reduce_sum3A_834 = vector.broadcast %reduce_sum3A_833 : i1 to vector<16xi1>
        %reduce_sum3A_835 = tpu.scan <sum>, %add3A_827 masked %reduce_sum3A_834 : vector<16xf32>, vector<16xi1> -> vector<16xf32>
        %reduce_sum3A_836 = vector.extract %reduce_sum3A_835[15] : f32 from vector<16xf32>
        %broadcast_in_dim3A_837 = vector.broadcast %reduce_sum3A_836 : f32 to vector<16xf32>
        %max3A_838 = arith.constant 1.000000e-16 : f32
        %max3A_839 = vector.broadcast %max3A_838 : f32 to vector<16xf32>
        %max3A_840 = arith.maximumf %broadcast_in_dim3A_837, %max3A_839 : vector<16xf32>
        %mul3A_841 = arith.mulf %max3A_840, %max3A_39 : vector<16xf32>
        %bitcast3A_842 = vector.bitcast %mul3A_841 : vector<16xf32> to vector<16xi32>
        %shift_right_logical3A_843 = arith.constant 1 : i32
        %shift_right_logical3A_844 = vector.broadcast %shift_right_logical3A_843 : i32 to vector<16xi32>
        %shift_right_logical3A_845 = arith.shrui %bitcast3A_842, %shift_right_logical3A_844 : vector<16xi32>
        %sub3A_846 = arith.constant 1597463007 : i32
        %sub3A_847 = vector.broadcast %sub3A_846 : i32 to vector<16xi32>
        %sub3A_848 = arith.subi %sub3A_847, %shift_right_logical3A_845 : vector<16xi32>
        %bitcast3A_849 = vector.bitcast %sub3A_848 : vector<16xi32> to vector<16xf32>
        %mul3A_850 = arith.constant 5.000000e-01 : f32
        %mul3A_851 = vector.broadcast %mul3A_850 : f32 to vector<16xf32>
        %mul3A_852 = arith.mulf %mul3A_851, %mul3A_841 : vector<16xf32>
        %mul3A_853 = arith.mulf %mul3A_852, %bitcast3A_849 : vector<16xf32>
        %mul3A_854 = arith.mulf %mul3A_853, %bitcast3A_849 : vector<16xf32>
        %sub3A_855 = arith.constant 1.500000e+00 : f32
        %sub3A_856 = vector.broadcast %sub3A_855 : f32 to vector<16xf32>
        %sub3A_857 = arith.subf %sub3A_856, %mul3A_854 : vector<16xf32>
        %mul3A_858 = arith.mulf %bitcast3A_849, %sub3A_857 : vector<16xf32>
        %mul3A_859 = arith.mulf %broadcast_in_dim3A_832, %mul3A_858 : vector<16xf32>
        %mul3A_860 = arith.mulf %mul3A_859, %get3A_776 : vector<16xf32>
        %add3A_861 = arith.addf %add3A_757, %mul3A_860 : vector<16xf32>
        %mul3A_862 = arith.mulf %mul3A_859, %get3A_779 : vector<16xf32>
        %add3A_863 = arith.addf %add3A_759, %mul3A_862 : vector<16xf32>
        %mul3A_864 = arith.mulf %mul3A_859, %get3A_782 : vector<16xf32>
        %add3A_865 = arith.addf %add3A_761, %mul3A_864 : vector<16xf32>
        %mul3A_866 = arith.mulf %mul3A_859, %get3A_785 : vector<16xf32>
        %add3A_867 = arith.addf %add3A_763, %mul3A_866 : vector<16xf32>
        %mul3A_868 = arith.mulf %mul3A_859, %get3A_788 : vector<16xf32>
        %add3A_869 = arith.addf %add3A_765, %mul3A_868 : vector<16xf32>
        %mul3A_870 = arith.mulf %mul3A_859, %get3A_791 : vector<16xf32>
        %add3A_871 = arith.addf %add3A_767, %mul3A_870 : vector<16xf32>
        %mul3A_872 = arith.mulf %mul3A_859, %get3A_794 : vector<16xf32>
        %add3A_873 = arith.addf %add3A_769, %mul3A_872 : vector<16xf32>
        %mul3A_874 = arith.mulf %mul3A_859, %get3A_797 : vector<16xf32>
        %add3A_875 = arith.addf %add3A_771, %mul3A_874 : vector<16xf32>
        %add3A_876 = arith.constant 7 : i32
        %add3A_877 = arith.addi %mul3A_150, %add3A_876 : i32
        %get3A_878 = arith.index_cast %add3A_877 : i32 to index
        %get3A_879 = arith.constant 0 : index
        %get3A_880 = tpu.vector_load %arg6[%get3A_878, %get3A_879] {strides = array<i32>} : memref<80x128xf32, #tpu.memory_space<vmem>>, vector<16xf32>,
        %get3A_881 = arith.index_cast %add3A_877 : i32 to index
        %get3A_882 = arith.constant 16 : index
        %get3A_883 = tpu.vector_load %arg6[%get3A_881, %get3A_882] {strides = array<i32>} : memref<80x128xf32, #tpu.memory_space<vmem>>, vector<16xf32>,
        %get3A_884 = arith.index_cast %add3A_877 : i32 to index
        %get3A_885 = arith.constant 32 : index
        %get3A_886 = tpu.vector_load %arg6[%get3A_884, %get3A_885] {strides = array<i32>} : memref<80x128xf32, #tpu.memory_space<vmem>>, vector<16xf32>,
        %get3A_887 = arith.index_cast %add3A_877 : i32 to index
        %get3A_888 = arith.constant 48 : index
        %get3A_889 = tpu.vector_load %arg6[%get3A_887, %get3A_888] {strides = array<i32>} : memref<80x128xf32, #tpu.memory_space<vmem>>, vector<16xf32>,
        %get3A_890 = arith.index_cast %add3A_877 : i32 to index
        %get3A_891 = arith.constant 64 : index
        %get3A_892 = tpu.vector_load %arg6[%get3A_890, %get3A_891] {strides = array<i32>} : memref<80x128xf32, #tpu.memory_space<vmem>>, vector<16xf32>,
        %get3A_893 = arith.index_cast %add3A_877 : i32 to index
        %get3A_894 = arith.constant 80 : index
        %get3A_895 = tpu.vector_load %arg6[%get3A_893, %get3A_894] {strides = array<i32>} : memref<80x128xf32, #tpu.memory_space<vmem>>, vector<16xf32>,
        %get3A_896 = arith.index_cast %add3A_877 : i32 to index
        %get3A_897 = arith.constant 96 : index
        %get3A_898 = tpu.vector_load %arg6[%get3A_896, %get3A_897] {strides = array<i32>} : memref<80x128xf32, #tpu.memory_space<vmem>>, vector<16xf32>,
        %get3A_899 = arith.index_cast %add3A_877 : i32 to index
        %get3A_900 = arith.constant 112 : index
        %get3A_901 = tpu.vector_load %arg6[%get3A_899, %get3A_900] {strides = array<i32>} : memref<80x128xf32, #tpu.memory_space<vmem>>, vector<16xf32>,
        %mul3A_902 = arith.mulf %get3A_880, %get3A_5 : vector<16xf32>
        %mul3A_903 = arith.mulf %get3A_880, %get3A_880 : vector<16xf32>
        %mul3A_904 = arith.mulf %get3A_883, %get3A_7 : vector<16xf32>
        %add3A_905 = arith.addf %mul3A_902, %mul3A_904 : vector<16xf32>
        %mul3A_906 = arith.mulf %get3A_883, %get3A_883 : vector<16xf32>
        %add3A_907 = arith.addf %mul3A_903, %mul3A_906 : vector<16xf32>
        %mul3A_908 = arith.mulf %get3A_886, %get3A_9 : vector<16xf32>
        %add3A_909 = arith.addf %add3A_905, %mul3A_908 : vector<16xf32>
        %mul3A_910 = arith.mulf %get3A_886, %get3A_886 : vector<16xf32>
        %add3A_911 = arith.addf %add3A_907, %mul3A_910 : vector<16xf32>
        %mul3A_912 = arith.mulf %get3A_889, %get3A_11 : vector<16xf32>
        %add3A_913 = arith.addf %add3A_909, %mul3A_912 : vector<16xf32>
        %mul3A_914 = arith.mulf %get3A_889, %get3A_889 : vector<16xf32>
        %add3A_915 = arith.addf %add3A_911, %mul3A_914 : vector<16xf32>
        %mul3A_916 = arith.mulf %get3A_892, %get3A_13 : vector<16xf32>
        %add3A_917 = arith.addf %add3A_913, %mul3A_916 : vector<16xf32>
        %mul3A_918 = arith.mulf %get3A_892, %get3A_892 : vector<16xf32>
        %add3A_919 = arith.addf %add3A_915, %mul3A_918 : vector<16xf32>
        %mul3A_920 = arith.mulf %get3A_895, %get3A_15 : vector<16xf32>
        %add3A_921 = arith.addf %add3A_917, %mul3A_920 : vector<16xf32>
        %mul3A_922 = arith.mulf %get3A_895, %get3A_895 : vector<16xf32>
        %add3A_923 = arith.addf %add3A_919, %mul3A_922 : vector<16xf32>
        %mul3A_924 = arith.mulf %get3A_898, %get3A_17 : vector<16xf32>
        %add3A_925 = arith.addf %add3A_921, %mul3A_924 : vector<16xf32>
        %mul3A_926 = arith.mulf %get3A_898, %get3A_898 : vector<16xf32>
        %add3A_927 = arith.addf %add3A_923, %mul3A_926 : vector<16xf32>
        %mul3A_928 = arith.mulf %get3A_901, %get3A_19 : vector<16xf32>
        %add3A_929 = arith.addf %add3A_925, %mul3A_928 : vector<16xf32>
        %mul3A_930 = arith.mulf %get3A_901, %get3A_901 : vector<16xf32>
        %add3A_931 = arith.addf %add3A_927, %mul3A_930 : vector<16xf32>
        %reduce_sum3A_932 = arith.constant true
        %reduce_sum3A_933 = vector.broadcast %reduce_sum3A_932 : i1 to vector<16xi1>
        %reduce_sum3A_934 = tpu.scan <sum>, %add3A_929 masked %reduce_sum3A_933 : vector<16xf32>, vector<16xi1> -> vector<16xf32>
        %reduce_sum3A_935 = vector.extract %reduce_sum3A_934[15] : f32 from vector<16xf32>
        %broadcast_in_dim3A_936 = vector.broadcast %reduce_sum3A_935 : f32 to vector<16xf32>
        %reduce_sum3A_937 = arith.constant true
        %reduce_sum3A_938 = vector.broadcast %reduce_sum3A_937 : i1 to vector<16xi1>
        %reduce_sum3A_939 = tpu.scan <sum>, %add3A_931 masked %reduce_sum3A_938 : vector<16xf32>, vector<16xi1> -> vector<16xf32>
        %reduce_sum3A_940 = vector.extract %reduce_sum3A_939[15] : f32 from vector<16xf32>
        %broadcast_in_dim3A_941 = vector.broadcast %reduce_sum3A_940 : f32 to vector<16xf32>
        %max3A_942 = arith.constant 1.000000e-16 : f32
        %max3A_943 = vector.broadcast %max3A_942 : f32 to vector<16xf32>
        %max3A_944 = arith.maximumf %broadcast_in_dim3A_941, %max3A_943 : vector<16xf32>
        %mul3A_945 = arith.mulf %max3A_944, %max3A_39 : vector<16xf32>
        %bitcast3A_946 = vector.bitcast %mul3A_945 : vector<16xf32> to vector<16xi32>
        %shift_right_logical3A_947 = arith.constant 1 : i32
        %shift_right_logical3A_948 = vector.broadcast %shift_right_logical3A_947 : i32 to vector<16xi32>
        %shift_right_logical3A_949 = arith.shrui %bitcast3A_946, %shift_right_logical3A_948 : vector<16xi32>
        %sub3A_950 = arith.constant 1597463007 : i32
        %sub3A_951 = vector.broadcast %sub3A_950 : i32 to vector<16xi32>
        %sub3A_952 = arith.subi %sub3A_951, %shift_right_logical3A_949 : vector<16xi32>
        %bitcast3A_953 = vector.bitcast %sub3A_952 : vector<16xi32> to vector<16xf32>
        %mul3A_954 = arith.constant 5.000000e-01 : f32
        %mul3A_955 = vector.broadcast %mul3A_954 : f32 to vector<16xf32>
        %mul3A_956 = arith.mulf %mul3A_955, %mul3A_945 : vector<16xf32>
        %mul3A_957 = arith.mulf %mul3A_956, %bitcast3A_953 : vector<16xf32>
        %mul3A_958 = arith.mulf %mul3A_957, %bitcast3A_953 : vector<16xf32>
        %sub3A_959 = arith.constant 1.500000e+00 : f32
        %sub3A_960 = vector.broadcast %sub3A_959 : f32 to vector<16xf32>
        %sub3A_961 = arith.subf %sub3A_960, %mul3A_958 : vector<16xf32>
        %mul3A_962 = arith.mulf %bitcast3A_953, %sub3A_961 : vector<16xf32>
        %mul3A_963 = arith.mulf %broadcast_in_dim3A_936, %mul3A_962 : vector<16xf32>
        %mul3A_964 = arith.mulf %mul3A_963, %get3A_880 : vector<16xf32>
        %add3A_965 = arith.addf %add3A_861, %mul3A_964 : vector<16xf32>
        %mul3A_966 = arith.mulf %mul3A_963, %get3A_883 : vector<16xf32>
        %add3A_967 = arith.addf %add3A_863, %mul3A_966 : vector<16xf32>
        %mul3A_968 = arith.mulf %mul3A_963, %get3A_886 : vector<16xf32>
        %add3A_969 = arith.addf %add3A_865, %mul3A_968 : vector<16xf32>
        %mul3A_970 = arith.mulf %mul3A_963, %get3A_889 : vector<16xf32>
        %add3A_971 = arith.addf %add3A_867, %mul3A_970 : vector<16xf32>
        %mul3A_972 = arith.mulf %mul3A_963, %get3A_892 : vector<16xf32>
        %add3A_973 = arith.addf %add3A_869, %mul3A_972 : vector<16xf32>
        %mul3A_974 = arith.mulf %mul3A_963, %get3A_895 : vector<16xf32>
        %add3A_975 = arith.addf %add3A_871, %mul3A_974 : vector<16xf32>
        %mul3A_976 = arith.mulf %mul3A_963, %get3A_898 : vector<16xf32>
        %add3A_977 = arith.addf %add3A_873, %mul3A_976 : vector<16xf32>
        %mul3A_978 = arith.mulf %mul3A_963, %get3A_901 : vector<16xf32>
        %add3A_979 = arith.addf %add3A_875, %mul3A_978 : vector<16xf32>
        scf.yield %add3A_965, %add3A_967, %add3A_969, %add3A_971, %add3A_973, %add3A_975, %add3A_977, %add3A_979 : vector<16xf32>, vector<16xf32>, vector<16xf32>, vector<16xf32>, vector<16xf32>, vector<16xf32>, vector<16xf32>, vector<16xf32>
      }
      %scan3A_123 = arith.constant 10 : i32
      %add3A_124 = arith.constant 2 : i32
      %add3A_125 = arith.addi %mul3A_102, %add3A_124 : i32
      %lt3A = arith.constant 10 : i32
      %lt3A_126 = arith.cmpi slt, %add3A_125, %lt3A : i32
      %convert_element_type3A = arith.extui %lt3A_126 : i1 to i32
      %cond3A = arith.constant 0 : i32
      %cond3A_127 = arith.cmpi ne, %convert_element_type3A, %cond3A : i32
      scf.if %cond3A_127 {
        %add3A_140 = arith.constant 2 : i32
        %add3A_141 = arith.addi %mul3A_102, %add3A_140 : i32
        %mul3A_142 = arith.constant 80 : i32
        %mul3A_143 = arith.muli %add3A_141, %mul3A_142 : i32
        %add3A_144 = arith.addi %add3A_4, %mul3A_143 : i32
        %dma_start3A_145 = arith.constant 0 : i32
        %dma_start3A_146 = tpu.memref_slice %arg3[%add3A_144, %dma_start3A_145] : memref<100000x128xf32, #tpu.memory_space<hbm>> -> memref<80x128xf32, #tpu.memory_space<hbm>>
        %dma_start3A_147 = arith.constant 0 : i32
        %dma_start3A_148 = tpu.memref_slice %arg3[%add3A_144, %dma_start3A_147] : memref<100000x128xf32, #tpu.memory_space<hbm>> -> memref<80x128xf32, #tpu.memory_space<hbm>>
        tpu.enqueue_dma source(%dma_start3A_148 : memref<80x128xf32, #tpu.memory_space<hbm>>) target(%arg6 : memref<80x128xf32, #tpu.memory_space<vmem>>) target_semaphore(%arg9 : memref<!tpu.dma_semaphore, #tpu.memory_space<semaphore_mem>>)
      } else {
      }
      %dma_wait3A_128 = arith.constant 0 : i32
      %dma_wait3A_129 = arith.constant 0 : i32
      %dma_wait3A_130 = tpu.memref_slice %arg3[%dma_wait3A_128, %dma_wait3A_129] : memref<100000x128xf32, #tpu.memory_space<hbm>> -> memref<80x128xf32, #tpu.memory_space<hbm>>
      %dma_wait3A_131 = arith.constant 0 : i32
      %dma_wait3A_132 = arith.constant 0 : i32
      %dma_wait3A_133 = tpu.memref_slice %arg3[%dma_wait3A_131, %dma_wait3A_132] : memref<100000x128xf32, #tpu.memory_space<hbm>> -> memref<80x128xf32, #tpu.memory_space<hbm>>
      tpu.wait_dma2 semaphore(%arg10 : memref<!tpu.dma_semaphore, #tpu.memory_space<semaphore_mem>>) src(%dma_wait3A_133 : memref<80x128xf32, #tpu.memory_space<hbm>>) dst(%arg7 : memref<80x128xf32, #tpu.memory_space<vmem>>)
      %scan3A_134 = arith.constant 0 : i32
      %scan3A_135 = arith.constant 10 : i32
      %scan3A_136 = arith.addi %scan3A_134, %scan3A_135 : i32
      %scan3A_137 = arith.constant 1 : i32
      %scan3A_138:8 = scf.for %scan3A_140 = %scan3A_134 to %scan3A_136 step %scan3A_137 iter_args(%scan3A_141 = %scan3A_122#0, %scan3A_142 = %scan3A_122#1, %scan3A_143 = %scan3A_122#2, %scan3A_144 = %scan3A_122#3, %scan3A_145 = %scan3A_122#4, %scan3A_146 = %scan3A_122#5, %scan3A_147 = %scan3A_122#6, %scan3A_148 = %scan3A_122#7) -> (vector<16xf32>, vector<16xf32>, vector<16xf32>, vector<16xf32>, vector<16xf32>, vector<16xf32>, vector<16xf32>, vector<16xf32>)  : i32 {
        %mul3A_149 = arith.constant 8 : i32
        %mul3A_150 = arith.muli %scan3A_140, %mul3A_149 : i32
        %add3A_151 = arith.constant 0 : i32
        %add3A_152 = arith.addi %mul3A_150, %add3A_151 : i32
        %get3A_153 = arith.index_cast %add3A_152 : i32 to index
        %get3A_154 = arith.constant 0 : index
        %get3A_155 = tpu.vector_load %arg7[%get3A_153, %get3A_154] {strides = array<i32>} : memref<80x128xf32, #tpu.memory_space<vmem>>, vector<16xf32>,
        %get3A_156 = arith.index_cast %add3A_152 : i32 to index
        %get3A_157 = arith.constant 16 : index
        %get3A_158 = tpu.vector_load %arg7[%get3A_156, %get3A_157] {strides = array<i32>} : memref<80x128xf32, #tpu.memory_space<vmem>>, vector<16xf32>,
        %get3A_159 = arith.index_cast %add3A_152 : i32 to index
        %get3A_160 = arith.constant 32 : index
        %get3A_161 = tpu.vector_load %arg7[%get3A_159, %get3A_160] {strides = array<i32>} : memref<80x128xf32, #tpu.memory_space<vmem>>, vector<16xf32>,
        %get3A_162 = arith.index_cast %add3A_152 : i32 to index
        %get3A_163 = arith.constant 48 : index
        %get3A_164 = tpu.vector_load %arg7[%get3A_162, %get3A_163] {strides = array<i32>} : memref<80x128xf32, #tpu.memory_space<vmem>>, vector<16xf32>,
        %get3A_165 = arith.index_cast %add3A_152 : i32 to index
        %get3A_166 = arith.constant 64 : index
        %get3A_167 = tpu.vector_load %arg7[%get3A_165, %get3A_166] {strides = array<i32>} : memref<80x128xf32, #tpu.memory_space<vmem>>, vector<16xf32>,
        %get3A_168 = arith.index_cast %add3A_152 : i32 to index
        %get3A_169 = arith.constant 80 : index
        %get3A_170 = tpu.vector_load %arg7[%get3A_168, %get3A_169] {strides = array<i32>} : memref<80x128xf32, #tpu.memory_space<vmem>>, vector<16xf32>,
        %get3A_171 = arith.index_cast %add3A_152 : i32 to index
        %get3A_172 = arith.constant 96 : index
        %get3A_173 = tpu.vector_load %arg7[%get3A_171, %get3A_172] {strides = array<i32>} : memref<80x128xf32, #tpu.memory_space<vmem>>, vector<16xf32>,
        %get3A_174 = arith.index_cast %add3A_152 : i32 to index
        %get3A_175 = arith.constant 112 : index
        %get3A_176 = tpu.vector_load %arg7[%get3A_174, %get3A_175] {strides = array<i32>} : memref<80x128xf32, #tpu.memory_space<vmem>>, vector<16xf32>,
        %mul3A_177 = arith.mulf %get3A_155, %get3A_5 : vector<16xf32>
        %mul3A_178 = arith.mulf %get3A_155, %get3A_155 : vector<16xf32>
        %mul3A_179 = arith.mulf %get3A_158, %get3A_7 : vector<16xf32>
        %add3A_180 = arith.addf %mul3A_177, %mul3A_179 : vector<16xf32>
        %mul3A_181 = arith.mulf %get3A_158, %get3A_158 : vector<16xf32>
        %add3A_182 = arith.addf %mul3A_178, %mul3A_181 : vector<16xf32>
        %mul3A_183 = arith.mulf %get3A_161, %get3A_9 : vector<16xf32>
        %add3A_184 = arith.addf %add3A_180, %mul3A_183 : vector<16xf32>
        %mul3A_185 = arith.mulf %get3A_161, %get3A_161 : vector<16xf32>
        %add3A_186 = arith.addf %add3A_182, %mul3A_185 : vector<16xf32>
        %mul3A_187 = arith.mulf %get3A_164, %get3A_11 : vector<16xf32>
        %add3A_188 = arith.addf %add3A_184, %mul3A_187 : vector<16xf32>
        %mul3A_189 = arith.mulf %get3A_164, %get3A_164 : vector<16xf32>
        %add3A_190 = arith.addf %add3A_186, %mul3A_189 : vector<16xf32>
        %mul3A_191 = arith.mulf %get3A_167, %get3A_13 : vector<16xf32>
        %add3A_192 = arith.addf %add3A_188, %mul3A_191 : vector<16xf32>
        %mul3A_193 = arith.mulf %get3A_167, %get3A_167 : vector<16xf32>
        %add3A_194 = arith.addf %add3A_190, %mul3A_193 : vector<16xf32>
        %mul3A_195 = arith.mulf %get3A_170, %get3A_15 : vector<16xf32>
        %add3A_196 = arith.addf %add3A_192, %mul3A_195 : vector<16xf32>
        %mul3A_197 = arith.mulf %get3A_170, %get3A_170 : vector<16xf32>
        %add3A_198 = arith.addf %add3A_194, %mul3A_197 : vector<16xf32>
        %mul3A_199 = arith.mulf %get3A_173, %get3A_17 : vector<16xf32>
        %add3A_200 = arith.addf %add3A_196, %mul3A_199 : vector<16xf32>
        %mul3A_201 = arith.mulf %get3A_173, %get3A_173 : vector<16xf32>
        %add3A_202 = arith.addf %add3A_198, %mul3A_201 : vector<16xf32>
        %mul3A_203 = arith.mulf %get3A_176, %get3A_19 : vector<16xf32>
        %add3A_204 = arith.addf %add3A_200, %mul3A_203 : vector<16xf32>
        %mul3A_205 = arith.mulf %get3A_176, %get3A_176 : vector<16xf32>
        %add3A_206 = arith.addf %add3A_202, %mul3A_205 : vector<16xf32>
        %reduce_sum3A_207 = arith.constant true
        %reduce_sum3A_208 = vector.broadcast %reduce_sum3A_207 : i1 to vector<16xi1>
        %reduce_sum3A_209 = tpu.scan <sum>, %add3A_204 masked %reduce_sum3A_208 : vector<16xf32>, vector<16xi1> -> vector<16xf32>
        %reduce_sum3A_210 = vector.extract %reduce_sum3A_209[15] : f32 from vector<16xf32>
        %broadcast_in_dim3A_211 = vector.broadcast %reduce_sum3A_210 : f32 to vector<16xf32>
        %reduce_sum3A_212 = arith.constant true
        %reduce_sum3A_213 = vector.broadcast %reduce_sum3A_212 : i1 to vector<16xi1>
        %reduce_sum3A_214 = tpu.scan <sum>, %add3A_206 masked %reduce_sum3A_213 : vector<16xf32>, vector<16xi1> -> vector<16xf32>
        %reduce_sum3A_215 = vector.extract %reduce_sum3A_214[15] : f32 from vector<16xf32>
        %broadcast_in_dim3A_216 = vector.broadcast %reduce_sum3A_215 : f32 to vector<16xf32>
        %max3A_217 = arith.constant 1.000000e-16 : f32
        %max3A_218 = vector.broadcast %max3A_217 : f32 to vector<16xf32>
        %max3A_219 = arith.maximumf %broadcast_in_dim3A_216, %max3A_218 : vector<16xf32>
        %mul3A_220 = arith.mulf %max3A_219, %max3A_39 : vector<16xf32>
        %bitcast3A = vector.bitcast %mul3A_220 : vector<16xf32> to vector<16xi32>
        %shift_right_logical3A = arith.constant 1 : i32
        %shift_right_logical3A_221 = vector.broadcast %shift_right_logical3A : i32 to vector<16xi32>
        %shift_right_logical3A_222 = arith.shrui %bitcast3A, %shift_right_logical3A_221 : vector<16xi32>
        %sub3A = arith.constant 1597463007 : i32
        %sub3A_223 = vector.broadcast %sub3A : i32 to vector<16xi32>
        %sub3A_224 = arith.subi %sub3A_223, %shift_right_logical3A_222 : vector<16xi32>
        %bitcast3A_225 = vector.bitcast %sub3A_224 : vector<16xi32> to vector<16xf32>
        %mul3A_226 = arith.constant 5.000000e-01 : f32
        %mul3A_227 = vector.broadcast %mul3A_226 : f32 to vector<16xf32>
        %mul3A_228 = arith.mulf %mul3A_227, %mul3A_220 : vector<16xf32>
        %mul3A_229 = arith.mulf %mul3A_228, %bitcast3A_225 : vector<16xf32>
        %mul3A_230 = arith.mulf %mul3A_229, %bitcast3A_225 : vector<16xf32>
        %sub3A_231 = arith.constant 1.500000e+00 : f32
        %sub3A_232 = vector.broadcast %sub3A_231 : f32 to vector<16xf32>
        %sub3A_233 = arith.subf %sub3A_232, %mul3A_230 : vector<16xf32>
        %mul3A_234 = arith.mulf %bitcast3A_225, %sub3A_233 : vector<16xf32>
        %mul3A_235 = arith.mulf %broadcast_in_dim3A_211, %mul3A_234 : vector<16xf32>
        %mul3A_236 = arith.mulf %mul3A_235, %get3A_155 : vector<16xf32>
        %add3A_237 = arith.addf %scan3A_141, %mul3A_236 : vector<16xf32>
        %mul3A_238 = arith.mulf %mul3A_235, %get3A_158 : vector<16xf32>
        %add3A_239 = arith.addf %scan3A_142, %mul3A_238 : vector<16xf32>
        %mul3A_240 = arith.mulf %mul3A_235, %get3A_161 : vector<16xf32>
        %add3A_241 = arith.addf %scan3A_143, %mul3A_240 : vector<16xf32>
        %mul3A_242 = arith.mulf %mul3A_235, %get3A_164 : vector<16xf32>
        %add3A_243 = arith.addf %scan3A_144, %mul3A_242 : vector<16xf32>
        %mul3A_244 = arith.mulf %mul3A_235, %get3A_167 : vector<16xf32>
        %add3A_245 = arith.addf %scan3A_145, %mul3A_244 : vector<16xf32>
        %mul3A_246 = arith.mulf %mul3A_235, %get3A_170 : vector<16xf32>
        %add3A_247 = arith.addf %scan3A_146, %mul3A_246 : vector<16xf32>
        %mul3A_248 = arith.mulf %mul3A_235, %get3A_173 : vector<16xf32>
        %add3A_249 = arith.addf %scan3A_147, %mul3A_248 : vector<16xf32>
        %mul3A_250 = arith.mulf %mul3A_235, %get3A_176 : vector<16xf32>
        %add3A_251 = arith.addf %scan3A_148, %mul3A_250 : vector<16xf32>
        %add3A_252 = arith.constant 1 : i32
        %add3A_253 = arith.addi %mul3A_150, %add3A_252 : i32
        %get3A_254 = arith.index_cast %add3A_253 : i32 to index
        %get3A_255 = arith.constant 0 : index
        %get3A_256 = tpu.vector_load %arg7[%get3A_254, %get3A_255] {strides = array<i32>} : memref<80x128xf32, #tpu.memory_space<vmem>>, vector<16xf32>,
        %get3A_257 = arith.index_cast %add3A_253 : i32 to index
        %get3A_258 = arith.constant 16 : index
        %get3A_259 = tpu.vector_load %arg7[%get3A_257, %get3A_258] {strides = array<i32>} : memref<80x128xf32, #tpu.memory_space<vmem>>, vector<16xf32>,
        %get3A_260 = arith.index_cast %add3A_253 : i32 to index
        %get3A_261 = arith.constant 32 : index
        %get3A_262 = tpu.vector_load %arg7[%get3A_260, %get3A_261] {strides = array<i32>} : memref<80x128xf32, #tpu.memory_space<vmem>>, vector<16xf32>,
        %get3A_263 = arith.index_cast %add3A_253 : i32 to index
        %get3A_264 = arith.constant 48 : index
        %get3A_265 = tpu.vector_load %arg7[%get3A_263, %get3A_264] {strides = array<i32>} : memref<80x128xf32, #tpu.memory_space<vmem>>, vector<16xf32>,
        %get3A_266 = arith.index_cast %add3A_253 : i32 to index
        %get3A_267 = arith.constant 64 : index
        %get3A_268 = tpu.vector_load %arg7[%get3A_266, %get3A_267] {strides = array<i32>} : memref<80x128xf32, #tpu.memory_space<vmem>>, vector<16xf32>,
        %get3A_269 = arith.index_cast %add3A_253 : i32 to index
        %get3A_270 = arith.constant 80 : index
        %get3A_271 = tpu.vector_load %arg7[%get3A_269, %get3A_270] {strides = array<i32>} : memref<80x128xf32, #tpu.memory_space<vmem>>, vector<16xf32>,
        %get3A_272 = arith.index_cast %add3A_253 : i32 to index
        %get3A_273 = arith.constant 96 : index
        %get3A_274 = tpu.vector_load %arg7[%get3A_272, %get3A_273] {strides = array<i32>} : memref<80x128xf32, #tpu.memory_space<vmem>>, vector<16xf32>,
        %get3A_275 = arith.index_cast %add3A_253 : i32 to index
        %get3A_276 = arith.constant 112 : index
        %get3A_277 = tpu.vector_load %arg7[%get3A_275, %get3A_276] {strides = array<i32>} : memref<80x128xf32, #tpu.memory_space<vmem>>, vector<16xf32>,
        %mul3A_278 = arith.mulf %get3A_256, %get3A_5 : vector<16xf32>
        %mul3A_279 = arith.mulf %get3A_256, %get3A_256 : vector<16xf32>
        %mul3A_280 = arith.mulf %get3A_259, %get3A_7 : vector<16xf32>
        %add3A_281 = arith.addf %mul3A_278, %mul3A_280 : vector<16xf32>
        %mul3A_282 = arith.mulf %get3A_259, %get3A_259 : vector<16xf32>
        %add3A_283 = arith.addf %mul3A_279, %mul3A_282 : vector<16xf32>
        %mul3A_284 = arith.mulf %get3A_262, %get3A_9 : vector<16xf32>
        %add3A_285 = arith.addf %add3A_281, %mul3A_284 : vector<16xf32>
        %mul3A_286 = arith.mulf %get3A_262, %get3A_262 : vector<16xf32>
        %add3A_287 = arith.addf %add3A_283, %mul3A_286 : vector<16xf32>
        %mul3A_288 = arith.mulf %get3A_265, %get3A_11 : vector<16xf32>
        %add3A_289 = arith.addf %add3A_285, %mul3A_288 : vector<16xf32>
        %mul3A_290 = arith.mulf %get3A_265, %get3A_265 : vector<16xf32>
        %add3A_291 = arith.addf %add3A_287, %mul3A_290 : vector<16xf32>
        %mul3A_292 = arith.mulf %get3A_268, %get3A_13 : vector<16xf32>
        %add3A_293 = arith.addf %add3A_289, %mul3A_292 : vector<16xf32>
        %mul3A_294 = arith.mulf %get3A_268, %get3A_268 : vector<16xf32>
        %add3A_295 = arith.addf %add3A_291, %mul3A_294 : vector<16xf32>
        %mul3A_296 = arith.mulf %get3A_271, %get3A_15 : vector<16xf32>
        %add3A_297 = arith.addf %add3A_293, %mul3A_296 : vector<16xf32>
        %mul3A_298 = arith.mulf %get3A_271, %get3A_271 : vector<16xf32>
        %add3A_299 = arith.addf %add3A_295, %mul3A_298 : vector<16xf32>
        %mul3A_300 = arith.mulf %get3A_274, %get3A_17 : vector<16xf32>
        %add3A_301 = arith.addf %add3A_297, %mul3A_300 : vector<16xf32>
        %mul3A_302 = arith.mulf %get3A_274, %get3A_274 : vector<16xf32>
        %add3A_303 = arith.addf %add3A_299, %mul3A_302 : vector<16xf32>
        %mul3A_304 = arith.mulf %get3A_277, %get3A_19 : vector<16xf32>
        %add3A_305 = arith.addf %add3A_301, %mul3A_304 : vector<16xf32>
        %mul3A_306 = arith.mulf %get3A_277, %get3A_277 : vector<16xf32>
        %add3A_307 = arith.addf %add3A_303, %mul3A_306 : vector<16xf32>
        %reduce_sum3A_308 = arith.constant true
        %reduce_sum3A_309 = vector.broadcast %reduce_sum3A_308 : i1 to vector<16xi1>
        %reduce_sum3A_310 = tpu.scan <sum>, %add3A_305 masked %reduce_sum3A_309 : vector<16xf32>, vector<16xi1> -> vector<16xf32>
        %reduce_sum3A_311 = vector.extract %reduce_sum3A_310[15] : f32 from vector<16xf32>
        %broadcast_in_dim3A_312 = vector.broadcast %reduce_sum3A_311 : f32 to vector<16xf32>
        %reduce_sum3A_313 = arith.constant true
        %reduce_sum3A_314 = vector.broadcast %reduce_sum3A_313 : i1 to vector<16xi1>
        %reduce_sum3A_315 = tpu.scan <sum>, %add3A_307 masked %reduce_sum3A_314 : vector<16xf32>, vector<16xi1> -> vector<16xf32>
        %reduce_sum3A_316 = vector.extract %reduce_sum3A_315[15] : f32 from vector<16xf32>
        %broadcast_in_dim3A_317 = vector.broadcast %reduce_sum3A_316 : f32 to vector<16xf32>
        %max3A_318 = arith.constant 1.000000e-16 : f32
        %max3A_319 = vector.broadcast %max3A_318 : f32 to vector<16xf32>
        %max3A_320 = arith.maximumf %broadcast_in_dim3A_317, %max3A_319 : vector<16xf32>
        %mul3A_321 = arith.mulf %max3A_320, %max3A_39 : vector<16xf32>
        %bitcast3A_322 = vector.bitcast %mul3A_321 : vector<16xf32> to vector<16xi32>
        %shift_right_logical3A_323 = arith.constant 1 : i32
        %shift_right_logical3A_324 = vector.broadcast %shift_right_logical3A_323 : i32 to vector<16xi32>
        %shift_right_logical3A_325 = arith.shrui %bitcast3A_322, %shift_right_logical3A_324 : vector<16xi32>
        %sub3A_326 = arith.constant 1597463007 : i32
        %sub3A_327 = vector.broadcast %sub3A_326 : i32 to vector<16xi32>
        %sub3A_328 = arith.subi %sub3A_327, %shift_right_logical3A_325 : vector<16xi32>
        %bitcast3A_329 = vector.bitcast %sub3A_328 : vector<16xi32> to vector<16xf32>
        %mul3A_330 = arith.constant 5.000000e-01 : f32
        %mul3A_331 = vector.broadcast %mul3A_330 : f32 to vector<16xf32>
        %mul3A_332 = arith.mulf %mul3A_331, %mul3A_321 : vector<16xf32>
        %mul3A_333 = arith.mulf %mul3A_332, %bitcast3A_329 : vector<16xf32>
        %mul3A_334 = arith.mulf %mul3A_333, %bitcast3A_329 : vector<16xf32>
        %sub3A_335 = arith.constant 1.500000e+00 : f32
        %sub3A_336 = vector.broadcast %sub3A_335 : f32 to vector<16xf32>
        %sub3A_337 = arith.subf %sub3A_336, %mul3A_334 : vector<16xf32>
        %mul3A_338 = arith.mulf %bitcast3A_329, %sub3A_337 : vector<16xf32>
        %mul3A_339 = arith.mulf %broadcast_in_dim3A_312, %mul3A_338 : vector<16xf32>
        %mul3A_340 = arith.mulf %mul3A_339, %get3A_256 : vector<16xf32>
        %add3A_341 = arith.addf %add3A_237, %mul3A_340 : vector<16xf32>
        %mul3A_342 = arith.mulf %mul3A_339, %get3A_259 : vector<16xf32>
        %add3A_343 = arith.addf %add3A_239, %mul3A_342 : vector<16xf32>
        %mul3A_344 = arith.mulf %mul3A_339, %get3A_262 : vector<16xf32>
        %add3A_345 = arith.addf %add3A_241, %mul3A_344 : vector<16xf32>
        %mul3A_346 = arith.mulf %mul3A_339, %get3A_265 : vector<16xf32>
        %add3A_347 = arith.addf %add3A_243, %mul3A_346 : vector<16xf32>
        %mul3A_348 = arith.mulf %mul3A_339, %get3A_268 : vector<16xf32>
        %add3A_349 = arith.addf %add3A_245, %mul3A_348 : vector<16xf32>
        %mul3A_350 = arith.mulf %mul3A_339, %get3A_271 : vector<16xf32>
        %add3A_351 = arith.addf %add3A_247, %mul3A_350 : vector<16xf32>
        %mul3A_352 = arith.mulf %mul3A_339, %get3A_274 : vector<16xf32>
        %add3A_353 = arith.addf %add3A_249, %mul3A_352 : vector<16xf32>
        %mul3A_354 = arith.mulf %mul3A_339, %get3A_277 : vector<16xf32>
        %add3A_355 = arith.addf %add3A_251, %mul3A_354 : vector<16xf32>
        %add3A_356 = arith.constant 2 : i32
        %add3A_357 = arith.addi %mul3A_150, %add3A_356 : i32
        %get3A_358 = arith.index_cast %add3A_357 : i32 to index
        %get3A_359 = arith.constant 0 : index
        %get3A_360 = tpu.vector_load %arg7[%get3A_358, %get3A_359] {strides = array<i32>} : memref<80x128xf32, #tpu.memory_space<vmem>>, vector<16xf32>,
        %get3A_361 = arith.index_cast %add3A_357 : i32 to index
        %get3A_362 = arith.constant 16 : index
        %get3A_363 = tpu.vector_load %arg7[%get3A_361, %get3A_362] {strides = array<i32>} : memref<80x128xf32, #tpu.memory_space<vmem>>, vector<16xf32>,
        %get3A_364 = arith.index_cast %add3A_357 : i32 to index
        %get3A_365 = arith.constant 32 : index
        %get3A_366 = tpu.vector_load %arg7[%get3A_364, %get3A_365] {strides = array<i32>} : memref<80x128xf32, #tpu.memory_space<vmem>>, vector<16xf32>,
        %get3A_367 = arith.index_cast %add3A_357 : i32 to index
        %get3A_368 = arith.constant 48 : index
        %get3A_369 = tpu.vector_load %arg7[%get3A_367, %get3A_368] {strides = array<i32>} : memref<80x128xf32, #tpu.memory_space<vmem>>, vector<16xf32>,
        %get3A_370 = arith.index_cast %add3A_357 : i32 to index
        %get3A_371 = arith.constant 64 : index
        %get3A_372 = tpu.vector_load %arg7[%get3A_370, %get3A_371] {strides = array<i32>} : memref<80x128xf32, #tpu.memory_space<vmem>>, vector<16xf32>,
        %get3A_373 = arith.index_cast %add3A_357 : i32 to index
        %get3A_374 = arith.constant 80 : index
        %get3A_375 = tpu.vector_load %arg7[%get3A_373, %get3A_374] {strides = array<i32>} : memref<80x128xf32, #tpu.memory_space<vmem>>, vector<16xf32>,
        %get3A_376 = arith.index_cast %add3A_357 : i32 to index
        %get3A_377 = arith.constant 96 : index
        %get3A_378 = tpu.vector_load %arg7[%get3A_376, %get3A_377] {strides = array<i32>} : memref<80x128xf32, #tpu.memory_space<vmem>>, vector<16xf32>,
        %get3A_379 = arith.index_cast %add3A_357 : i32 to index
        %get3A_380 = arith.constant 112 : index
        %get3A_381 = tpu.vector_load %arg7[%get3A_379, %get3A_380] {strides = array<i32>} : memref<80x128xf32, #tpu.memory_space<vmem>>, vector<16xf32>,
        %mul3A_382 = arith.mulf %get3A_360, %get3A_5 : vector<16xf32>
        %mul3A_383 = arith.mulf %get3A_360, %get3A_360 : vector<16xf32>
        %mul3A_384 = arith.mulf %get3A_363, %get3A_7 : vector<16xf32>
        %add3A_385 = arith.addf %mul3A_382, %mul3A_384 : vector<16xf32>
        %mul3A_386 = arith.mulf %get3A_363, %get3A_363 : vector<16xf32>
        %add3A_387 = arith.addf %mul3A_383, %mul3A_386 : vector<16xf32>
        %mul3A_388 = arith.mulf %get3A_366, %get3A_9 : vector<16xf32>
        %add3A_389 = arith.addf %add3A_385, %mul3A_388 : vector<16xf32>
        %mul3A_390 = arith.mulf %get3A_366, %get3A_366 : vector<16xf32>
        %add3A_391 = arith.addf %add3A_387, %mul3A_390 : vector<16xf32>
        %mul3A_392 = arith.mulf %get3A_369, %get3A_11 : vector<16xf32>
        %add3A_393 = arith.addf %add3A_389, %mul3A_392 : vector<16xf32>
        %mul3A_394 = arith.mulf %get3A_369, %get3A_369 : vector<16xf32>
        %add3A_395 = arith.addf %add3A_391, %mul3A_394 : vector<16xf32>
        %mul3A_396 = arith.mulf %get3A_372, %get3A_13 : vector<16xf32>
        %add3A_397 = arith.addf %add3A_393, %mul3A_396 : vector<16xf32>
        %mul3A_398 = arith.mulf %get3A_372, %get3A_372 : vector<16xf32>
        %add3A_399 = arith.addf %add3A_395, %mul3A_398 : vector<16xf32>
        %mul3A_400 = arith.mulf %get3A_375, %get3A_15 : vector<16xf32>
        %add3A_401 = arith.addf %add3A_397, %mul3A_400 : vector<16xf32>
        %mul3A_402 = arith.mulf %get3A_375, %get3A_375 : vector<16xf32>
        %add3A_403 = arith.addf %add3A_399, %mul3A_402 : vector<16xf32>
        %mul3A_404 = arith.mulf %get3A_378, %get3A_17 : vector<16xf32>
        %add3A_405 = arith.addf %add3A_401, %mul3A_404 : vector<16xf32>
        %mul3A_406 = arith.mulf %get3A_378, %get3A_378 : vector<16xf32>
        %add3A_407 = arith.addf %add3A_403, %mul3A_406 : vector<16xf32>
        %mul3A_408 = arith.mulf %get3A_381, %get3A_19 : vector<16xf32>
        %add3A_409 = arith.addf %add3A_405, %mul3A_408 : vector<16xf32>
        %mul3A_410 = arith.mulf %get3A_381, %get3A_381 : vector<16xf32>
        %add3A_411 = arith.addf %add3A_407, %mul3A_410 : vector<16xf32>
        %reduce_sum3A_412 = arith.constant true
        %reduce_sum3A_413 = vector.broadcast %reduce_sum3A_412 : i1 to vector<16xi1>
        %reduce_sum3A_414 = tpu.scan <sum>, %add3A_409 masked %reduce_sum3A_413 : vector<16xf32>, vector<16xi1> -> vector<16xf32>
        %reduce_sum3A_415 = vector.extract %reduce_sum3A_414[15] : f32 from vector<16xf32>
        %broadcast_in_dim3A_416 = vector.broadcast %reduce_sum3A_415 : f32 to vector<16xf32>
        %reduce_sum3A_417 = arith.constant true
        %reduce_sum3A_418 = vector.broadcast %reduce_sum3A_417 : i1 to vector<16xi1>
        %reduce_sum3A_419 = tpu.scan <sum>, %add3A_411 masked %reduce_sum3A_418 : vector<16xf32>, vector<16xi1> -> vector<16xf32>
        %reduce_sum3A_420 = vector.extract %reduce_sum3A_419[15] : f32 from vector<16xf32>
        %broadcast_in_dim3A_421 = vector.broadcast %reduce_sum3A_420 : f32 to vector<16xf32>
        %max3A_422 = arith.constant 1.000000e-16 : f32
        %max3A_423 = vector.broadcast %max3A_422 : f32 to vector<16xf32>
        %max3A_424 = arith.maximumf %broadcast_in_dim3A_421, %max3A_423 : vector<16xf32>
        %mul3A_425 = arith.mulf %max3A_424, %max3A_39 : vector<16xf32>
        %bitcast3A_426 = vector.bitcast %mul3A_425 : vector<16xf32> to vector<16xi32>
        %shift_right_logical3A_427 = arith.constant 1 : i32
        %shift_right_logical3A_428 = vector.broadcast %shift_right_logical3A_427 : i32 to vector<16xi32>
        %shift_right_logical3A_429 = arith.shrui %bitcast3A_426, %shift_right_logical3A_428 : vector<16xi32>
        %sub3A_430 = arith.constant 1597463007 : i32
        %sub3A_431 = vector.broadcast %sub3A_430 : i32 to vector<16xi32>
        %sub3A_432 = arith.subi %sub3A_431, %shift_right_logical3A_429 : vector<16xi32>
        %bitcast3A_433 = vector.bitcast %sub3A_432 : vector<16xi32> to vector<16xf32>
        %mul3A_434 = arith.constant 5.000000e-01 : f32
        %mul3A_435 = vector.broadcast %mul3A_434 : f32 to vector<16xf32>
        %mul3A_436 = arith.mulf %mul3A_435, %mul3A_425 : vector<16xf32>
        %mul3A_437 = arith.mulf %mul3A_436, %bitcast3A_433 : vector<16xf32>
        %mul3A_438 = arith.mulf %mul3A_437, %bitcast3A_433 : vector<16xf32>
        %sub3A_439 = arith.constant 1.500000e+00 : f32
        %sub3A_440 = vector.broadcast %sub3A_439 : f32 to vector<16xf32>
        %sub3A_441 = arith.subf %sub3A_440, %mul3A_438 : vector<16xf32>
        %mul3A_442 = arith.mulf %bitcast3A_433, %sub3A_441 : vector<16xf32>
        %mul3A_443 = arith.mulf %broadcast_in_dim3A_416, %mul3A_442 : vector<16xf32>
        %mul3A_444 = arith.mulf %mul3A_443, %get3A_360 : vector<16xf32>
        %add3A_445 = arith.addf %add3A_341, %mul3A_444 : vector<16xf32>
        %mul3A_446 = arith.mulf %mul3A_443, %get3A_363 : vector<16xf32>
        %add3A_447 = arith.addf %add3A_343, %mul3A_446 : vector<16xf32>
        %mul3A_448 = arith.mulf %mul3A_443, %get3A_366 : vector<16xf32>
        %add3A_449 = arith.addf %add3A_345, %mul3A_448 : vector<16xf32>
        %mul3A_450 = arith.mulf %mul3A_443, %get3A_369 : vector<16xf32>
        %add3A_451 = arith.addf %add3A_347, %mul3A_450 : vector<16xf32>
        %mul3A_452 = arith.mulf %mul3A_443, %get3A_372 : vector<16xf32>
        %add3A_453 = arith.addf %add3A_349, %mul3A_452 : vector<16xf32>
        %mul3A_454 = arith.mulf %mul3A_443, %get3A_375 : vector<16xf32>
        %add3A_455 = arith.addf %add3A_351, %mul3A_454 : vector<16xf32>
        %mul3A_456 = arith.mulf %mul3A_443, %get3A_378 : vector<16xf32>
        %add3A_457 = arith.addf %add3A_353, %mul3A_456 : vector<16xf32>
        %mul3A_458 = arith.mulf %mul3A_443, %get3A_381 : vector<16xf32>
        %add3A_459 = arith.addf %add3A_355, %mul3A_458 : vector<16xf32>
        %add3A_460 = arith.constant 3 : i32
        %add3A_461 = arith.addi %mul3A_150, %add3A_460 : i32
        %get3A_462 = arith.index_cast %add3A_461 : i32 to index
        %get3A_463 = arith.constant 0 : index
        %get3A_464 = tpu.vector_load %arg7[%get3A_462, %get3A_463] {strides = array<i32>} : memref<80x128xf32, #tpu.memory_space<vmem>>, vector<16xf32>,
        %get3A_465 = arith.index_cast %add3A_461 : i32 to index
        %get3A_466 = arith.constant 16 : index
        %get3A_467 = tpu.vector_load %arg7[%get3A_465, %get3A_466] {strides = array<i32>} : memref<80x128xf32, #tpu.memory_space<vmem>>, vector<16xf32>,
        %get3A_468 = arith.index_cast %add3A_461 : i32 to index
        %get3A_469 = arith.constant 32 : index
        %get3A_470 = tpu.vector_load %arg7[%get3A_468, %get3A_469] {strides = array<i32>} : memref<80x128xf32, #tpu.memory_space<vmem>>, vector<16xf32>,
        %get3A_471 = arith.index_cast %add3A_461 : i32 to index
        %get3A_472 = arith.constant 48 : index
        %get3A_473 = tpu.vector_load %arg7[%get3A_471, %get3A_472] {strides = array<i32>} : memref<80x128xf32, #tpu.memory_space<vmem>>, vector<16xf32>,
        %get3A_474 = arith.index_cast %add3A_461 : i32 to index
        %get3A_475 = arith.constant 64 : index
        %get3A_476 = tpu.vector_load %arg7[%get3A_474, %get3A_475] {strides = array<i32>} : memref<80x128xf32, #tpu.memory_space<vmem>>, vector<16xf32>,
        %get3A_477 = arith.index_cast %add3A_461 : i32 to index
        %get3A_478 = arith.constant 80 : index
        %get3A_479 = tpu.vector_load %arg7[%get3A_477, %get3A_478] {strides = array<i32>} : memref<80x128xf32, #tpu.memory_space<vmem>>, vector<16xf32>,
        %get3A_480 = arith.index_cast %add3A_461 : i32 to index
        %get3A_481 = arith.constant 96 : index
        %get3A_482 = tpu.vector_load %arg7[%get3A_480, %get3A_481] {strides = array<i32>} : memref<80x128xf32, #tpu.memory_space<vmem>>, vector<16xf32>,
        %get3A_483 = arith.index_cast %add3A_461 : i32 to index
        %get3A_484 = arith.constant 112 : index
        %get3A_485 = tpu.vector_load %arg7[%get3A_483, %get3A_484] {strides = array<i32>} : memref<80x128xf32, #tpu.memory_space<vmem>>, vector<16xf32>,
        %mul3A_486 = arith.mulf %get3A_464, %get3A_5 : vector<16xf32>
        %mul3A_487 = arith.mulf %get3A_464, %get3A_464 : vector<16xf32>
        %mul3A_488 = arith.mulf %get3A_467, %get3A_7 : vector<16xf32>
        %add3A_489 = arith.addf %mul3A_486, %mul3A_488 : vector<16xf32>
        %mul3A_490 = arith.mulf %get3A_467, %get3A_467 : vector<16xf32>
        %add3A_491 = arith.addf %mul3A_487, %mul3A_490 : vector<16xf32>
        %mul3A_492 = arith.mulf %get3A_470, %get3A_9 : vector<16xf32>
        %add3A_493 = arith.addf %add3A_489, %mul3A_492 : vector<16xf32>
        %mul3A_494 = arith.mulf %get3A_470, %get3A_470 : vector<16xf32>
        %add3A_495 = arith.addf %add3A_491, %mul3A_494 : vector<16xf32>
        %mul3A_496 = arith.mulf %get3A_473, %get3A_11 : vector<16xf32>
        %add3A_497 = arith.addf %add3A_493, %mul3A_496 : vector<16xf32>
        %mul3A_498 = arith.mulf %get3A_473, %get3A_473 : vector<16xf32>
        %add3A_499 = arith.addf %add3A_495, %mul3A_498 : vector<16xf32>
        %mul3A_500 = arith.mulf %get3A_476, %get3A_13 : vector<16xf32>
        %add3A_501 = arith.addf %add3A_497, %mul3A_500 : vector<16xf32>
        %mul3A_502 = arith.mulf %get3A_476, %get3A_476 : vector<16xf32>
        %add3A_503 = arith.addf %add3A_499, %mul3A_502 : vector<16xf32>
        %mul3A_504 = arith.mulf %get3A_479, %get3A_15 : vector<16xf32>
        %add3A_505 = arith.addf %add3A_501, %mul3A_504 : vector<16xf32>
        %mul3A_506 = arith.mulf %get3A_479, %get3A_479 : vector<16xf32>
        %add3A_507 = arith.addf %add3A_503, %mul3A_506 : vector<16xf32>
        %mul3A_508 = arith.mulf %get3A_482, %get3A_17 : vector<16xf32>
        %add3A_509 = arith.addf %add3A_505, %mul3A_508 : vector<16xf32>
        %mul3A_510 = arith.mulf %get3A_482, %get3A_482 : vector<16xf32>
        %add3A_511 = arith.addf %add3A_507, %mul3A_510 : vector<16xf32>
        %mul3A_512 = arith.mulf %get3A_485, %get3A_19 : vector<16xf32>
        %add3A_513 = arith.addf %add3A_509, %mul3A_512 : vector<16xf32>
        %mul3A_514 = arith.mulf %get3A_485, %get3A_485 : vector<16xf32>
        %add3A_515 = arith.addf %add3A_511, %mul3A_514 : vector<16xf32>
        %reduce_sum3A_516 = arith.constant true
        %reduce_sum3A_517 = vector.broadcast %reduce_sum3A_516 : i1 to vector<16xi1>
        %reduce_sum3A_518 = tpu.scan <sum>, %add3A_513 masked %reduce_sum3A_517 : vector<16xf32>, vector<16xi1> -> vector<16xf32>
        %reduce_sum3A_519 = vector.extract %reduce_sum3A_518[15] : f32 from vector<16xf32>
        %broadcast_in_dim3A_520 = vector.broadcast %reduce_sum3A_519 : f32 to vector<16xf32>
        %reduce_sum3A_521 = arith.constant true
        %reduce_sum3A_522 = vector.broadcast %reduce_sum3A_521 : i1 to vector<16xi1>
        %reduce_sum3A_523 = tpu.scan <sum>, %add3A_515 masked %reduce_sum3A_522 : vector<16xf32>, vector<16xi1> -> vector<16xf32>
        %reduce_sum3A_524 = vector.extract %reduce_sum3A_523[15] : f32 from vector<16xf32>
        %broadcast_in_dim3A_525 = vector.broadcast %reduce_sum3A_524 : f32 to vector<16xf32>
        %max3A_526 = arith.constant 1.000000e-16 : f32
        %max3A_527 = vector.broadcast %max3A_526 : f32 to vector<16xf32>
        %max3A_528 = arith.maximumf %broadcast_in_dim3A_525, %max3A_527 : vector<16xf32>
        %mul3A_529 = arith.mulf %max3A_528, %max3A_39 : vector<16xf32>
        %bitcast3A_530 = vector.bitcast %mul3A_529 : vector<16xf32> to vector<16xi32>
        %shift_right_logical3A_531 = arith.constant 1 : i32
        %shift_right_logical3A_532 = vector.broadcast %shift_right_logical3A_531 : i32 to vector<16xi32>
        %shift_right_logical3A_533 = arith.shrui %bitcast3A_530, %shift_right_logical3A_532 : vector<16xi32>
        %sub3A_534 = arith.constant 1597463007 : i32
        %sub3A_535 = vector.broadcast %sub3A_534 : i32 to vector<16xi32>
        %sub3A_536 = arith.subi %sub3A_535, %shift_right_logical3A_533 : vector<16xi32>
        %bitcast3A_537 = vector.bitcast %sub3A_536 : vector<16xi32> to vector<16xf32>
        %mul3A_538 = arith.constant 5.000000e-01 : f32
        %mul3A_539 = vector.broadcast %mul3A_538 : f32 to vector<16xf32>
        %mul3A_540 = arith.mulf %mul3A_539, %mul3A_529 : vector<16xf32>
        %mul3A_541 = arith.mulf %mul3A_540, %bitcast3A_537 : vector<16xf32>
        %mul3A_542 = arith.mulf %mul3A_541, %bitcast3A_537 : vector<16xf32>
        %sub3A_543 = arith.constant 1.500000e+00 : f32
        %sub3A_544 = vector.broadcast %sub3A_543 : f32 to vector<16xf32>
        %sub3A_545 = arith.subf %sub3A_544, %mul3A_542 : vector<16xf32>
        %mul3A_546 = arith.mulf %bitcast3A_537, %sub3A_545 : vector<16xf32>
        %mul3A_547 = arith.mulf %broadcast_in_dim3A_520, %mul3A_546 : vector<16xf32>
        %mul3A_548 = arith.mulf %mul3A_547, %get3A_464 : vector<16xf32>
        %add3A_549 = arith.addf %add3A_445, %mul3A_548 : vector<16xf32>
        %mul3A_550 = arith.mulf %mul3A_547, %get3A_467 : vector<16xf32>
        %add3A_551 = arith.addf %add3A_447, %mul3A_550 : vector<16xf32>
        %mul3A_552 = arith.mulf %mul3A_547, %get3A_470 : vector<16xf32>
        %add3A_553 = arith.addf %add3A_449, %mul3A_552 : vector<16xf32>
        %mul3A_554 = arith.mulf %mul3A_547, %get3A_473 : vector<16xf32>
        %add3A_555 = arith.addf %add3A_451, %mul3A_554 : vector<16xf32>
        %mul3A_556 = arith.mulf %mul3A_547, %get3A_476 : vector<16xf32>
        %add3A_557 = arith.addf %add3A_453, %mul3A_556 : vector<16xf32>
        %mul3A_558 = arith.mulf %mul3A_547, %get3A_479 : vector<16xf32>
        %add3A_559 = arith.addf %add3A_455, %mul3A_558 : vector<16xf32>
        %mul3A_560 = arith.mulf %mul3A_547, %get3A_482 : vector<16xf32>
        %add3A_561 = arith.addf %add3A_457, %mul3A_560 : vector<16xf32>
        %mul3A_562 = arith.mulf %mul3A_547, %get3A_485 : vector<16xf32>
        %add3A_563 = arith.addf %add3A_459, %mul3A_562 : vector<16xf32>
        %add3A_564 = arith.constant 4 : i32
        %add3A_565 = arith.addi %mul3A_150, %add3A_564 : i32
        %get3A_566 = arith.index_cast %add3A_565 : i32 to index
        %get3A_567 = arith.constant 0 : index
        %get3A_568 = tpu.vector_load %arg7[%get3A_566, %get3A_567] {strides = array<i32>} : memref<80x128xf32, #tpu.memory_space<vmem>>, vector<16xf32>,
        %get3A_569 = arith.index_cast %add3A_565 : i32 to index
        %get3A_570 = arith.constant 16 : index
        %get3A_571 = tpu.vector_load %arg7[%get3A_569, %get3A_570] {strides = array<i32>} : memref<80x128xf32, #tpu.memory_space<vmem>>, vector<16xf32>,
        %get3A_572 = arith.index_cast %add3A_565 : i32 to index
        %get3A_573 = arith.constant 32 : index
        %get3A_574 = tpu.vector_load %arg7[%get3A_572, %get3A_573] {strides = array<i32>} : memref<80x128xf32, #tpu.memory_space<vmem>>, vector<16xf32>,
        %get3A_575 = arith.index_cast %add3A_565 : i32 to index
        %get3A_576 = arith.constant 48 : index
        %get3A_577 = tpu.vector_load %arg7[%get3A_575, %get3A_576] {strides = array<i32>} : memref<80x128xf32, #tpu.memory_space<vmem>>, vector<16xf32>,
        %get3A_578 = arith.index_cast %add3A_565 : i32 to index
        %get3A_579 = arith.constant 64 : index
        %get3A_580 = tpu.vector_load %arg7[%get3A_578, %get3A_579] {strides = array<i32>} : memref<80x128xf32, #tpu.memory_space<vmem>>, vector<16xf32>,
        %get3A_581 = arith.index_cast %add3A_565 : i32 to index
        %get3A_582 = arith.constant 80 : index
        %get3A_583 = tpu.vector_load %arg7[%get3A_581, %get3A_582] {strides = array<i32>} : memref<80x128xf32, #tpu.memory_space<vmem>>, vector<16xf32>,
        %get3A_584 = arith.index_cast %add3A_565 : i32 to index
        %get3A_585 = arith.constant 96 : index
        %get3A_586 = tpu.vector_load %arg7[%get3A_584, %get3A_585] {strides = array<i32>} : memref<80x128xf32, #tpu.memory_space<vmem>>, vector<16xf32>,
        %get3A_587 = arith.index_cast %add3A_565 : i32 to index
        %get3A_588 = arith.constant 112 : index
        %get3A_589 = tpu.vector_load %arg7[%get3A_587, %get3A_588] {strides = array<i32>} : memref<80x128xf32, #tpu.memory_space<vmem>>, vector<16xf32>,
        %mul3A_590 = arith.mulf %get3A_568, %get3A_5 : vector<16xf32>
        %mul3A_591 = arith.mulf %get3A_568, %get3A_568 : vector<16xf32>
        %mul3A_592 = arith.mulf %get3A_571, %get3A_7 : vector<16xf32>
        %add3A_593 = arith.addf %mul3A_590, %mul3A_592 : vector<16xf32>
        %mul3A_594 = arith.mulf %get3A_571, %get3A_571 : vector<16xf32>
        %add3A_595 = arith.addf %mul3A_591, %mul3A_594 : vector<16xf32>
        %mul3A_596 = arith.mulf %get3A_574, %get3A_9 : vector<16xf32>
        %add3A_597 = arith.addf %add3A_593, %mul3A_596 : vector<16xf32>
        %mul3A_598 = arith.mulf %get3A_574, %get3A_574 : vector<16xf32>
        %add3A_599 = arith.addf %add3A_595, %mul3A_598 : vector<16xf32>
        %mul3A_600 = arith.mulf %get3A_577, %get3A_11 : vector<16xf32>
        %add3A_601 = arith.addf %add3A_597, %mul3A_600 : vector<16xf32>
        %mul3A_602 = arith.mulf %get3A_577, %get3A_577 : vector<16xf32>
        %add3A_603 = arith.addf %add3A_599, %mul3A_602 : vector<16xf32>
        %mul3A_604 = arith.mulf %get3A_580, %get3A_13 : vector<16xf32>
        %add3A_605 = arith.addf %add3A_601, %mul3A_604 : vector<16xf32>
        %mul3A_606 = arith.mulf %get3A_580, %get3A_580 : vector<16xf32>
        %add3A_607 = arith.addf %add3A_603, %mul3A_606 : vector<16xf32>
        %mul3A_608 = arith.mulf %get3A_583, %get3A_15 : vector<16xf32>
        %add3A_609 = arith.addf %add3A_605, %mul3A_608 : vector<16xf32>
        %mul3A_610 = arith.mulf %get3A_583, %get3A_583 : vector<16xf32>
        %add3A_611 = arith.addf %add3A_607, %mul3A_610 : vector<16xf32>
        %mul3A_612 = arith.mulf %get3A_586, %get3A_17 : vector<16xf32>
        %add3A_613 = arith.addf %add3A_609, %mul3A_612 : vector<16xf32>
        %mul3A_614 = arith.mulf %get3A_586, %get3A_586 : vector<16xf32>
        %add3A_615 = arith.addf %add3A_611, %mul3A_614 : vector<16xf32>
        %mul3A_616 = arith.mulf %get3A_589, %get3A_19 : vector<16xf32>
        %add3A_617 = arith.addf %add3A_613, %mul3A_616 : vector<16xf32>
        %mul3A_618 = arith.mulf %get3A_589, %get3A_589 : vector<16xf32>
        %add3A_619 = arith.addf %add3A_615, %mul3A_618 : vector<16xf32>
        %reduce_sum3A_620 = arith.constant true
        %reduce_sum3A_621 = vector.broadcast %reduce_sum3A_620 : i1 to vector<16xi1>
        %reduce_sum3A_622 = tpu.scan <sum>, %add3A_617 masked %reduce_sum3A_621 : vector<16xf32>, vector<16xi1> -> vector<16xf32>
        %reduce_sum3A_623 = vector.extract %reduce_sum3A_622[15] : f32 from vector<16xf32>
        %broadcast_in_dim3A_624 = vector.broadcast %reduce_sum3A_623 : f32 to vector<16xf32>
        %reduce_sum3A_625 = arith.constant true
        %reduce_sum3A_626 = vector.broadcast %reduce_sum3A_625 : i1 to vector<16xi1>
        %reduce_sum3A_627 = tpu.scan <sum>, %add3A_619 masked %reduce_sum3A_626 : vector<16xf32>, vector<16xi1> -> vector<16xf32>
        %reduce_sum3A_628 = vector.extract %reduce_sum3A_627[15] : f32 from vector<16xf32>
        %broadcast_in_dim3A_629 = vector.broadcast %reduce_sum3A_628 : f32 to vector<16xf32>
        %max3A_630 = arith.constant 1.000000e-16 : f32
        %max3A_631 = vector.broadcast %max3A_630 : f32 to vector<16xf32>
        %max3A_632 = arith.maximumf %broadcast_in_dim3A_629, %max3A_631 : vector<16xf32>
        %mul3A_633 = arith.mulf %max3A_632, %max3A_39 : vector<16xf32>
        %bitcast3A_634 = vector.bitcast %mul3A_633 : vector<16xf32> to vector<16xi32>
        %shift_right_logical3A_635 = arith.constant 1 : i32
        %shift_right_logical3A_636 = vector.broadcast %shift_right_logical3A_635 : i32 to vector<16xi32>
        %shift_right_logical3A_637 = arith.shrui %bitcast3A_634, %shift_right_logical3A_636 : vector<16xi32>
        %sub3A_638 = arith.constant 1597463007 : i32
        %sub3A_639 = vector.broadcast %sub3A_638 : i32 to vector<16xi32>
        %sub3A_640 = arith.subi %sub3A_639, %shift_right_logical3A_637 : vector<16xi32>
        %bitcast3A_641 = vector.bitcast %sub3A_640 : vector<16xi32> to vector<16xf32>
        %mul3A_642 = arith.constant 5.000000e-01 : f32
        %mul3A_643 = vector.broadcast %mul3A_642 : f32 to vector<16xf32>
        %mul3A_644 = arith.mulf %mul3A_643, %mul3A_633 : vector<16xf32>
        %mul3A_645 = arith.mulf %mul3A_644, %bitcast3A_641 : vector<16xf32>
        %mul3A_646 = arith.mulf %mul3A_645, %bitcast3A_641 : vector<16xf32>
        %sub3A_647 = arith.constant 1.500000e+00 : f32
        %sub3A_648 = vector.broadcast %sub3A_647 : f32 to vector<16xf32>
        %sub3A_649 = arith.subf %sub3A_648, %mul3A_646 : vector<16xf32>
        %mul3A_650 = arith.mulf %bitcast3A_641, %sub3A_649 : vector<16xf32>
        %mul3A_651 = arith.mulf %broadcast_in_dim3A_624, %mul3A_650 : vector<16xf32>
        %mul3A_652 = arith.mulf %mul3A_651, %get3A_568 : vector<16xf32>
        %add3A_653 = arith.addf %add3A_549, %mul3A_652 : vector<16xf32>
        %mul3A_654 = arith.mulf %mul3A_651, %get3A_571 : vector<16xf32>
        %add3A_655 = arith.addf %add3A_551, %mul3A_654 : vector<16xf32>
        %mul3A_656 = arith.mulf %mul3A_651, %get3A_574 : vector<16xf32>
        %add3A_657 = arith.addf %add3A_553, %mul3A_656 : vector<16xf32>
        %mul3A_658 = arith.mulf %mul3A_651, %get3A_577 : vector<16xf32>
        %add3A_659 = arith.addf %add3A_555, %mul3A_658 : vector<16xf32>
        %mul3A_660 = arith.mulf %mul3A_651, %get3A_580 : vector<16xf32>
        %add3A_661 = arith.addf %add3A_557, %mul3A_660 : vector<16xf32>
        %mul3A_662 = arith.mulf %mul3A_651, %get3A_583 : vector<16xf32>
        %add3A_663 = arith.addf %add3A_559, %mul3A_662 : vector<16xf32>
        %mul3A_664 = arith.mulf %mul3A_651, %get3A_586 : vector<16xf32>
        %add3A_665 = arith.addf %add3A_561, %mul3A_664 : vector<16xf32>
        %mul3A_666 = arith.mulf %mul3A_651, %get3A_589 : vector<16xf32>
        %add3A_667 = arith.addf %add3A_563, %mul3A_666 : vector<16xf32>
        %add3A_668 = arith.constant 5 : i32
        %add3A_669 = arith.addi %mul3A_150, %add3A_668 : i32
        %get3A_670 = arith.index_cast %add3A_669 : i32 to index
        %get3A_671 = arith.constant 0 : index
        %get3A_672 = tpu.vector_load %arg7[%get3A_670, %get3A_671] {strides = array<i32>} : memref<80x128xf32, #tpu.memory_space<vmem>>, vector<16xf32>,
        %get3A_673 = arith.index_cast %add3A_669 : i32 to index
        %get3A_674 = arith.constant 16 : index
        %get3A_675 = tpu.vector_load %arg7[%get3A_673, %get3A_674] {strides = array<i32>} : memref<80x128xf32, #tpu.memory_space<vmem>>, vector<16xf32>,
        %get3A_676 = arith.index_cast %add3A_669 : i32 to index
        %get3A_677 = arith.constant 32 : index
        %get3A_678 = tpu.vector_load %arg7[%get3A_676, %get3A_677] {strides = array<i32>} : memref<80x128xf32, #tpu.memory_space<vmem>>, vector<16xf32>,
        %get3A_679 = arith.index_cast %add3A_669 : i32 to index
        %get3A_680 = arith.constant 48 : index
        %get3A_681 = tpu.vector_load %arg7[%get3A_679, %get3A_680] {strides = array<i32>} : memref<80x128xf32, #tpu.memory_space<vmem>>, vector<16xf32>,
        %get3A_682 = arith.index_cast %add3A_669 : i32 to index
        %get3A_683 = arith.constant 64 : index
        %get3A_684 = tpu.vector_load %arg7[%get3A_682, %get3A_683] {strides = array<i32>} : memref<80x128xf32, #tpu.memory_space<vmem>>, vector<16xf32>,
        %get3A_685 = arith.index_cast %add3A_669 : i32 to index
        %get3A_686 = arith.constant 80 : index
        %get3A_687 = tpu.vector_load %arg7[%get3A_685, %get3A_686] {strides = array<i32>} : memref<80x128xf32, #tpu.memory_space<vmem>>, vector<16xf32>,
        %get3A_688 = arith.index_cast %add3A_669 : i32 to index
        %get3A_689 = arith.constant 96 : index
        %get3A_690 = tpu.vector_load %arg7[%get3A_688, %get3A_689] {strides = array<i32>} : memref<80x128xf32, #tpu.memory_space<vmem>>, vector<16xf32>,
        %get3A_691 = arith.index_cast %add3A_669 : i32 to index
        %get3A_692 = arith.constant 112 : index
        %get3A_693 = tpu.vector_load %arg7[%get3A_691, %get3A_692] {strides = array<i32>} : memref<80x128xf32, #tpu.memory_space<vmem>>, vector<16xf32>,
        %mul3A_694 = arith.mulf %get3A_672, %get3A_5 : vector<16xf32>
        %mul3A_695 = arith.mulf %get3A_672, %get3A_672 : vector<16xf32>
        %mul3A_696 = arith.mulf %get3A_675, %get3A_7 : vector<16xf32>
        %add3A_697 = arith.addf %mul3A_694, %mul3A_696 : vector<16xf32>
        %mul3A_698 = arith.mulf %get3A_675, %get3A_675 : vector<16xf32>
        %add3A_699 = arith.addf %mul3A_695, %mul3A_698 : vector<16xf32>
        %mul3A_700 = arith.mulf %get3A_678, %get3A_9 : vector<16xf32>
        %add3A_701 = arith.addf %add3A_697, %mul3A_700 : vector<16xf32>
        %mul3A_702 = arith.mulf %get3A_678, %get3A_678 : vector<16xf32>
        %add3A_703 = arith.addf %add3A_699, %mul3A_702 : vector<16xf32>
        %mul3A_704 = arith.mulf %get3A_681, %get3A_11 : vector<16xf32>
        %add3A_705 = arith.addf %add3A_701, %mul3A_704 : vector<16xf32>
        %mul3A_706 = arith.mulf %get3A_681, %get3A_681 : vector<16xf32>
        %add3A_707 = arith.addf %add3A_703, %mul3A_706 : vector<16xf32>
        %mul3A_708 = arith.mulf %get3A_684, %get3A_13 : vector<16xf32>
        %add3A_709 = arith.addf %add3A_705, %mul3A_708 : vector<16xf32>
        %mul3A_710 = arith.mulf %get3A_684, %get3A_684 : vector<16xf32>
        %add3A_711 = arith.addf %add3A_707, %mul3A_710 : vector<16xf32>
        %mul3A_712 = arith.mulf %get3A_687, %get3A_15 : vector<16xf32>
        %add3A_713 = arith.addf %add3A_709, %mul3A_712 : vector<16xf32>
        %mul3A_714 = arith.mulf %get3A_687, %get3A_687 : vector<16xf32>
        %add3A_715 = arith.addf %add3A_711, %mul3A_714 : vector<16xf32>
        %mul3A_716 = arith.mulf %get3A_690, %get3A_17 : vector<16xf32>
        %add3A_717 = arith.addf %add3A_713, %mul3A_716 : vector<16xf32>
        %mul3A_718 = arith.mulf %get3A_690, %get3A_690 : vector<16xf32>
        %add3A_719 = arith.addf %add3A_715, %mul3A_718 : vector<16xf32>
        %mul3A_720 = arith.mulf %get3A_693, %get3A_19 : vector<16xf32>
        %add3A_721 = arith.addf %add3A_717, %mul3A_720 : vector<16xf32>
        %mul3A_722 = arith.mulf %get3A_693, %get3A_693 : vector<16xf32>
        %add3A_723 = arith.addf %add3A_719, %mul3A_722 : vector<16xf32>
        %reduce_sum3A_724 = arith.constant true
        %reduce_sum3A_725 = vector.broadcast %reduce_sum3A_724 : i1 to vector<16xi1>
        %reduce_sum3A_726 = tpu.scan <sum>, %add3A_721 masked %reduce_sum3A_725 : vector<16xf32>, vector<16xi1> -> vector<16xf32>
        %reduce_sum3A_727 = vector.extract %reduce_sum3A_726[15] : f32 from vector<16xf32>
        %broadcast_in_dim3A_728 = vector.broadcast %reduce_sum3A_727 : f32 to vector<16xf32>
        %reduce_sum3A_729 = arith.constant true
        %reduce_sum3A_730 = vector.broadcast %reduce_sum3A_729 : i1 to vector<16xi1>
        %reduce_sum3A_731 = tpu.scan <sum>, %add3A_723 masked %reduce_sum3A_730 : vector<16xf32>, vector<16xi1> -> vector<16xf32>
        %reduce_sum3A_732 = vector.extract %reduce_sum3A_731[15] : f32 from vector<16xf32>
        %broadcast_in_dim3A_733 = vector.broadcast %reduce_sum3A_732 : f32 to vector<16xf32>
        %max3A_734 = arith.constant 1.000000e-16 : f32
        %max3A_735 = vector.broadcast %max3A_734 : f32 to vector<16xf32>
        %max3A_736 = arith.maximumf %broadcast_in_dim3A_733, %max3A_735 : vector<16xf32>
        %mul3A_737 = arith.mulf %max3A_736, %max3A_39 : vector<16xf32>
        %bitcast3A_738 = vector.bitcast %mul3A_737 : vector<16xf32> to vector<16xi32>
        %shift_right_logical3A_739 = arith.constant 1 : i32
        %shift_right_logical3A_740 = vector.broadcast %shift_right_logical3A_739 : i32 to vector<16xi32>
        %shift_right_logical3A_741 = arith.shrui %bitcast3A_738, %shift_right_logical3A_740 : vector<16xi32>
        %sub3A_742 = arith.constant 1597463007 : i32
        %sub3A_743 = vector.broadcast %sub3A_742 : i32 to vector<16xi32>
        %sub3A_744 = arith.subi %sub3A_743, %shift_right_logical3A_741 : vector<16xi32>
        %bitcast3A_745 = vector.bitcast %sub3A_744 : vector<16xi32> to vector<16xf32>
        %mul3A_746 = arith.constant 5.000000e-01 : f32
        %mul3A_747 = vector.broadcast %mul3A_746 : f32 to vector<16xf32>
        %mul3A_748 = arith.mulf %mul3A_747, %mul3A_737 : vector<16xf32>
        %mul3A_749 = arith.mulf %mul3A_748, %bitcast3A_745 : vector<16xf32>
        %mul3A_750 = arith.mulf %mul3A_749, %bitcast3A_745 : vector<16xf32>
        %sub3A_751 = arith.constant 1.500000e+00 : f32
        %sub3A_752 = vector.broadcast %sub3A_751 : f32 to vector<16xf32>
        %sub3A_753 = arith.subf %sub3A_752, %mul3A_750 : vector<16xf32>
        %mul3A_754 = arith.mulf %bitcast3A_745, %sub3A_753 : vector<16xf32>
        %mul3A_755 = arith.mulf %broadcast_in_dim3A_728, %mul3A_754 : vector<16xf32>
        %mul3A_756 = arith.mulf %mul3A_755, %get3A_672 : vector<16xf32>
        %add3A_757 = arith.addf %add3A_653, %mul3A_756 : vector<16xf32>
        %mul3A_758 = arith.mulf %mul3A_755, %get3A_675 : vector<16xf32>
        %add3A_759 = arith.addf %add3A_655, %mul3A_758 : vector<16xf32>
        %mul3A_760 = arith.mulf %mul3A_755, %get3A_678 : vector<16xf32>
        %add3A_761 = arith.addf %add3A_657, %mul3A_760 : vector<16xf32>
        %mul3A_762 = arith.mulf %mul3A_755, %get3A_681 : vector<16xf32>
        %add3A_763 = arith.addf %add3A_659, %mul3A_762 : vector<16xf32>
        %mul3A_764 = arith.mulf %mul3A_755, %get3A_684 : vector<16xf32>
        %add3A_765 = arith.addf %add3A_661, %mul3A_764 : vector<16xf32>
        %mul3A_766 = arith.mulf %mul3A_755, %get3A_687 : vector<16xf32>
        %add3A_767 = arith.addf %add3A_663, %mul3A_766 : vector<16xf32>
        %mul3A_768 = arith.mulf %mul3A_755, %get3A_690 : vector<16xf32>
        %add3A_769 = arith.addf %add3A_665, %mul3A_768 : vector<16xf32>
        %mul3A_770 = arith.mulf %mul3A_755, %get3A_693 : vector<16xf32>
        %add3A_771 = arith.addf %add3A_667, %mul3A_770 : vector<16xf32>
        %add3A_772 = arith.constant 6 : i32
        %add3A_773 = arith.addi %mul3A_150, %add3A_772 : i32
        %get3A_774 = arith.index_cast %add3A_773 : i32 to index
        %get3A_775 = arith.constant 0 : index
        %get3A_776 = tpu.vector_load %arg7[%get3A_774, %get3A_775] {strides = array<i32>} : memref<80x128xf32, #tpu.memory_space<vmem>>, vector<16xf32>,
        %get3A_777 = arith.index_cast %add3A_773 : i32 to index
        %get3A_778 = arith.constant 16 : index
        %get3A_779 = tpu.vector_load %arg7[%get3A_777, %get3A_778] {strides = array<i32>} : memref<80x128xf32, #tpu.memory_space<vmem>>, vector<16xf32>,
        %get3A_780 = arith.index_cast %add3A_773 : i32 to index
        %get3A_781 = arith.constant 32 : index
        %get3A_782 = tpu.vector_load %arg7[%get3A_780, %get3A_781] {strides = array<i32>} : memref<80x128xf32, #tpu.memory_space<vmem>>, vector<16xf32>,
        %get3A_783 = arith.index_cast %add3A_773 : i32 to index
        %get3A_784 = arith.constant 48 : index
        %get3A_785 = tpu.vector_load %arg7[%get3A_783, %get3A_784] {strides = array<i32>} : memref<80x128xf32, #tpu.memory_space<vmem>>, vector<16xf32>,
        %get3A_786 = arith.index_cast %add3A_773 : i32 to index
        %get3A_787 = arith.constant 64 : index
        %get3A_788 = tpu.vector_load %arg7[%get3A_786, %get3A_787] {strides = array<i32>} : memref<80x128xf32, #tpu.memory_space<vmem>>, vector<16xf32>,
        %get3A_789 = arith.index_cast %add3A_773 : i32 to index
        %get3A_790 = arith.constant 80 : index
        %get3A_791 = tpu.vector_load %arg7[%get3A_789, %get3A_790] {strides = array<i32>} : memref<80x128xf32, #tpu.memory_space<vmem>>, vector<16xf32>,
        %get3A_792 = arith.index_cast %add3A_773 : i32 to index
        %get3A_793 = arith.constant 96 : index
        %get3A_794 = tpu.vector_load %arg7[%get3A_792, %get3A_793] {strides = array<i32>} : memref<80x128xf32, #tpu.memory_space<vmem>>, vector<16xf32>,
        %get3A_795 = arith.index_cast %add3A_773 : i32 to index
        %get3A_796 = arith.constant 112 : index
        %get3A_797 = tpu.vector_load %arg7[%get3A_795, %get3A_796] {strides = array<i32>} : memref<80x128xf32, #tpu.memory_space<vmem>>, vector<16xf32>,
        %mul3A_798 = arith.mulf %get3A_776, %get3A_5 : vector<16xf32>
        %mul3A_799 = arith.mulf %get3A_776, %get3A_776 : vector<16xf32>
        %mul3A_800 = arith.mulf %get3A_779, %get3A_7 : vector<16xf32>
        %add3A_801 = arith.addf %mul3A_798, %mul3A_800 : vector<16xf32>
        %mul3A_802 = arith.mulf %get3A_779, %get3A_779 : vector<16xf32>
        %add3A_803 = arith.addf %mul3A_799, %mul3A_802 : vector<16xf32>
        %mul3A_804 = arith.mulf %get3A_782, %get3A_9 : vector<16xf32>
        %add3A_805 = arith.addf %add3A_801, %mul3A_804 : vector<16xf32>
        %mul3A_806 = arith.mulf %get3A_782, %get3A_782 : vector<16xf32>
        %add3A_807 = arith.addf %add3A_803, %mul3A_806 : vector<16xf32>
        %mul3A_808 = arith.mulf %get3A_785, %get3A_11 : vector<16xf32>
        %add3A_809 = arith.addf %add3A_805, %mul3A_808 : vector<16xf32>
        %mul3A_810 = arith.mulf %get3A_785, %get3A_785 : vector<16xf32>
        %add3A_811 = arith.addf %add3A_807, %mul3A_810 : vector<16xf32>
        %mul3A_812 = arith.mulf %get3A_788, %get3A_13 : vector<16xf32>
        %add3A_813 = arith.addf %add3A_809, %mul3A_812 : vector<16xf32>
        %mul3A_814 = arith.mulf %get3A_788, %get3A_788 : vector<16xf32>
        %add3A_815 = arith.addf %add3A_811, %mul3A_814 : vector<16xf32>
        %mul3A_816 = arith.mulf %get3A_791, %get3A_15 : vector<16xf32>
        %add3A_817 = arith.addf %add3A_813, %mul3A_816 : vector<16xf32>
        %mul3A_818 = arith.mulf %get3A_791, %get3A_791 : vector<16xf32>
        %add3A_819 = arith.addf %add3A_815, %mul3A_818 : vector<16xf32>
        %mul3A_820 = arith.mulf %get3A_794, %get3A_17 : vector<16xf32>
        %add3A_821 = arith.addf %add3A_817, %mul3A_820 : vector<16xf32>
        %mul3A_822 = arith.mulf %get3A_794, %get3A_794 : vector<16xf32>
        %add3A_823 = arith.addf %add3A_819, %mul3A_822 : vector<16xf32>
        %mul3A_824 = arith.mulf %get3A_797, %get3A_19 : vector<16xf32>
        %add3A_825 = arith.addf %add3A_821, %mul3A_824 : vector<16xf32>
        %mul3A_826 = arith.mulf %get3A_797, %get3A_797 : vector<16xf32>
        %add3A_827 = arith.addf %add3A_823, %mul3A_826 : vector<16xf32>
        %reduce_sum3A_828 = arith.constant true
        %reduce_sum3A_829 = vector.broadcast %reduce_sum3A_828 : i1 to vector<16xi1>
        %reduce_sum3A_830 = tpu.scan <sum>, %add3A_825 masked %reduce_sum3A_829 : vector<16xf32>, vector<16xi1> -> vector<16xf32>
        %reduce_sum3A_831 = vector.extract %reduce_sum3A_830[15] : f32 from vector<16xf32>
        %broadcast_in_dim3A_832 = vector.broadcast %reduce_sum3A_831 : f32 to vector<16xf32>
        %reduce_sum3A_833 = arith.constant true
        %reduce_sum3A_834 = vector.broadcast %reduce_sum3A_833 : i1 to vector<16xi1>
        %reduce_sum3A_835 = tpu.scan <sum>, %add3A_827 masked %reduce_sum3A_834 : vector<16xf32>, vector<16xi1> -> vector<16xf32>
        %reduce_sum3A_836 = vector.extract %reduce_sum3A_835[15] : f32 from vector<16xf32>
        %broadcast_in_dim3A_837 = vector.broadcast %reduce_sum3A_836 : f32 to vector<16xf32>
        %max3A_838 = arith.constant 1.000000e-16 : f32
        %max3A_839 = vector.broadcast %max3A_838 : f32 to vector<16xf32>
        %max3A_840 = arith.maximumf %broadcast_in_dim3A_837, %max3A_839 : vector<16xf32>
        %mul3A_841 = arith.mulf %max3A_840, %max3A_39 : vector<16xf32>
        %bitcast3A_842 = vector.bitcast %mul3A_841 : vector<16xf32> to vector<16xi32>
        %shift_right_logical3A_843 = arith.constant 1 : i32
        %shift_right_logical3A_844 = vector.broadcast %shift_right_logical3A_843 : i32 to vector<16xi32>
        %shift_right_logical3A_845 = arith.shrui %bitcast3A_842, %shift_right_logical3A_844 : vector<16xi32>
        %sub3A_846 = arith.constant 1597463007 : i32
        %sub3A_847 = vector.broadcast %sub3A_846 : i32 to vector<16xi32>
        %sub3A_848 = arith.subi %sub3A_847, %shift_right_logical3A_845 : vector<16xi32>
        %bitcast3A_849 = vector.bitcast %sub3A_848 : vector<16xi32> to vector<16xf32>
        %mul3A_850 = arith.constant 5.000000e-01 : f32
        %mul3A_851 = vector.broadcast %mul3A_850 : f32 to vector<16xf32>
        %mul3A_852 = arith.mulf %mul3A_851, %mul3A_841 : vector<16xf32>
        %mul3A_853 = arith.mulf %mul3A_852, %bitcast3A_849 : vector<16xf32>
        %mul3A_854 = arith.mulf %mul3A_853, %bitcast3A_849 : vector<16xf32>
        %sub3A_855 = arith.constant 1.500000e+00 : f32
        %sub3A_856 = vector.broadcast %sub3A_855 : f32 to vector<16xf32>
        %sub3A_857 = arith.subf %sub3A_856, %mul3A_854 : vector<16xf32>
        %mul3A_858 = arith.mulf %bitcast3A_849, %sub3A_857 : vector<16xf32>
        %mul3A_859 = arith.mulf %broadcast_in_dim3A_832, %mul3A_858 : vector<16xf32>
        %mul3A_860 = arith.mulf %mul3A_859, %get3A_776 : vector<16xf32>
        %add3A_861 = arith.addf %add3A_757, %mul3A_860 : vector<16xf32>
        %mul3A_862 = arith.mulf %mul3A_859, %get3A_779 : vector<16xf32>
        %add3A_863 = arith.addf %add3A_759, %mul3A_862 : vector<16xf32>
        %mul3A_864 = arith.mulf %mul3A_859, %get3A_782 : vector<16xf32>
        %add3A_865 = arith.addf %add3A_761, %mul3A_864 : vector<16xf32>
        %mul3A_866 = arith.mulf %mul3A_859, %get3A_785 : vector<16xf32>
        %add3A_867 = arith.addf %add3A_763, %mul3A_866 : vector<16xf32>
        %mul3A_868 = arith.mulf %mul3A_859, %get3A_788 : vector<16xf32>
        %add3A_869 = arith.addf %add3A_765, %mul3A_868 : vector<16xf32>
        %mul3A_870 = arith.mulf %mul3A_859, %get3A_791 : vector<16xf32>
        %add3A_871 = arith.addf %add3A_767, %mul3A_870 : vector<16xf32>
        %mul3A_872 = arith.mulf %mul3A_859, %get3A_794 : vector<16xf32>
        %add3A_873 = arith.addf %add3A_769, %mul3A_872 : vector<16xf32>
        %mul3A_874 = arith.mulf %mul3A_859, %get3A_797 : vector<16xf32>
        %add3A_875 = arith.addf %add3A_771, %mul3A_874 : vector<16xf32>
        %add3A_876 = arith.constant 7 : i32
        %add3A_877 = arith.addi %mul3A_150, %add3A_876 : i32
        %get3A_878 = arith.index_cast %add3A_877 : i32 to index
        %get3A_879 = arith.constant 0 : index
        %get3A_880 = tpu.vector_load %arg7[%get3A_878, %get3A_879] {strides = array<i32>} : memref<80x128xf32, #tpu.memory_space<vmem>>, vector<16xf32>,
        %get3A_881 = arith.index_cast %add3A_877 : i32 to index
        %get3A_882 = arith.constant 16 : index
        %get3A_883 = tpu.vector_load %arg7[%get3A_881, %get3A_882] {strides = array<i32>} : memref<80x128xf32, #tpu.memory_space<vmem>>, vector<16xf32>,
        %get3A_884 = arith.index_cast %add3A_877 : i32 to index
        %get3A_885 = arith.constant 32 : index
        %get3A_886 = tpu.vector_load %arg7[%get3A_884, %get3A_885] {strides = array<i32>} : memref<80x128xf32, #tpu.memory_space<vmem>>, vector<16xf32>,
        %get3A_887 = arith.index_cast %add3A_877 : i32 to index
        %get3A_888 = arith.constant 48 : index
        %get3A_889 = tpu.vector_load %arg7[%get3A_887, %get3A_888] {strides = array<i32>} : memref<80x128xf32, #tpu.memory_space<vmem>>, vector<16xf32>,
        %get3A_890 = arith.index_cast %add3A_877 : i32 to index
        %get3A_891 = arith.constant 64 : index
        %get3A_892 = tpu.vector_load %arg7[%get3A_890, %get3A_891] {strides = array<i32>} : memref<80x128xf32, #tpu.memory_space<vmem>>, vector<16xf32>,
        %get3A_893 = arith.index_cast %add3A_877 : i32 to index
        %get3A_894 = arith.constant 80 : index
        %get3A_895 = tpu.vector_load %arg7[%get3A_893, %get3A_894] {strides = array<i32>} : memref<80x128xf32, #tpu.memory_space<vmem>>, vector<16xf32>,
        %get3A_896 = arith.index_cast %add3A_877 : i32 to index
        %get3A_897 = arith.constant 96 : index
        %get3A_898 = tpu.vector_load %arg7[%get3A_896, %get3A_897] {strides = array<i32>} : memref<80x128xf32, #tpu.memory_space<vmem>>, vector<16xf32>,
        %get3A_899 = arith.index_cast %add3A_877 : i32 to index
        %get3A_900 = arith.constant 112 : index
        %get3A_901 = tpu.vector_load %arg7[%get3A_899, %get3A_900] {strides = array<i32>} : memref<80x128xf32, #tpu.memory_space<vmem>>, vector<16xf32>,
        %mul3A_902 = arith.mulf %get3A_880, %get3A_5 : vector<16xf32>
        %mul3A_903 = arith.mulf %get3A_880, %get3A_880 : vector<16xf32>
        %mul3A_904 = arith.mulf %get3A_883, %get3A_7 : vector<16xf32>
        %add3A_905 = arith.addf %mul3A_902, %mul3A_904 : vector<16xf32>
        %mul3A_906 = arith.mulf %get3A_883, %get3A_883 : vector<16xf32>
        %add3A_907 = arith.addf %mul3A_903, %mul3A_906 : vector<16xf32>
        %mul3A_908 = arith.mulf %get3A_886, %get3A_9 : vector<16xf32>
        %add3A_909 = arith.addf %add3A_905, %mul3A_908 : vector<16xf32>
        %mul3A_910 = arith.mulf %get3A_886, %get3A_886 : vector<16xf32>
        %add3A_911 = arith.addf %add3A_907, %mul3A_910 : vector<16xf32>
        %mul3A_912 = arith.mulf %get3A_889, %get3A_11 : vector<16xf32>
        %add3A_913 = arith.addf %add3A_909, %mul3A_912 : vector<16xf32>
        %mul3A_914 = arith.mulf %get3A_889, %get3A_889 : vector<16xf32>
        %add3A_915 = arith.addf %add3A_911, %mul3A_914 : vector<16xf32>
        %mul3A_916 = arith.mulf %get3A_892, %get3A_13 : vector<16xf32>
        %add3A_917 = arith.addf %add3A_913, %mul3A_916 : vector<16xf32>
        %mul3A_918 = arith.mulf %get3A_892, %get3A_892 : vector<16xf32>
        %add3A_919 = arith.addf %add3A_915, %mul3A_918 : vector<16xf32>
        %mul3A_920 = arith.mulf %get3A_895, %get3A_15 : vector<16xf32>
        %add3A_921 = arith.addf %add3A_917, %mul3A_920 : vector<16xf32>
        %mul3A_922 = arith.mulf %get3A_895, %get3A_895 : vector<16xf32>
        %add3A_923 = arith.addf %add3A_919, %mul3A_922 : vector<16xf32>
        %mul3A_924 = arith.mulf %get3A_898, %get3A_17 : vector<16xf32>
        %add3A_925 = arith.addf %add3A_921, %mul3A_924 : vector<16xf32>
        %mul3A_926 = arith.mulf %get3A_898, %get3A_898 : vector<16xf32>
        %add3A_927 = arith.addf %add3A_923, %mul3A_926 : vector<16xf32>
        %mul3A_928 = arith.mulf %get3A_901, %get3A_19 : vector<16xf32>
        %add3A_929 = arith.addf %add3A_925, %mul3A_928 : vector<16xf32>
        %mul3A_930 = arith.mulf %get3A_901, %get3A_901 : vector<16xf32>
        %add3A_931 = arith.addf %add3A_927, %mul3A_930 : vector<16xf32>
        %reduce_sum3A_932 = arith.constant true
        %reduce_sum3A_933 = vector.broadcast %reduce_sum3A_932 : i1 to vector<16xi1>
        %reduce_sum3A_934 = tpu.scan <sum>, %add3A_929 masked %reduce_sum3A_933 : vector<16xf32>, vector<16xi1> -> vector<16xf32>
        %reduce_sum3A_935 = vector.extract %reduce_sum3A_934[15] : f32 from vector<16xf32>
        %broadcast_in_dim3A_936 = vector.broadcast %reduce_sum3A_935 : f32 to vector<16xf32>
        %reduce_sum3A_937 = arith.constant true
        %reduce_sum3A_938 = vector.broadcast %reduce_sum3A_937 : i1 to vector<16xi1>
        %reduce_sum3A_939 = tpu.scan <sum>, %add3A_931 masked %reduce_sum3A_938 : vector<16xf32>, vector<16xi1> -> vector<16xf32>
        %reduce_sum3A_940 = vector.extract %reduce_sum3A_939[15] : f32 from vector<16xf32>
        %broadcast_in_dim3A_941 = vector.broadcast %reduce_sum3A_940 : f32 to vector<16xf32>
        %max3A_942 = arith.constant 1.000000e-16 : f32
        %max3A_943 = vector.broadcast %max3A_942 : f32 to vector<16xf32>
        %max3A_944 = arith.maximumf %broadcast_in_dim3A_941, %max3A_943 : vector<16xf32>
        %mul3A_945 = arith.mulf %max3A_944, %max3A_39 : vector<16xf32>
        %bitcast3A_946 = vector.bitcast %mul3A_945 : vector<16xf32> to vector<16xi32>
        %shift_right_logical3A_947 = arith.constant 1 : i32
        %shift_right_logical3A_948 = vector.broadcast %shift_right_logical3A_947 : i32 to vector<16xi32>
        %shift_right_logical3A_949 = arith.shrui %bitcast3A_946, %shift_right_logical3A_948 : vector<16xi32>
        %sub3A_950 = arith.constant 1597463007 : i32
        %sub3A_951 = vector.broadcast %sub3A_950 : i32 to vector<16xi32>
        %sub3A_952 = arith.subi %sub3A_951, %shift_right_logical3A_949 : vector<16xi32>
        %bitcast3A_953 = vector.bitcast %sub3A_952 : vector<16xi32> to vector<16xf32>
        %mul3A_954 = arith.constant 5.000000e-01 : f32
        %mul3A_955 = vector.broadcast %mul3A_954 : f32 to vector<16xf32>
        %mul3A_956 = arith.mulf %mul3A_955, %mul3A_945 : vector<16xf32>
        %mul3A_957 = arith.mulf %mul3A_956, %bitcast3A_953 : vector<16xf32>
        %mul3A_958 = arith.mulf %mul3A_957, %bitcast3A_953 : vector<16xf32>
        %sub3A_959 = arith.constant 1.500000e+00 : f32
        %sub3A_960 = vector.broadcast %sub3A_959 : f32 to vector<16xf32>
        %sub3A_961 = arith.subf %sub3A_960, %mul3A_958 : vector<16xf32>
        %mul3A_962 = arith.mulf %bitcast3A_953, %sub3A_961 : vector<16xf32>
        %mul3A_963 = arith.mulf %broadcast_in_dim3A_936, %mul3A_962 : vector<16xf32>
        %mul3A_964 = arith.mulf %mul3A_963, %get3A_880 : vector<16xf32>
        %add3A_965 = arith.addf %add3A_861, %mul3A_964 : vector<16xf32>
        %mul3A_966 = arith.mulf %mul3A_963, %get3A_883 : vector<16xf32>
        %add3A_967 = arith.addf %add3A_863, %mul3A_966 : vector<16xf32>
        %mul3A_968 = arith.mulf %mul3A_963, %get3A_886 : vector<16xf32>
        %add3A_969 = arith.addf %add3A_865, %mul3A_968 : vector<16xf32>
        %mul3A_970 = arith.mulf %mul3A_963, %get3A_889 : vector<16xf32>
        %add3A_971 = arith.addf %add3A_867, %mul3A_970 : vector<16xf32>
        %mul3A_972 = arith.mulf %mul3A_963, %get3A_892 : vector<16xf32>
        %add3A_973 = arith.addf %add3A_869, %mul3A_972 : vector<16xf32>
        %mul3A_974 = arith.mulf %mul3A_963, %get3A_895 : vector<16xf32>
        %add3A_975 = arith.addf %add3A_871, %mul3A_974 : vector<16xf32>
        %mul3A_976 = arith.mulf %mul3A_963, %get3A_898 : vector<16xf32>
        %add3A_977 = arith.addf %add3A_873, %mul3A_976 : vector<16xf32>
        %mul3A_978 = arith.mulf %mul3A_963, %get3A_901 : vector<16xf32>
        %add3A_979 = arith.addf %add3A_875, %mul3A_978 : vector<16xf32>
        scf.yield %add3A_965, %add3A_967, %add3A_969, %add3A_971, %add3A_973, %add3A_975, %add3A_977, %add3A_979 : vector<16xf32>, vector<16xf32>, vector<16xf32>, vector<16xf32>, vector<16xf32>, vector<16xf32>, vector<16xf32>, vector<16xf32>
      }
      %scan3A_139 = arith.constant 10 : i32
      scf.yield %scan3A_138#0, %scan3A_138#1, %scan3A_138#2, %scan3A_138#3, %scan3A_138#4, %scan3A_138#5, %scan3A_138#6, %scan3A_138#7 : vector<16xf32>, vector<16xf32>, vector<16xf32>, vector<16xf32>, vector<16xf32>, vector<16xf32>, vector<16xf32>, vector<16xf32>
    }
    %scan3A_65 = arith.constant 5 : i32
    %swap3A = arith.constant 0 : index
    %swap3A_66 = tpu.vector_load %arg8[%swap3A] {strides = array<i32>} : memref<128xf32, #tpu.memory_space<vmem>>, vector<16xf32>,
    tpu.vector_store %arg8[%swap3A], %scan3A_64#0 {strides = array<i32>} : memref<128xf32, #tpu.memory_space<vmem>>, vector<16xf32>,
    %swap3A_67 = arith.constant 16 : index
    %swap3A_68 = tpu.vector_load %arg8[%swap3A_67] {strides = array<i32>} : memref<128xf32, #tpu.memory_space<vmem>>, vector<16xf32>,
    tpu.vector_store %arg8[%swap3A_67], %scan3A_64#1 {strides = array<i32>} : memref<128xf32, #tpu.memory_space<vmem>>, vector<16xf32>,
    %swap3A_69 = arith.constant 32 : index
    %swap3A_70 = tpu.vector_load %arg8[%swap3A_69] {strides = array<i32>} : memref<128xf32, #tpu.memory_space<vmem>>, vector<16xf32>,
    tpu.vector_store %arg8[%swap3A_69], %scan3A_64#2 {strides = array<i32>} : memref<128xf32, #tpu.memory_space<vmem>>, vector<16xf32>,
    %swap3A_71 = arith.constant 48 : index
    %swap3A_72 = tpu.vector_load %arg8[%swap3A_71] {strides = array<i32>} : memref<128xf32, #tpu.memory_space<vmem>>, vector<16xf32>,
    tpu.vector_store %arg8[%swap3A_71], %scan3A_64#3 {strides = array<i32>} : memref<128xf32, #tpu.memory_space<vmem>>, vector<16xf32>,
    %swap3A_73 = arith.constant 64 : index
    %swap3A_74 = tpu.vector_load %arg8[%swap3A_73] {strides = array<i32>} : memref<128xf32, #tpu.memory_space<vmem>>, vector<16xf32>,
    tpu.vector_store %arg8[%swap3A_73], %scan3A_64#4 {strides = array<i32>} : memref<128xf32, #tpu.memory_space<vmem>>, vector<16xf32>,
    %swap3A_75 = arith.constant 80 : index
    %swap3A_76 = tpu.vector_load %arg8[%swap3A_75] {strides = array<i32>} : memref<128xf32, #tpu.memory_space<vmem>>, vector<16xf32>,
    tpu.vector_store %arg8[%swap3A_75], %scan3A_64#5 {strides = array<i32>} : memref<128xf32, #tpu.memory_space<vmem>>, vector<16xf32>,
    %swap3A_77 = arith.constant 96 : index
    %swap3A_78 = tpu.vector_load %arg8[%swap3A_77] {strides = array<i32>} : memref<128xf32, #tpu.memory_space<vmem>>, vector<16xf32>,
    tpu.vector_store %arg8[%swap3A_77], %scan3A_64#6 {strides = array<i32>} : memref<128xf32, #tpu.memory_space<vmem>>, vector<16xf32>,
    %swap3A_79 = arith.constant 112 : index
    %swap3A_80 = tpu.vector_load %arg8[%swap3A_79] {strides = array<i32>} : memref<128xf32, #tpu.memory_space<vmem>>, vector<16xf32>,
    tpu.vector_store %arg8[%swap3A_79], %scan3A_64#7 {strides = array<i32>} : memref<128xf32, #tpu.memory_space<vmem>>, vector<16xf32>,
    %dma_start3A_81 = arith.constant 0 : i32
    %dma_start3A_82 = tpu.memref_slice %arg4[%add3A, %dma_start3A_81] : memref<32x128xf32, #tpu.memory_space<hbm>> -> memref<1x128xf32, #tpu.memory_space<hbm>>
    %dma_start3A_83 = tpu.memref_squeeze %dma_start3A_82 : memref<1x128xf32, #tpu.memory_space<hbm>> -> memref<128xf32, #tpu.memory_space<hbm>>
    %dma_start3A_84 = arith.constant 0 : i32
    %dma_start3A_85 = tpu.memref_slice %arg4[%add3A, %dma_start3A_84] : memref<32x128xf32, #tpu.memory_space<hbm>> -> memref<1x128xf32, #tpu.memory_space<hbm>>
    %dma_start3A_86 = tpu.memref_squeeze %dma_start3A_85 : memref<1x128xf32, #tpu.memory_space<hbm>> -> memref<128xf32, #tpu.memory_space<hbm>>
    tpu.enqueue_dma source(%arg8 : memref<128xf32, #tpu.memory_space<vmem>>) target(%dma_start3A_86 : memref<128xf32, #tpu.memory_space<hbm>>) target_semaphore(%arg11 : memref<!tpu.dma_semaphore, #tpu.memory_space<semaphore_mem>>)
    %dma_wait3A = arith.constant 0 : i32
    %dma_wait3A_87 = tpu.memref_slice %arg4[%add3A, %dma_wait3A] : memref<32x128xf32, #tpu.memory_space<hbm>> -> memref<1x128xf32, #tpu.memory_space<hbm>>
    %dma_wait3A_88 = tpu.memref_squeeze %dma_wait3A_87 : memref<1x128xf32, #tpu.memory_space<hbm>> -> memref<128xf32, #tpu.memory_space<hbm>>
    %dma_wait3A_89 = arith.constant 0 : i32
    %dma_wait3A_90 = tpu.memref_slice %arg4[%add3A, %dma_wait3A_89] : memref<32x128xf32, #tpu.memory_space<hbm>> -> memref<1x128xf32, #tpu.memory_space<hbm>>
    %dma_wait3A_91 = tpu.memref_squeeze %dma_wait3A_90 : memref<1x128xf32, #tpu.memory_space<hbm>> -> memref<128xf32, #tpu.memory_space<hbm>>
    tpu.wait_dma2 semaphore(%arg11 : memref<!tpu.dma_semaphore, #tpu.memory_space<semaphore_mem>>) src(%arg8 : memref<128xf32, #tpu.memory_space<vmem>>) dst(%dma_wait3A_91 : memref<128xf32, #tpu.memory_space<hbm>>)
    return
  }
}

module attributes {stable_mosaic.version = 14 : i64} {
  func.func @_combine_body(%arg0: memref<32x128xf32, #tpu.memory_space<vmem>>, %arg1: memref<1x128xf32, #tpu.memory_space<vmem>>, %arg2: memref<1x128xf32, #tpu.memory_space<vmem>>) attributes {dimension_semantics = [], scalar_prefetch = 0 : i64, scratch_operands = 0 : i64, tpu.core_type = #tpu.core_type<tc>} {
    %get3A = arith.constant 0 : index
    %get3A_0 = arith.constant 0 : index
    %get3A_1 = vector.load %arg0[%get3A, %get3A_0] : memref<32x128xf32, #tpu.memory_space<vmem>>, vector<32x128xf32>
    %reduce_sum3A = arith.constant dense<0.000000e+00> : vector<128xf32>
    %reduce_sum3A_2 = vector.multi_reduction <add>, %get3A_1, %reduce_sum3A [0] : vector<32x128xf32> to vector<128xf32>
    %get3A_3 = arith.constant 0 : index
    %get3A_4 = arith.constant 0 : index
    %get3A_5 = vector.load %arg1[%get3A_3, %get3A_4] : memref<1x128xf32, #tpu.memory_space<vmem>>, vector<1x128xf32>
    %get3A_6 = vector.shape_cast %get3A_5 : vector<1x128xf32> to vector<128xf32>
    %add3A = arith.addf %reduce_sum3A_2, %get3A_6 : vector<128xf32>
    %abs3A = math.absf %add3A : vector<128xf32>
    %reduce_max3A = vector.shape_cast %abs3A : vector<128xf32> to vector<1x128xf32>
    %reduce_max3A_7 = arith.constant dense<0xFF800000> : vector<1xf32>
    %reduce_max3A_8 = vector.multi_reduction <maximumf>, %reduce_max3A, %reduce_max3A_7 [1] : vector<1x128xf32> to vector<1xf32>
    %reduce_max3A_9 = vector.shape_cast %reduce_max3A_8 : vector<1xf32> to vector<1x1xf32>
    %reduce_max3A_10 = vector.extract %reduce_max3A_9[0, 0] : f32 from vector<1x1xf32>
    %div3A = vector.broadcast %reduce_max3A_10 : f32 to vector<128xf32>
    %div3A_11 = arith.divf %add3A, %div3A : vector<128xf32>
    %broadcast_in_dim3A = vector.shape_cast %div3A_11 : vector<128xf32> to vector<1x128xf32>
    %swap3A = arith.constant 0 : index
    %swap3A_12 = arith.constant 0 : index
    %swap3A_13 = vector.load %arg2[%swap3A, %swap3A_12] : memref<1x128xf32, #tpu.memory_space<vmem>>, vector<1x128xf32>
    tpu.vector_store %arg2[%swap3A, %swap3A_12], %broadcast_in_dim3A {strides = array<i32>} : memref<1x128xf32, #tpu.memory_space<vmem>>, vector<1x128xf32>,
    return
  }
}

module attributes {stable_mosaic.version = 14 : i64} {
  func.func @_tc_body(%arg0: i32, %arg1: memref<1x128xf32, #tpu.memory_space<vmem>>, %arg2: memref<7440x128xf32, #tpu.memory_space<vmem>>, %arg3: memref<1x128xf32, #tpu.memory_space<vmem>>, %arg4: memref<1x128xf32, #tpu.memory_space<vmem>>) attributes {dimension_semantics = [#tpu.dimension_semantics<arbitrary>], iteration_bounds = array<i64: 10>, scalar_prefetch = 0 : i64, scratch_operands = 1 : i64, tpu.core_type = #tpu.core_type<tc>, window_params = [{pipeline_mode = #tpu.pipeline_mode<synchronous>, transform_indices = @transform_0, window_bounds = array<i64: 1, 128>}, {transform_indices = @transform_1, window_bounds = array<i64: 7440, 128>}, {pipeline_mode = #tpu.pipeline_mode<synchronous>, transform_indices = @transform_2, window_bounds = array<i64: 1, 128>}]} {
    %get3A = arith.constant 0 : index
    %get3A_0 = arith.constant 0 : index
    %get3A_1 = vector.load %arg1[%get3A, %get3A_0] : memref<1x128xf32, #tpu.memory_space<vmem>>, vector<1x128xf32>
    %broadcast_in_dim3A = arith.constant 1.000000e+00 : f32
    %broadcast_in_dim3A_2 = vector.broadcast %broadcast_in_dim3A : f32 to vector<1x128xf32>
    %mul3A = arith.mulf %get3A_1, %get3A_1 : vector<1x128xf32>
    %reduce_sum3A = vector.shape_cast %mul3A : vector<1x128xf32> to vector<1x1x128xf32>
    %reduce_sum3A_3 = arith.constant dense<0.000000e+00> : vector<1xf32>
    %reduce_sum3A_4 = vector.multi_reduction <add>, %reduce_sum3A, %reduce_sum3A_3 [1, 2] : vector<1x1x128xf32> to vector<1xf32>
    %reduce_sum3A_5 = vector.shape_cast %reduce_sum3A_4 : vector<1xf32> to vector<1x1x1xf32>
    %reduce_sum3A_6 = vector.extract %reduce_sum3A_5[0, 0, 0] : f32 from vector<1x1x1xf32>
    %max3A = arith.constant 1.000000e-16 : f32
    %max3A_7 = arith.maximumf %reduce_sum3A_6, %max3A : f32
    %get3A_8 = arith.constant 0 : index
    %get3A_9 = arith.constant 0 : index
    %get3A_10 = vector.load %arg2[%get3A_8, %get3A_9] : memref<7440x128xf32, #tpu.memory_space<vmem>>, vector<7440x128xf32>
    %dot_general3A = arith.constant dense<0.000000e+00> : vector<1x7440xf32>
    %dot_general3A_11 = tpu.matmul %get3A_1, %get3A_10, %dot_general3A {dimension_numbers = #tpu.dot_dimension_numbers<[1], [1], [0], [0], [0, 0, 1, 0], [], []>, transpose_lhs_hint = false} : vector<1x128xf32>, vector<7440x128xf32>, vector<1x7440xf32> -> vector<1x7440xf32>
    %mul3A_12 = arith.mulf %get3A_10, %get3A_10 : vector<7440x128xf32>
    %dot_general3A_13 = arith.constant dense<0.000000e+00> : vector<1x7440xf32>
    %dot_general3A_14 = tpu.matmul %broadcast_in_dim3A_2, %mul3A_12, %dot_general3A_13 {dimension_numbers = #tpu.dot_dimension_numbers<[1], [1], [0], [0], [0, 0, 1, 0], [], []>, transpose_lhs_hint = false} : vector<1x128xf32>, vector<7440x128xf32>, vector<1x7440xf32> -> vector<1x7440xf32>
    %max3A_15 = arith.constant 1.000000e-16 : f32
    %max3A_16 = vector.broadcast %max3A_15 : f32 to vector<1x7440xf32>
    %max3A_17 = arith.maximumf %dot_general3A_14, %max3A_16 : vector<1x7440xf32>
    %mul3A_18 = vector.broadcast %max3A_7 : f32 to vector<1x7440xf32>
    %mul3A_19 = arith.mulf %max3A_17, %mul3A_18 : vector<1x7440xf32>
    %rsqrt3A = math.rsqrt %mul3A_19 : vector<1x7440xf32>
    %mul3A_20 = arith.mulf %dot_general3A_11, %rsqrt3A : vector<1x7440xf32>
    %dot_general3A_21 = arith.constant dense<0.000000e+00> : vector<1x128xf32>
    %dot_general3A_22 = tpu.matmul %mul3A_20, %get3A_10, %dot_general3A_21 {dimension_numbers = #tpu.dot_dimension_numbers<[1], [0], [0], [1], [0, 0, 1, 1], [], []>, transpose_lhs_hint = false} : vector<1x7440xf32>, vector<7440x128xf32>, vector<1x128xf32> -> vector<1x128xf32>
    %eq3A = arith.constant 0 : i32
    %eq3A_23 = arith.cmpi eq, %arg0, %eq3A : i32
    %convert_element_type3A = arith.extui %eq3A_23 : i1 to i32
    %cond3A = arith.constant 0 : i32
    %cond3A_24 = arith.cmpi ne, %convert_element_type3A, %cond3A : i32
    scf.if %cond3A_24 {
      %broadcast_in_dim3A_35 = arith.constant 0.000000e+00 : f32
      %broadcast_in_dim3A_36 = vector.broadcast %broadcast_in_dim3A_35 : f32 to vector<1x128xf32>
      %swap3A_37 = arith.constant 0 : index
      %swap3A_38 = arith.constant 0 : index
      %swap3A_39 = vector.load %arg4[%swap3A_37, %swap3A_38] : memref<1x128xf32, #tpu.memory_space<vmem>>, vector<1x128xf32>
      tpu.vector_store %arg4[%swap3A_37, %swap3A_38], %broadcast_in_dim3A_36 {strides = array<i32>} : memref<1x128xf32, #tpu.memory_space<vmem>>, vector<1x128xf32>,
    } else {
    }
    %get3A_25 = arith.constant 0 : index
    %get3A_26 = arith.constant 0 : index
    %get3A_27 = vector.load %arg4[%get3A_25, %get3A_26] : memref<1x128xf32, #tpu.memory_space<vmem>>, vector<1x128xf32>
    %add3A = arith.addf %get3A_27, %dot_general3A_22 : vector<1x128xf32>
    %swap3A = arith.constant 0 : index
    %swap3A_28 = arith.constant 0 : index
    %swap3A_29 = vector.load %arg4[%swap3A, %swap3A_28] : memref<1x128xf32, #tpu.memory_space<vmem>>, vector<1x128xf32>
    tpu.vector_store %arg4[%swap3A, %swap3A_28], %add3A {strides = array<i32>} : memref<1x128xf32, #tpu.memory_space<vmem>>, vector<1x128xf32>,
    %eq3A_30 = arith.constant 9 : i32
    %eq3A_31 = arith.cmpi eq, %arg0, %eq3A_30 : i32
    %convert_element_type3A_32 = arith.extui %eq3A_31 : i1 to i32
    %cond3A_33 = arith.constant 0 : i32
    %cond3A_34 = arith.cmpi ne, %convert_element_type3A_32, %cond3A_33 : i32
    scf.if %cond3A_34 {
      %get3A_35 = arith.constant 0 : index
      %get3A_36 = arith.constant 0 : index
      %get3A_37 = vector.load %arg4[%get3A_35, %get3A_36] : memref<1x128xf32, #tpu.memory_space<vmem>>, vector<1x128xf32>
      %swap3A_38 = arith.constant 0 : index
      %swap3A_39 = arith.constant 0 : index
      %swap3A_40 = vector.load %arg3[%swap3A_38, %swap3A_39] : memref<1x128xf32, #tpu.memory_space<vmem>>, vector<1x128xf32>
      tpu.vector_store %arg3[%swap3A_38, %swap3A_39], %get3A_37 {strides = array<i32>} : memref<1x128xf32, #tpu.memory_space<vmem>>, vector<1x128xf32>,
    } else {
    }
    return
  }
  func.func @transform_0(%arg0: i32) -> (i32, i32) {
    %c0_i32 = arith.constant 0 : i32
    %c0_i32_0 = arith.constant 0 : i32
    %c0_i32_1 = arith.constant 0 : i32
    return %c0_i32, %c0_i32_0 : i32, i32
  }
  func.func @transform_1(%arg0: i32) -> (i32, i32) {
    %c0_i32 = arith.constant 0 : i32
    %c0_i32_0 = arith.constant 0 : i32
    return %arg0, %c0_i32 : i32, i32
  }
  func.func @transform_2(%arg0: i32) -> (i32, i32) {
    %c0_i32 = arith.constant 0 : i32
    %c0_i32_0 = arith.constant 0 : i32
    %c0_i32_1 = arith.constant 0 : i32
    return %c0_i32, %c0_i32_0 : i32, i32
  }
}

</mosaic_0001>

<sc_bundles>
// kernel: kernel.5.cloned.1.call-start
scs
__scs_entry_jumppad:
0x0: {  	(pc) =	sbr.rel $0x88, $3  }
0x1: {  	(tag) =	ssettag $0x0;
	lr =	simm.s32 $0x1  }
0x2: {  	[smem:$0x3F9F] =	sst lr;
	_ =	strace $0xD0000000  }
0x3: {  	_ = 	snop  }
0x4: {  	_ = 	snop  }
0x5: {  	_ = 	snop  }
0x6: {  	_ = 	snop  }
0x7: {  	_ = 	snop  }
__scs_overlays_trampoline_lowered:
0x8: {  	[smem:$0x3FAE] =	sst s0  }
0x9: {  	[smem:$0x3FAF] =	sst s1  }
0xa: {  	[smem:$0x3FB0] =	sst s2  }
0xb: {  	[smem:$0x3FB1] =	sst s3  }
0xc: {  	[smem:$0x3FB2] =	sst s4  }
0xd: {  	[smem:$0x3FB3] =	sst s5  }
0xe: {  	[smem:$0x3FB4] =	sst s6  }
0xf: {  	[smem:$0x3FB5] =	sst s7  }
0x10: {  	[smem:$0x3FB6] =	sst s8  }
0x11: {  	[smem:$0x3FB7] =	sst s9;
	s0 =	simm.s32 @!p0 $0x0  }
0x12: {  	s1 =	sld [smem:$0x3F9D];
	s0 =	simm.s32 @p0 $0x1  }
0x13: {  	[smem:$0x3FB8] =	sst s0;
	s0 =	simm.s32 @!p1 $0x0  }
0x14: {  	s2 =	sld [smem:$0x3F9C];
	s0 =	simm.s32 @p1 $0x1  }
0x15: {  	[smem:$0x3FB9] =	sst s0;
	s0 =	simm.s32 @!p2 $0x0  }
0x16: {  	s3 =	sld [smem:$0x3FDB];
	s0 =	simm.s32 @p2 $0x1  }
0x17: {  	s4 =	simm.s32 $0x1BF5;
	[smem:$0x3FBB] =	sst s0  }
0x18: {  	s0 =	sld [smem:$0x3F9E];
	_ =	swait.ge [sflag:s4], $0x0  }
0x19: {  	s7 =	sld [smem:$0x3F9F]  }
0x1a: {  	s8 =	sadd.s32 $0xFFFFE003, lr  }
0x1b: {  	s9 =	sadd.s32 $0xFFFFFEF7, lr;
	s5 =	simm.s32 $0xFFFFFFFF;
	p2 =	slt.u32 s8, $0xFFFFF086  }
0x1c: {  	p1 =	slt.u32 s9, $0xF7A;
	s5 =	simm.s32 @!p2 $0x0  }
0x1d: {  	s5 =	simm.s32 @p1 $0x1;
	p0 =	seq.s32 s7, s2  }
0x1e: {  	s7 =	smul.u32 @!p0 $0xF7A, s2;
	p2 =	seq.s32 @!p0 s5, $0x0  }
0x1f: {  	s9 =	smul.u32 $0xF7A, s1;
	s8 =	simm.s32 @!p0 $0x1BF5;
	p2 =	por !p2, p0  }
0x20: {  	[sflag:s8] =	ssyncset.s32 @!p0 $0xFFFFF086;
	s6 =	sadd.s32 @!p0 s3, s7;
	s7 =	simm.s32 @!p0 $0x108  }
0x21: {  	s3 =	sadd.s32 s3, s9;
	s6 =	sadd.s32 @!p0 $0x88, s6;
	s7 =	simm.s32 @p2 $0x1082  }
0x22: {  	[simem:s7], [sflag:s8] =	dma.local @!p0 [hbm:s6], $0xF7A  }
0x23: {  	s9 =	sor.u32 $0xD0000000, s2;
	s6 =	simm.s32 $0x108;
	_ =	swait.ge @!p0 [sflag:s8], $0x0  }
0x24: {  	s3 =	sadd.s32 $0x88, s3;
	s6 =	simm.s32 @!p1 $0x1082;
	[sflag:s4] =	ssyncset.s32 $0xFFFFF086  }
0x25: {  	[simem:s6], [sflag:s4] =	dma.local [hbm:s3], $0xF7A  }
0x26: {  	[smem:$0x3F9F] =	sst s1;
	(tag) =	ssettag s2;
	_ =	strace s9  }
0x27: {  	s1 =	sld [smem:$0x3FAF]  }
0x28: {  	s2 =	sld [smem:$0x3FB0]  }
0x29: {  	s4 =	sld [smem:$0x3FB2]  }
0x2a: {  	p0 =	seq.s32 s5, $0x0;
	s5 =	sld [smem:$0x3FB3]  }
0x2b: {  	s6 =	sld [smem:$0x3FB4]  }
0x2c: {  	s7 =	sld [smem:$0x3FB5]  }
0x2d: {  	s3 =	simm.s32 $0x108;
	s8 =	sld [smem:$0x3FB6]  }
0x2e: {  	s3 =	simm.s32 @!p0 $0x1082;
	s9 =	sld [smem:$0x3FB7]  }
0x2f: {  	lr =	sadd.s32 s0, s3;
	s0 =	sld [smem:$0x3FAE]  }
0x30: {  	s3 =	sld [smem:$0x3FB1]  }
0x31: {  	[smem:$0x3FBA] =	sst s10  }
0x32: {  	s10 =	sld [smem:$0x3FB8];
	_ =	sdelay $0x3  }
0x33: {  	p0 =	seq.s32 s10, $0x1;
	s10 =	sld [smem:$0x3FBA];
	_ =	sdelay $0x3  }
0x34: {  	[smem:$0x3FBA] =	sst s10  }
0x35: {  	s10 =	sld [smem:$0x3FB9];
	_ =	sdelay $0x3  }
0x36: {  	p1 =	seq.s32 s10, $0x1;
	s10 =	sld [smem:$0x3FBA];
	_ =	sdelay $0x3  }
0x37: {  	[smem:$0x3FBA] =	sst s10  }
0x38: {  	s10 =	sld [smem:$0x3FBB]  }
0x39: {  	_ = 	snop;
	(pc) =	sbr.ind lr, $3  }
0x3a: {  	_ = 	snop  }
0x3b: {  	_ = 	snop  }
0x3c: {  	p2 =	seq.s32 s10, $0x1;
	s10 =	sld [smem:$0x3FBA]  }
0x3d: {  	_ =	shalt  }
0x3e: {  	_ =	shalt  }
0x3f: {  	_ =	shalt  }
0x40: {  	_ =	shalt  }
0x41: {  	_ =	shalt  }
0x42: {  	_ =	shalt  }
0x43: {  	_ =	shalt  }
0x44: {  	_ =	shalt  }
0x45: {  	_ =	shalt  }
0x46: {  	_ =	shalt  }
0x47: {  	_ =	shalt  }
0x48: {  	_ =	shalt  }
0x49: {  	_ =	shalt  }
0x4a: {  	_ =	shalt  }
0x4b: {  	_ =	shalt  }
0x4c: {  	_ =	shalt  }
0x4d: {  	_ =	shalt  }
0x4e: {  	_ =	shalt  }
0x4f: {  	_ =	shalt  }
0x50: {  	_ =	shalt  }
0x51: {  	_ =	shalt  }
0x52: {  	_ =	shalt  }
0x53: {  	_ =	shalt  }
0x54: {  	_ =	shalt  }
0x55: {  	_ =	shalt  }
0x56: {  	_ =	shalt  }
0x57: {  	_ =	shalt  }
0x58: {  	_ =	shalt  }
0x59: {  	_ =	shalt  }
0x5a: {  	_ =	shalt  }
0x5b: {  	_ =	shalt  }
0x5c: {  	_ =	shalt  }
0x5d: {  	_ =	shalt  }
0x5e: {  	_ =	shalt  }
0x5f: {  	_ =	shalt  }
0x60: {  	_ =	shalt  }
0x61: {  	_ =	shalt  }
0x62: {  	_ =	shalt  }
0x63: {  	_ =	shalt  }
0x64: {  	_ =	shalt  }
0x65: {  	_ =	shalt  }
0x66: {  	_ =	shalt  }
0x67: {  	_ =	shalt  }
0x68: {  	_ =	shalt  }
0x69: {  	_ =	shalt  }
0x6a: {  	_ =	shalt  }
0x6b: {  	_ =	shalt  }
0x6c: {  	_ =	shalt  }
0x6d: {  	_ =	shalt  }
0x6e: {  	_ =	shalt  }
0x6f: {  	_ =	shalt  }
0x70: {  	_ =	shalt  }
0x71: {  	_ =	shalt  }
0x72: {  	_ =	shalt  }
0x73: {  	_ =	shalt  }
0x74: {  	_ =	shalt  }
0x75: {  	_ =	shalt  }
0x76: {  	_ =	shalt  }
0x77: {  	_ =	shalt  }
0x78: {  	_ =	shalt  }
0x79: {  	_ =	shalt  }
0x7a: {  	_ =	shalt  }
0x7b: {  	_ =	shalt  }
0x7c: {  	_ =	shalt  }
0x7d: {  	_ =	shalt  }
0x7e: {  	_ =	shalt  }
0x7f: {  	_ =	shalt  }
0x80: {  	_ =	shalt  }
0x81: {  	_ =	shalt  }
0x82: {  	_ =	shalt  }
0x83: {  	_ =	shalt  }
0x84: {  	_ =	shalt  }
0x85: {  	_ =	shalt  }
0x86: {  	_ =	shalt  }
0x87: {  	_ =	shalt  }
.Lfunc_end0:
.L_simem_size_0:
called_computation_lowered:
.L_overlay_start_0:
0x88: {  	s2 =	sld [smem:$0x3FD9]  }
0x89: {  	s3 =	sld [smem:$0x3FFE];
	_ =	sdelay $0x1  }
0x8a: {  	s1 =	srdreg.scid  }
0x8b: {  	s0 =	sand.u32 $0x1, s1  }
0x8c: {  	s17 =	sshll.u32 s0, $0xA;
	s2 =	sadd.s32 s3, s2  }
0x8d: {  	s2 =	sadd.s32 s2, s17  }
0x8e: {  	[smem:$0x3FC6] =	sst s2  }
0x8f: {  	_ = 	snop  }
0x90: {  	s2 =	sld [smem:$0x3FC9]  }
0x91: {  	s18 =	sld [smem:$0x3FC8];
	(tm) =	ssettm $0x1  }
0x92: {  	s4 =	sld [smem:$0x3FFB];
	_ =	sdelay $0x3  }
0x93: {  	_ =	strace s4  }
0x94: {  	s4 =	sld [smem:$0x3FFC];
	_ =	sdelay $0x3  }
0x95: {  	_ =	strace s4  }
0x96: {  	s4 =	sld [smem:$0x3FFD];
	_ =	sdelay $0x3  }
0x97: {  	_ =	strace s4  }
0x98: {  	_ =	strace $0x8FFFFFFF  }
0x99: {  	s19 =	sld [smem:$0x3FDB];
	_ =	sdelay $0x1  }
0x9a: {  	s5 =	simm.s32 $_scs_section_size  }
0x9b: {  	s6 =	simm.s32 $_size__tile_overlayer_lowered;
	s7 =	simm.s32 $_tile_overlayer_lowered  }
0x9c: {  	s22 =	simm.s32 $0x1BFF;
	s21 =	sshll.u32 s7, $0x1;
	s4 =	sadd.s32 s5, s19  }
0x9d: {  	s8 =	simm.s32 $0x0;
	s20 =	sshll.u32 s6, $0x1;
	s6 =	sadd.s32 s21, s4  }
0x9e: {  	[timem:s8], [sflag:s22] =	dma.local [hbm:s6], s20  }
0x9f: {  	_ =	swait.ge [sflag:s22], s20  }
0xa0: {  	s5 =	ssub.s32 $0x0, s20;
	[sflag:s22] =	ssyncset.done $0x0  }
0xa1: {  	[sflag:s22] =	ssyncadd.s32 s5;
	_ =	sdelay $0x1  }
0xa2: {  	s23 =	simm.s32 $0x1B8B  }
0xa3: {  	_ =	swait.ge [sflag:s23], $0x1  }
0xa4: {  	[sflag:s23] =	ssyncset.done $0x0  }
0xa5: {  	s25 =	simm.s32 $0x1B8E;
	s24 =	sld [smem:$0x3FFE];
	[sflag:s23] =	ssyncadd.s32 $0xFFFFFFFF  }
0xa6: {  	s26 =	simm.s32 $execute0_lowered;
	[smem:$0x3FD2] =	sst s25  }
0xa7: {  	s6 =	sshll.u32 s26, $0x1;
	_ =	strace $0x80000046;
	[dreg:$0x1] =	wrdreg $0xFFFFFFFF  }
0xa8: {  	s28 =	simm.s32 $_size_execute0_lowered;
	s4 =	sadd.s32 s4, s6;
	[dreg:$0x0] =	wrdreg $0x0  }
0xa9: {  	s6 =	sshll.u32 s28, $0x1;
	[dreg:$0x2] =	wrdreg s4  }
0xaa: {  	[dreg:$0x3] =	wrdreg s6  }
0xab: {  	[dreg:$0x4] =	wrdreg $0xC0  }
0xac: {  	_ =	task [dreg:s8], $0x5FFFF  }
0xad: {  	[dreg:$0x1] =	wrdreg $0xFFFFFFFF  }
0xae: {  	[dreg:$0x0] =	wrdreg $0x60  }
0xaf: {  	[dreg:$0x2] =	wrdreg s2  }
0xb0: {  	[dreg:$0x3] =	wrdreg s18  }
0xb1: {  	[dreg:$0x4] =	wrdreg s24  }
0xb2: {  	[dreg:$0x5] =	wrdreg $0x9  }
0xb3: {  	_ =	task.clear_ibuf [dreg:s8], $0x6FFFF;
	_ =	strace $0x90000046  }
0xb4: {  	s29 =	simm.s32 $0x9;
	_ =	strace $0x80000048  }
0xb5: {  	_ =	swait.ge [sflag:s29], $0x1  }
0xb6: {  	[sflag:s29] =	ssyncadd.s32 $0xFFFFFFFF  }
0xb7: {  	_ =	strace $0x90000048  }
0xb8: {  	_ =	sfence  }
0xb9: {  	s30 =	sld [smem:$0x0];
	_ =	sdelay $0x2  }
0xba: {  	s31 =	sshll.u32 s1, $0xD;
	s1 =	sshrl.u32 s1, $0x2  }
0xbb: {  	s3 =	sand.u32 $0x4000, s31;
	s1 =	sadd.s32 s1, s30  }
0xbc: {  	s0 =	sor.u32 s3, s0;
	s1 =	sshll.u32 s1, $0x11  }
0xbd: {  	s0 =	sor.u32 s1, s0  }
0xbe: {  	s0 =	sadd.s32 $0x8F2B, s0  }
0xbf: {  	[sflag:s0] =	ssyncadd.remote.s32 $0x1  }
0xc0: {  	_ =	sfence.sel $0xFFFF  }
0xc1: {  	[dreg:$0x0] =	wrdreg $0xFFFFFFFF;
	(pc) =	sbr.abs _section_cstart, $3  }
0xc2: {  	[dreg:$0x1] =	wrdreg $0xFFFFFFFF  }
0xc3: {  	_ =	task.clear_ibuf [dreg:s8], $0x2FFFF;
	_ =	strace $0x9FFFFFFF  }
0xc4: {  	(tm) =	ssettm $0x7FFFFFFF  }
0xc5: {  	_ =	shalt  }
tec
execute0_lowered:
.L_overlay_start_1:
0x0: {  	(tag) =	ssettag $0x1  }
0x1: {  	s1 =	rddreg [dreg:$0x0]  }
0x2: {  	s3 =	rddreg [dreg:$0x1]  }
0x3: {  	s5 =	rddreg [dreg:$0x2]  }
0x4: {  	s0 =	rddreg [dreg:$0x3];
	s6 =	srdreg.scid  }
0x5: {  	s2 =	stileid.u32;
	s4 =	simm.s32 $0x0;
	s11 =	simm.s32 $0x80  }
0x6: {  	s12 =	simm.s32 $0x2880;
	s13 =	simm.s32 $0x1;
	s14 =	simm.s32 $0x2  }
0x7: {  	s15 =	simm.s32 $0x5080;
	s6 =	sand.u32 $0x1, s6;
	s7 =	sshll.u32 s2, $0x1  }
0x8: {  	s16 =	simm.s32 $0x0;
	[smem:$0x7FF] =	sst s4;
	s7 =	sor.u32 s6, s7  }
0x9: {  	_ =	strace $0x80000047;
	s6 =	ssub.s32 $0x2, s6;
	s8 =	smul.u32 $0x3200, s7  }
0xa: {  	s9 =	sshll.u32 s7, $0x4;
	s10 =	sshrl.u32 s6, $0x1;
	s7 =	smul.u32 $0x320, s7  }
0xb: {  	s9 =	sadd.s32 s9, s5;
	s10 =	ssub.s32 s6, s10;
	s31 =	sadd.s32 s3, s8  }
0xc: {  	s6 =	sadd.s32 $0x122F0, s7;
	s7 =	sadd.s32 $0x12340, s7;
	s8 =	sadd.s32 $0x800, s9  }
0xd: {  	s9 =	smax.u32 s10, $0x1;
	s10 =	simm.s32 $0x3;
	s5 =	sadd.s32 $0x122A00, s31  }
.LBB2_1:
0xe: {  	[tilespmem:s4], [sflag:$0x3] =	stream.linear.gather [hbm4b:s1+s4], $0x80, $0x38;
	[tilespmem:$0x5100] =	vst v63  }
0xf: {  	_ =	swait.ge [sflag:s10], $0x80  }
0x10: {  	[sflag:s10] =	ssyncset.done $0x0  }
0x11: {  	[sflag:s10] =	ssyncadd.s32 $0xFFFFFF80  }
0x12: {  	v4 =	vld [tilespmem:$0x0]  }
0x13: {  	v1 =	vld [tilespmem:$0x10];
	_ =	sdelay $0x1  }
0x14: {  	v63 =	vld [tilespmem:$0x20];
	_ =	sdelay $0x1  }
0x15: {  	v27 =	vld [tilespmem:$0x30]  }
0x16: {  	v5 =	vmul.f32 v4, v4;
	v6 =	vmul.f32 v1, v1  }
0x17: {  	v29 =	vld [tilespmem:$0x40]  }
0x18: {  	v7 =	vmul.f32 v63, v63;
	v6 =	vadd.f32 v6, v5  }
0x19: {  	v30 =	vld [tilespmem:$0x50]  }
0x1a: {  	v8 =	vmul.f32 v27, v27;
	v7 =	vadd.f32 v7, v6  }
0x1b: {  	v62 =	vld [tilespmem:$0x60]  }
0x1c: {  	v9 =	vmul.f32 v29, v29;
	v8 =	vadd.f32 v8, v7  }
0x1d: {  	v60 =	vld [tilespmem:$0x70]  }
0x1e: {  	v8 =	vadd.f32 v9, v8;
	v9 =	vmul.f32 v30, v30;
	_ =	sdelay $0x1  }
0x1f: {  	v8 =	vadd.f32 v9, v8;
	v9 =	vmul.f32 v62, v62;
	_ =	sdelay $0x1  }
0x20: {  	v8 =	vadd.f32 v9, v8;
	v9 =	vmul.f32 v60, v60;
	_ =	sdelay $0x1  }
0x21: {  	v8 =	vadd.f32 v9, v8;
	_ =	sdelay $0x1  }
0x22: {  	(xrf2) =	vadd.scan.msk.f32 $0xffff, v8;
	_ =	sdelay $0x7  }
0x23: {  	[tilespmem:s11], [sflag:$0x1] =	stream.linear.gather [hbm4b:s5+s4], $0x2800, $0x38;
	[tilespmem:$0x5100] =	vst v63  }
0x24: {  	[tilespmem:$0x1FFC0] =	vst v63  }
0x25: {  	v10 =	vimm.f32 $0.0e+00;
	v11 =	vimm.f32 $0.0e+00;
	v13 =	vimm.f32 $0.0e+00;
	[tilespmem:$0x1FFD0] =	vst v62;
	v8, _, _ =	vpop (xrf2)  }
0x26: {  	v12 =	vimm.f32 $0.0e+00;
	v14 =	vimm.f32 $0.0e+00;
	[tilespmem:$0x1FFE0] =	vst v60;
	v44 =	vmax.f32 v8, $1.000000020e-16  }
0x27: {  	v15 =	vimm.f32 $0.0e+00;
	v16 =	vimm.f32 $0.0e+00;
	s17 =	simm.s32 $0x0;
	v9 =	vimm.f32 $0.0e+00;
	[tilespmem:$0x1FFF0] =	vst v44  }
.LBB2_2:
0x28: {  	s18 =	smul.u32 $0xA0, s17;
	_ =	sdelay $0x1  }
0x29: {  	s19 =	sadd.s32 s18, s6  }
0x2a: {  	s19 =	sshll.u32 s19, $0x4  }
0x2b: {  	s20 =	sadd.s32 s3, s19;
	s19 =	simm.s32 $0x0  }
0x2c: {  	[tilespmem:s12], [sflag:$0x2] =	stream.linear.gather [hbm4b:s20+s19], $0x2800, $0x38;
	[tilespmem:$0x5100] =	vst v63  }
0x2d: {  	_ =	swait.ge [sflag:s13], $0x2800  }
0x2e: {  	[sflag:s13] =	ssyncset.done $0x0  }
0x2f: {  	[sflag:s13] =	ssyncadd.s32 $0xFFFFD800  }
.LBB2_3:
0x30: {  	s20 =	sshra.s32 s19, $0x2  }
0x31: {  	v24 =	vld [tilespmem:s20+$0x80]  }
0x32: {  	v17 =	vld [tilespmem:s20+$0x90];
	_ =	sdelay $0x1  }
0x33: {  	v21 =	vld [tilespmem:s20+$0xA0];
	_ =	sdelay $0x1  }
0x34: {  	v19 =	vld [tilespmem:s20+$0xB0]  }
0x35: {  	v20 =	vmul.f32 v24, v4;
	v22 =	vmul.f32 v17, v1  }
0x36: {  	v18 =	vld [tilespmem:s20+$0xC0];
	v23 =	vmul.f32 v24, v24;
	v25 =	vmul.f32 v17, v17  }
0x37: {  	v26 =	vmul.f32 v21, v63;
	v22 =	vadd.f32 v22, v20  }
0x38: {  	v20 =	vld [tilespmem:s20+$0xD0];
	v23 =	vadd.f32 v25, v23;
	v25 =	vmul.f32 v21, v21  }
0x39: {  	v6 =	vmov v27;
	v27 =	vmul.f32 v19, v27;
	v26 =	vadd.f32 v26, v22  }
0x3a: {  	v28 =	vmul.f32 v19, v19;
	v22 =	vld [tilespmem:s20+$0xE0];
	v25 =	vadd.f32 v25, v23  }
0x3b: {  	v26 =	vadd.f32 v27, v26;
	v27 =	vmul.f32 v18, v29  }
0x3c: {  	v23 =	vld [tilespmem:s20+$0xF0];
	v25 =	vadd.f32 v28, v25;
	v28 =	vmul.f32 v18, v18  }
0x3d: {  	v26 =	vadd.f32 v27, v26;
	v27 =	vmul.f32 v20, v30  }
0x3e: {  	v25 =	vadd.f32 v28, v25;
	v28 =	vmul.f32 v20, v20  }
0x3f: {  	v26 =	vadd.f32 v27, v26;
	v27 =	vmul.f32 v22, v62  }
0x40: {  	v25 =	vadd.f32 v28, v25;
	v28 =	vmul.f32 v22, v22  }
0x41: {  	v26 =	vadd.f32 v27, v26;
	v27 =	vmul.f32 v23, v60  }
0x42: {  	v25 =	vadd.f32 v28, v25;
	v28 =	vmul.f32 v23, v23  }
0x43: {  	v26 =	vadd.f32 v27, v26  }
0x44: {  	v25 =	vadd.f32 v28, v25  }
0x45: {  	v31 =	vld [tilespmem:s20+$0x100];
	(xrf2) =	vadd.scan.msk.f32 $0xffff, v26  }
0x46: {  	v32 =	vld [tilespmem:s20+$0x110];
	(xrf2) =	vadd.scan.msk.f32 $0xffff, v25;
	_ =	sdelay $0x1  }
0x47: {  	v7 =	vmov v29;
	v29 =	vld [tilespmem:s20+$0x120];
	_ =	sdelay $0x1  }
0x48: {  	v26 =	vld [tilespmem:s20+$0x130]  }
0x49: {  	v27 =	vmul.f32 v31, v4;
	v28 =	vmul.f32 v32, v1  }
0x4a: {  	v8 =	vmov v30;
	v33 =	vmul.f32 v32, v32;
	v30 =	vmul.f32 v31, v31;
	v25 =	vld [tilespmem:s20+$0x140]  }
0x4b: {  	v35 =	vmul.f32 v29, v63;
	v28 =	vadd.f32 v28, v27  }
0x4c: {  	v33 =	vadd.f32 v33, v30;
	v36 =	vmul.f32 v29, v29  }
0x4d: {  	v27 =	vld [tilespmem:s20+$0x150];
	v35 =	vadd.f32 v35, v28;
	v37 =	vmul.f32 v26, v6;
	v41, _, _ =	vpop (xrf2)  }
0x4e: {  	v30 =	vld [tilespmem:s20+$0x160];
	v36 =	vadd.f32 v36, v33;
	v38 =	vmul.f32 v26, v26;
	v34, _, _ =	vpop (xrf2)  }
0x4f: {  	v33 =	vld [tilespmem:s20+$0x180];
	v50 =	vmul.f32 v25, v7;
	v35 =	vadd.f32 v37, v35;
	v34 =	vmax.f32 v34, $1.000000020e-16  }
0x50: {  	v28 =	vld [tilespmem:s20+$0x170];
	v34 =	vmul.f32 v34, v44  }
0x51: {  	v51 =	vmul.f32 v25, v25;
	v36 =	vadd.f32 v38, v36;
	v37 =	vadd.f32 v50, v35;
	v35 =	vld [tilespmem:s20+$0x1A0]  }
0x52: {  	v42 =	vmul.f32 v27, v8;
	v39 =	vbroadcast v34, $0xF;
	v34 =	vld [tilespmem:s20+$0x190]  }
0x53: {  	v53 =	vmul.f32 v30, v62;
	v52 =	vmul.f32 v27, v27;
	v36 =	vadd.f32 v51, v36  }
0x54: {  	v43 =	vmul.f32 v30, v30;
	v46 =	vmul.f32 v33, v4;
	v37 =	vadd.f32 v42, v37  }
0x55: {  	v55 =	vmul.f32 v33, v33;
	v54 =	vmul.f32 v28, v60;
	v38 =	vadd.f32 v52, v36  }
0x56: {  	v45 =	vmul.f32 v28, v28;
	v36 =	vld [tilespmem:s20+$0x1B0];
	v42 =	vadd.f32 v53, v37;
	v57 =	vmul.f32 v35, v63  }
0x57: {  	v38 =	vadd.f32 v43, v38;
	v58 =	vmul.f32 v35, v35;
	v47 =	vmul.f32 v34, v1  }
0x58: {  	v37 =	vld [tilespmem:s20+$0x1C0];
	v40 =	vshrl.u32 v39, $0x1;
	v39 =	vmul.f32 $5.000000000e-01, v39;
	v48 =	vmul.f32 v34, v34  }
0x59: {  	v42 =	vadd.f32 v54, v42;
	v59 =	vsub.s32 $0x5F3759DF, v40;
	v56 =	vadd.f32 v47, v46  }
0x5a: {  	v45 =	vadd.f32 v45, v38;
	v38 =	vld [tilespmem:s20+$0x1D0];
	v50 =	vmul.f32 v59, v39;
	v43 =	vadd.f32 v48, v55  }
0x5b: {  	v49 =	vmul.f32 v36, v6;
	(xrf2) =	vadd.scan.msk.f32 $0xffff, v42;
	v61 =	vadd.f32 v57, v56  }
0x5c: {  	v51 =	vmul.f32 v36, v36;
	(xrf2) =	vadd.scan.msk.f32 $0xffff, v45;
	v39 =	vld [tilespmem:s20+$0x1E0];
	v44 =	vmul.f32 v59, v50;
	v43 =	vadd.f32 v58, v43  }
0x5d: {  	v52 =	vmul.f32 v37, v7;
	v42 =	vadd.f32 v49, v61  }
0x5e: {  	v40 =	vld [tilespmem:s20+$0x1F0];
	v53 =	vmul.f32 v37, v37;
	v44 =	vsub.f32 $1.500000000e+00, v44;
	v43 =	vadd.f32 v51, v43  }
0x5f: {  	v41 =	vbroadcast v41, $0xF;
	v54 =	vmul.f32 v38, v8;
	v42 =	vadd.f32 v52, v42  }
0x60: {  	v55 =	vmul.f32 v38, v38;
	v44 =	vmul.f32 v59, v44;
	v43 =	vadd.f32 v53, v43  }
0x61: {  	v56 =	vmul.f32 v39, v62;
	v42 =	vadd.f32 v54, v42  }
0x62: {  	v57 =	vmul.f32 v39, v39;
	v41 =	vmul.f32 v44, v41;
	v43 =	vadd.f32 v55, v43  }
0x63: {  	v0 =	vld [tilespmem:$0x1FFF0];
	v58 =	vmul.f32 v40, v60;
	v42 =	vadd.f32 v56, v42  }
0x64: {  	v59 =	vmul.f32 v40, v40;
	v24 =	vmul.f32 v41, v24;
	v43 =	vadd.f32 v57, v43  }
0x65: {  	v61, _, _ =	vpop (xrf2);
	v50 =	vmul.f32 v41, v17;
	v21 =	vmul.f32 v41, v21;
	v42 =	vadd.f32 v58, v42  }
0x66: {  	v49, _, _ =	vpop (xrf2);
	v17 =	vld [tilespmem:s20+$0x200];
	v19 =	vmul.f32 v41, v19;
	v51 =	vmul.f32 v41, v22;
	v43 =	vadd.f32 v59, v43  }
0x67: {  	v46 =	vmax.f32 v49, $1.000000020e-16;
	v44 =	vadd.f32 v21, v14;
	(xrf2) =	vadd.scan.msk.f32 $0xffff, v42;
	v42 =	vadd.f32 v24, v16;
	v16 =	vld [tilespmem:s20+$0x210]  }
0x68: {  	v24 =	vmul.f32 v46, v0;
	v46 =	vadd.f32 v19, v12;
	v12 =	vmul.f32 v41, v23;
	(xrf2) =	vadd.scan.msk.f32 $0xffff, v43  }
0x69: {  	v14 =	vld [tilespmem:s20+$0x220];
	v43 =	vadd.f32 v50, v15;
	v15 =	vmul.f32 v41, v18;
	v18 =	vmul.f32 v41, v20  }
0x6a: {  	v48 =	vadd.f32 v51, v10;
	v52 =	vbroadcast v24, $0xF;
	v49 =	vadd.f32 v12, v9  }
0x6b: {  	v10 =	vld [tilespmem:s20+$0x230];
	v12 =	vmul.f32 v17, v4;
	v47 =	vadd.f32 v15, v13;
	v41 =	vadd.f32 v18, v11  }
0x6c: {  	v9 =	vld [tilespmem:s20+$0x240];
	v11 =	vmul.f32 $5.000000000e-01, v52;
	v15 =	vshrl.u32 v52, $0x1;
	v13 =	vmul.f32 v16, v1  }
0x6d: {  	v18 =	vmul.f32 v17, v17;
	v19 =	vmul.f32 v16, v16;
	v22 =	vsub.s32 $0x5F3759DF, v15  }
0x6e: {  	v15 =	vmul.f32 v14, v63;
	v53 =	vmul.f32 v22, v11;
	v11 =	vld [tilespmem:s20+$0x250];
	v13 =	vadd.f32 v13, v12  }
0x6f: {  	v45 =	vbroadcast v61, $0xF;
	v0 =	vld [tilespmem:$0x1FFF0];
	v18 =	vadd.f32 v19, v18;
	v19 =	vmul.f32 v14, v14  }
0x70: {  	v54 =	vmul.f32 v10, v6;
	v12 =	vld [tilespmem:s20+$0x260];
	v20 =	vmul.f32 v22, v53;
	v13 =	vadd.f32 v15, v13  }
0x71: {  	v24 =	vmul.f32 v9, v7;
	v18 =	vadd.f32 v19, v18;
	v19 =	vmul.f32 v10, v10;
	v15 =	vld [tilespmem:s20+$0x280];
	v50, _, _ =	vpop (xrf2)  }
0x72: {  	v51 =	vmul.f32 v9, v9;
	v52 =	vsub.f32 $1.500000000e+00, v20;
	v55, _, _ =	vpop (xrf2);
	v21 =	vadd.f32 v54, v13;
	v13 =	vld [tilespmem:s20+$0x290]  }
0x73: {  	v19 =	vadd.f32 v19, v18;
	v57 =	vmul.f32 v11, v8;
	v23 =	vmax.f32 v55, $1.000000020e-16  }
0x74: {  	v18 =	vld [tilespmem:s20+$0x2A0];
	v58 =	vmul.f32 v11, v11;
	v23 =	vmul.f32 v23, v0;
	v56 =	vadd.f32 v24, v21  }
0x75: {  	v59 =	vmul.f32 v12, v62;
	v54 =	vmul.f32 v12, v12;
	v24 =	vadd.f32 v51, v19;
	v19 =	vld [tilespmem:s20+$0x2B0]  }
0x76: {  	v52 =	vmul.f32 v22, v52;
	v53 =	vbroadcast v23, $0xF;
	v23 =	vld [tilespmem:s20+$0x270];
	v20 =	vadd.f32 v57, v56  }
0x77: {  	v61 =	vmul.f32 v15, v4;
	v24 =	vadd.f32 v58, v24;
	v55 =	vmul.f32 v13, v1  }
0x78: {  	v45 =	vmul.f32 v52, v45;
	v56 =	vadd.f32 v59, v20;
	v20 =	vld [tilespmem:s20+$0x2C0]  }
0x79: {  	v54 =	vadd.f32 v54, v24;
	v24 =	vadd.f32 v55, v61;
	v61 =	vmul.f32 v18, v63  }
0x7a: {  	v21 =	vld [tilespmem:s20+$0x2D0];
	v57 =	vmul.f32 v15, v15;
	v58 =	vmul.f32 v13, v13  }
0x7b: {  	v22 =	vld [tilespmem:s20+$0x2F0];
	v55 =	vmul.f32 v23, v60;
	v51 =	vadd.f32 v61, v24;
	v60 =	vmul.f32 v19, v6  }
0x7c: {  	v57 =	vadd.f32 v58, v57;
	v58 =	vmul.f32 v18, v18;
	v59 =	vmul.f32 v23, v23;
	v24 =	vld [tilespmem:s20+$0x2E0]  }
0x7d: {  	v0 =	vld [tilespmem:$0x1FFE0];
	v55 =	vadd.f32 v55, v56;
	v51 =	vadd.f32 v60, v51;
	v60 =	vmul.f32 v20, v7  }
0x7e: {  	v61 =	vmul.f32 v19, v19;
	v56 =	vadd.f32 v58, v57;
	v54 =	vadd.f32 v59, v54  }
0x7f: {  	v57 =	vshrl.u32 v53, $0x1;
	(xrf2) =	vadd.scan.msk.f32 $0xffff, v55;
	v51 =	vadd.f32 v60, v51;
	v60 =	vmul.f32 v21, v8  }
0x80: {  	v53 =	vmul.f32 $5.000000000e-01, v53;
	v57 =	vsub.s32 $0x5F3759DF, v57;
	v55 =	vadd.f32 v61, v56;
	(xrf2) =	vadd.scan.msk.f32 $0xffff, v54  }
0x81: {  	v61 =	vmul.f32 v20, v20;
	v51 =	vadd.f32 v60, v51;
	v60 =	vmul.f32 v24, v62  }
0x82: {  	v58 =	vmul.f32 v22, v0;
	v53 =	vmul.f32 v57, v53  }
0x83: {  	v55 =	vadd.f32 v61, v55;
	v61 =	vmul.f32 v21, v21;
	v51 =	vadd.f32 v60, v51  }
0x84: {  	v31 =	vmul.f32 v45, v31;
	v53 =	vmul.f32 v57, v53  }
0x85: {  	v55 =	vadd.f32 v61, v55;
	v61 =	vmul.f32 v24, v24;
	v51 =	vadd.f32 v58, v51  }
0x86: {  	v32 =	vmul.f32 v45, v32;
	v29 =	vmul.f32 v45, v29  }
0x87: {  	v0 =	vld [tilespmem:$0x1FFF0];
	v60 =	vmul.f32 v22, v22;
	v59 =	vadd.f32 v61, v55;
	v61 =	vsub.f32 $1.500000000e+00, v53  }
0x88: {  	v26 =	vmul.f32 v45, v26;
	v25 =	vmul.f32 v45, v25  }
0x89: {  	v58 =	vbroadcast v50, $0xF;
	v56 =	vadd.f32 v60, v59;
	(xrf2) =	vadd.scan.msk.f32 $0xffff, v51;
	v59 =	vmul.f32 v57, v61;
	v51, _, _ =	vpop (xrf2)  }
0x8a: {  	v30 =	vmul.f32 v45, v30;
	v60 =	vadd.f32 v26, v46;
	v26 =	vmul.f32 v45, v27;
	v27, _, _ =	vpop (xrf2)  }
0x8b: {  	v31 =	vadd.f32 v31, v42;
	(xrf2) =	vadd.scan.msk.f32 $0xffff, v56;
	v42 =	vmul.f32 v59, v58;
	v27 =	vmax.f32 v27, $1.000000020e-16  }
0x8c: {  	v61 =	vadd.f32 v25, v47;
	v25 =	vmul.f32 v45, v28;
	v27 =	vmul.f32 v27, v0  }
0x8d: {  	v32 =	vadd.f32 v32, v43;
	v28 =	vadd.f32 v26, v41;
	v26 =	vmul.f32 v42, v33  }
0x8e: {  	v46 =	vmul.f32 v42, v34;
	v34 =	vadd.f32 v25, v49;
	v25 =	vbroadcast v27, $0xF  }
0x8f: {  	v29 =	vadd.f32 v29, v44;
	v30 =	vadd.f32 v30, v48;
	v58 =	vmul.f32 v42, v38;
	v33 =	vld [tilespmem:s20+$0x390]  }
0x90: {  	v56 =	vadd.f32 v26, v31;
	v26 =	vshrl.u32 v25, $0x1;
	v47 =	vmul.f32 $5.000000000e-01, v25;
	v25 =	vld [tilespmem:s20+$0x300]  }
0x91: {  	v31 =	vmul.f32 v42, v36;
	v27 =	vmul.f32 v42, v35;
	v59 =	vsub.s32 $0x5F3759DF, v26;
	v26 =	vld [tilespmem:s20+$0x310]  }
0x92: {  	v57 =	vmul.f32 v42, v37;
	v0 =	vld [tilespmem:$0x1FFF0];
	v46 =	vadd.f32 v46, v32;
	v44 =	vadd.f32 v58, v28  }
0x93: {  	v28 =	vmul.f32 v42, v39;
	v52 =	vadd.f32 v27, v29;
	v27 =	vld [tilespmem:s20+$0x320];
	v29 =	vmul.f32 v59, v47  }
0x94: {  	v50 =	vadd.f32 v57, v61;
	v61 =	vbroadcast v51, $0xF;
	v48 =	vadd.f32 v31, v60;
	v54, _, _ =	vpop (xrf2)  }
0x95: {  	v60 =	vmul.f32 v42, v40;
	v47 =	vadd.f32 v28, v30;
	v28 =	vld [tilespmem:s20+$0x330];
	v31, _, _ =	vpop (xrf2);
	v29 =	vmul.f32 v59, v29  }
0x96: {  	v31 =	vmax.f32 v31, $1.000000020e-16;
	v41 =	vmul.f32 v25, v4;
	v42 =	vmul.f32 v26, v1  }
0x97: {  	v57 =	vmul.f32 v33, v1;
	v31 =	vmul.f32 v31, v0;
	v30 =	vsub.f32 $1.500000000e+00, v29;
	v29 =	vld [tilespmem:s20+$0x340]  }
0x98: {  	v32 =	vld [tilespmem:s20+$0x360];
	v43 =	vmul.f32 v25, v25;
	v49 =	vmul.f32 v27, v63;
	v35 =	vadd.f32 v42, v41  }
0x99: {  	v45 =	vmul.f32 v26, v26;
	v36 =	vmul.f32 v59, v30;
	v30 =	vld [tilespmem:s20+$0x350]  }
0x9a: {  	v40 =	vld [tilespmem:s20+$0x370];
	v53 =	vadd.f32 v60, v34;
	v60 =	vmul.f32 v28, v6;
	v35 =	vadd.f32 v49, v35  }
0x9b: {  	v55 =	vmul.f32 v27, v27;
	v51 =	vbroadcast v31, $0xF;
	v31 =	vld [tilespmem:s20+$0x380];
	v34 =	vadd.f32 v45, v43  }
0x9c: {  	v0 =	vld [tilespmem:$0x1FFE0];
	v42 =	vmul.f32 v28, v28;
	v43 =	vmul.f32 v29, v7;
	v35 =	vadd.f32 v60, v35  }
0x9d: {  	v39 =	vmul.f32 $5.000000000e-01, v51;
	v58 =	vmul.f32 v36, v61;
	v34 =	vadd.f32 v55, v34  }
0x9e: {  	v38 =	vld [tilespmem:s20+$0x3E0];
	v61 =	vshrl.u32 v51, $0x1;
	v51 =	vmul.f32 v30, v8;
	v36 =	vadd.f32 v43, v35  }
0x9f: {  	v41 =	vmul.f32 v32, v62;
	v59 =	vsub.s32 $0x5F3759DF, v61;
	v45 =	vadd.f32 v42, v34;
	v34 =	vld [tilespmem:s20+$0x3A0]  }
0xa0: {  	v60 =	vmul.f32 v59, v39;
	v42 =	vmul.f32 v31, v4;
	v35 =	vld [tilespmem:s20+$0x3B0];
	v39 =	vadd.f32 v51, v36  }
0xa1: {  	v51 =	vmul.f32 v40, v0;
	v0 =	vld [tilespmem:$0x1FFD0]  }
0xa2: {  	v49 =	vmul.f32 v29, v29;
	v42 =	vadd.f32 v57, v42;
	v57 =	vadd.f32 v41, v39;
	v39 =	vld [tilespmem:s20+$0x400]  }
0xa3: {  	v62 =	vmul.f32 v33, v33;
	v61 =	vmul.f32 v31, v31;
	v41 =	vld [tilespmem:s20+$0x410]  }
0xa4: {  	v55 =	vmul.f32 v30, v30;
	v37 =	vadd.f32 v49, v45  }
0xa5: {  	v61 =	vadd.f32 v62, v61;
	v36 =	vld [tilespmem:s20+$0x3C0];
	v63 =	vmul.f32 v34, v63  }
0xa6: {  	v45 =	vadd.f32 v55, v37;
	v55 =	vmul.f32 v32, v32;
	v62 =	vmul.f32 v34, v34  }
0xa7: {  	v37 =	vld [tilespmem:s20+$0x3D0];
	v42 =	vadd.f32 v63, v42;
	v43 =	vmul.f32 v35, v6;
	v63 =	vmul.f32 v38, v0  }
0xa8: {  	v5 =	vmovc v1;
	v45 =	vadd.f32 v55, v45;
	v0 =	vmul.f32 v39, v4;
	v1 =	vmul.f32 v41, v1  }
0xa9: {  	v49 =	vadd.f32 v62, v61;
	v43 =	vadd.f32 v43, v42;
	v42 =	vld [tilespmem:s20+$0x420]  }
0xaa: {  	v61 =	vmul.f32 v40, v40;
	v62 =	vmul.f32 v36, v7;
	v0 =	vadd.f32 v1, v0;
	v1 =	vld [tilespmem:$0x1FFC0]  }
0xab: {  	v51 =	vadd.f32 v51, v57  }
0xac: {  	v57 =	vadd.f32 v61, v45;
	v61 =	vmul.f32 v37, v8;
	v45 =	vadd.f32 v62, v43;
	v43 =	vld [tilespmem:s20+$0x430];
	_ =	sdelay $0x1  }
0xad: {  	v55 =	vmul.f32 v35, v35;
	v61 =	vadd.f32 v61, v45;
	v45 =	vld [tilespmem:s20+$0x440]  }
0xae: {  	v1 =	vmul.f32 v42, v1  }
0xaf: {  	v49 =	vadd.f32 v55, v49;
	v55 =	vmul.f32 v36, v36;
	(xrf2) =	vadd.scan.msk.f32 $0xffff, v51;
	v51 =	vld [tilespmem:s20+$0x450]  }
0xb0: {  	v0 =	vadd.f32 v1, v0;
	v1 =	vmul.f32 v43, v6  }
0xb1: {  	v55 =	vadd.f32 v55, v49;
	v62 =	vmul.f32 v37, v37  }
0xb2: {  	v3 =	vmul.f32 v38, v38;
	v0 =	vadd.f32 v1, v0;
	v1 =	vmul.f32 v45, v7  }
0xb3: {  	v49 =	vld [tilespmem:s20+$0x3F0];
	v2 =	vmul.f32 v41, v41;
	v55 =	vadd.f32 v62, v55;
	v62 =	vmul.f32 v39, v39  }
0xb4: {  	(xrf2) =	vadd.scan.msk.f32 $0xffff, v57;
	v57 =	vadd.f32 v63, v61;
	v63 =	vld [tilespmem:$0x1FFE0];
	v0 =	vadd.f32 v1, v0;
	v1 =	vmul.f32 v51, v8  }
0xb5: {  	v3 =	vadd.f32 v3, v55;
	v55 =	vld [tilespmem:s20+$0x460]  }
0xb6: {  	v2 =	vadd.f32 v2, v62;
	v61 =	vmul.f32 v42, v42;
	v0 =	vadd.f32 v1, v0;
	v1 =	vld [tilespmem:$0x1FFD0];
	_ =	sdelay $0x1  }
0xb7: {  	v2 =	vadd.f32 v61, v2;
	v61 =	vmul.f32 v43, v43;
	_ =	sdelay $0x1  }
0xb8: {  	v2 =	vadd.f32 v61, v2;
	v61 =	vmul.f32 v45, v45;
	v62 =	vmul.f32 v49, v63  }
0xb9: {  	v63 =	vmul.f32 v49, v49;
	v1 =	vmul.f32 v55, v1  }
0xba: {  	v2 =	vadd.f32 v61, v2;
	v61 =	vmul.f32 v51, v51;
	v62 =	vadd.f32 v62, v57;
	v57 =	vld [tilespmem:s20+$0x470]  }
0xbb: {  	v0 =	vadd.f32 v1, v0;
	v1 =	vld [tilespmem:$0x1FFE0]  }
0xbc: {  	v3 =	vadd.f32 v63, v3;
	v2 =	vadd.f32 v61, v2;
	v61 =	vmul.f32 v55, v55  }
0xbd: {  	v60 =	vmul.f32 v59, v60  }
0xbe: {  	v2 =	vadd.f32 v61, v2;
	v61 =	vld [tilespmem:$0x1FFF0]  }
0xbf: {  	v17 =	vmul.f32 v58, v17;
	v14 =	vmul.f32 v58, v14;
	v60 =	vsub.f32 $1.500000000e+00, v60;
	(xrf2) =	vadd.scan.msk.f32 $0xffff, v62  }
0xc0: {  	v9 =	vmul.f32 v58, v9;
	(xrf2) =	vadd.scan.msk.f32 $0xffff, v3;
	v3, _, _ =	vpop (xrf2);
	v1 =	vmul.f32 v57, v1  }
0xc1: {  	v17 =	vadd.f32 v17, v56;
	v56 =	vmul.f32 v59, v60;
	v59, _, _ =	vpop (xrf2);
	v60 =	vmul.f32 v57, v57  }
0xc2: {  	v0 =	vadd.f32 v1, v0;
	v1 =	vmul.f32 v58, v16;
	v16 =	vmax.f32 v59, $1.000000020e-16  }
0xc3: {  	v11 =	vmul.f32 v58, v11;
	v2 =	vadd.f32 v60, v2;
	v16 =	vmul.f32 v16, v61  }
0xc4: {  	v12 =	vmul.f32 v58, v12;
	(xrf2) =	vadd.scan.msk.f32 $0xffff, v0;
	v0 =	vmul.f32 v58, v10  }
0xc5: {  	v10 =	vadd.f32 v14, v52;
	(xrf2) =	vadd.scan.msk.f32 $0xffff, v2;
	v2 =	vbroadcast v54, $0xF;
	v14 =	vbroadcast v16, $0xF  }
0xc6: {  	v23 =	vmul.f32 v58, v23;
	v9 =	vadd.f32 v9, v50;
	v11 =	vadd.f32 v11, v44  }
0xc7: {  	v44 =	vld [tilespmem:$0x1FFF0];
	v2 =	vmul.f32 v56, v2;
	v16 =	vshrl.u32 v14, $0x1;
	v14 =	vmul.f32 $5.000000000e-01, v14  }
0xc8: {  	v12 =	vadd.f32 v12, v47;
	v3 =	vbroadcast v3, $0xF;
	v16 =	vsub.s32 $0x5F3759DF, v16  }
0xc9: {  	v23 =	vadd.f32 v23, v53;
	v56, _, _ =	vpop (xrf2);
	v15 =	vmul.f32 v2, v15;
	v14 =	vmul.f32 v16, v14  }
0xca: {  	v1 =	vadd.f32 v1, v46;
	v0 =	vadd.f32 v0, v48;
	v58, _, _ =	vpop (xrf2);
	v13 =	vmul.f32 v2, v13  }
0xcb: {  	v15 =	vadd.f32 v15, v17;
	v14 =	vmul.f32 v16, v14;
	v17 =	vmax.f32 v58, $1.000000020e-16  }
0xcc: {  	v1 =	vadd.f32 v13, v1;
	v13 =	vmul.f32 v2, v18;
	v17 =	vmul.f32 v17, v44  }
0xcd: {  	v18 =	vmul.f32 v2, v19;
	v19 =	vmul.f32 v2, v20;
	v14 =	vsub.f32 $1.500000000e+00, v14  }
0xce: {  	v10 =	vadd.f32 v13, v10;
	v13 =	vmul.f32 v2, v21;
	v59, _, _ =	vpop (xrf2);
	v17 =	vbroadcast v17, $0xF  }
0xcf: {  	v0 =	vadd.f32 v18, v0;
	v18 =	vmul.f32 v2, v24;
	v14 =	vmul.f32 v16, v14;
	v16, _, _ =	vpop (xrf2)  }
0xd0: {  	v61 =	vshrl.u32 v17, $0x1;
	v17 =	vmul.f32 $5.000000000e-01, v17;
	v16 =	vmax.f32 v16, $1.000000020e-16  }
0xd1: {  	v21 =	vsub.s32 $0x5F3759DF, v61;
	v16 =	vmul.f32 v16, v44;
	v3 =	vmul.f32 v14, v3  }
0xd2: {  	v9 =	vadd.f32 v19, v9;
	v2 =	vmul.f32 v2, v22;
	v17 =	vmul.f32 v21, v17  }
0xd3: {  	v11 =	vadd.f32 v13, v11;
	v13 =	vbroadcast v16, $0xF;
	v16 =	vmul.f32 v3, v25  }
0xd4: {  	v12 =	vadd.f32 v18, v12;
	v18 =	vmul.f32 v3, v26;
	v14 =	vmul.f32 v21, v17  }
0xd5: {  	v17 =	vshrl.u32 v13, $0x1;
	v13 =	vmul.f32 $5.000000000e-01, v13;
	v15 =	vadd.f32 v16, v15  }
0xd6: {  	v16 =	vmul.f32 v3, v27;
	v14 =	vsub.f32 $1.500000000e+00, v14;
	v17 =	vsub.s32 $0x5F3759DF, v17  }
0xd7: {  	v2 =	vadd.f32 v2, v23;
	v19 =	vmul.f32 v3, v30;
	v13 =	vmul.f32 v17, v13  }
0xd8: {  	v10 =	vadd.f32 v16, v10;
	v16 =	vbroadcast v56, $0xF;
	v14 =	vmul.f32 v21, v14  }
0xd9: {  	v1 =	vadd.f32 v18, v1;
	v18 =	vmul.f32 v3, v28;
	v13 =	vmul.f32 v17, v13  }
0xda: {  	v11 =	vadd.f32 v19, v11;
	v14 =	vmul.f32 v14, v16;
	v16 =	vmul.f32 v3, v32  }
0xdb: {  	v0 =	vadd.f32 v18, v0;
	v18 =	vmul.f32 v3, v29;
	v3 =	vmul.f32 v3, v40  }
0xdc: {  	v13 =	vsub.f32 $1.500000000e+00, v13;
	v12 =	vadd.f32 v16, v12  }
0xdd: {  	v16 =	vmul.f32 v14, v31;
	v2 =	vadd.f32 v3, v2;
	v3 =	vmul.f32 v14, v33  }
0xde: {  	v9 =	vadd.f32 v18, v9;
	v13 =	vmul.f32 v17, v13;
	v17 =	vmul.f32 v14, v34  }
0xdf: {  	v18 =	vbroadcast v59, $0xF;
	v15 =	vadd.f32 v16, v15;
	v16 =	vmul.f32 v14, v35  }
0xe0: {  	v1 =	vadd.f32 v3, v1;
	v3 =	vadd.f32 v17, v10;
	v10 =	vmul.f32 v14, v36  }
0xe1: {  	v13 =	vmul.f32 v13, v18;
	v0 =	vadd.f32 v16, v0;
	v16 =	vmul.f32 v14, v37  }
0xe2: {  	v9 =	vadd.f32 v10, v9;
	v10 =	vmul.f32 v14, v38  }
0xe3: {  	v17 =	vmul.f32 v13, v41;
	v11 =	vadd.f32 v16, v11;
	v16 =	vmul.f32 v13, v39  }
0xe4: {  	v14 =	vmul.f32 v14, v49;
	v10 =	vadd.f32 v10, v12;
	v12 =	vmul.f32 v13, v42  }
0xe5: {  	v16 =	vadd.f32 v16, v15;
	v15 =	vadd.f32 v17, v1;
	v1 =	vmul.f32 v13, v43  }
0xe6: {  	p0 =	sne.s32 s19, $0x9000;
	v2 =	vadd.f32 v14, v2  }
.Ltmp0:
0xe7: {  	v14 =	vadd.f32 v12, v3;
	v12 =	vadd.f32 v1, v0;
	v1 =	vmul.f32 v13, v57;
	(pc) =	sbr.rel @p0 .LBB2_3-.Ltmp0, $4  }
0xe8: {  	v17 =	vmul.f32 v13, v51;
	v3 =	vmul.f32 v13, v45  }
0xe9: {  	v63 =	vld [tilespmem:$0x1FFC0];
	v0 =	vmul.f32 v13, v55  }
0xea: {  	v62 =	vld [tilespmem:$0x1FFD0];
	v30 =	vmov v8;
	v11 =	vadd.f32 v17, v11;
	v13 =	vadd.f32 v3, v9  }
0xeb: {  	s19 =	sadd.s32 $0x1000, s19;
	v60 =	vld [tilespmem:$0x1FFE0];
	v27 =	vmovc v6;
	v29 =	vmovc v7;
	v10 =	vadd.f32 v0, v10;
	v9 =	vadd.f32 v1, v2;
	v1 =	vmov v5  }
0xec: {  	p0 =	seq.s32 s17, $0x4  }
0xed: {  	s18 =	sadd.s32 @!p0 s18, s7  }
0xee: {  	s18 =	sshll.u32 @!p0 s18, $0x4  }
0xef: {  	s19 =	simm.s32 @!p0 $0x0;
	s20 =	simm.s32 @!p0 $0x80;
	s18 =	sadd.s32 @!p0 s3, s18  }
0xf0: {  	[tilespmem:s20], [sflag:$0x1] =	stream.linear.gather @!p0 [hbm4b:s18+s19], $0x2800, $0x38;
	[tilespmem:$0x5100] =	vst v63  }
0xf1: {  	_ =	swait.ge [sflag:s14], $0x2800  }
0xf2: {  	[sflag:s14] =	ssyncset.done $0x0  }
0xf3: {  	s18 =	simm.s32 $0x0;
	[sflag:s14] =	ssyncadd.s32 $0xFFFFD800  }
.LBB2_5:
0xf4: {  	s19 =	sshra.s32 s18, $0x2  }
0xf5: {  	v24 =	vld [tilespmem:s19+$0x2880]  }
0xf6: {  	v17 =	vld [tilespmem:s19+$0x2890];
	_ =	sdelay $0x1  }
0xf7: {  	v21 =	vld [tilespmem:s19+$0x28A0];
	_ =	sdelay $0x1  }
0xf8: {  	v19 =	vld [tilespmem:s19+$0x28B0]  }
0xf9: {  	v0 =	vmul.f32 v24, v4;
	v1 =	vmul.f32 v17, v5  }
0xfa: {  	v18 =	vld [tilespmem:s19+$0x28C0];
	v2 =	vmul.f32 v24, v24;
	v3 =	vmul.f32 v17, v17  }
0xfb: {  	v38 =	vmul.f32 v21, v63;
	v0 =	vadd.f32 v1, v0  }
0xfc: {  	v20 =	vld [tilespmem:s19+$0x28D0];
	v2 =	vadd.f32 v3, v2;
	v3 =	vmul.f32 v21, v21  }
0xfd: {  	v39 =	vmul.f32 v19, v27;
	v0 =	vadd.f32 v38, v0  }
0xfe: {  	v22 =	vld [tilespmem:s19+$0x28E0];
	v2 =	vadd.f32 v3, v2;
	v3 =	vmul.f32 v19, v19  }
0xff: {  	v40 =	vmul.f32 v18, v29;
	v0 =	vadd.f32 v39, v0  }
0x100: {  	v23 =	vld [tilespmem:s19+$0x28F0];
	v2 =	vadd.f32 v3, v2;
	v3 =	vmul.f32 v18, v18  }
0x101: {  	v41 =	vmul.f32 v20, v30;
	v0 =	vadd.f32 v40, v0  }
0x102: {  	v2 =	vadd.f32 v3, v2;
	v3 =	vmul.f32 v20, v20  }
0x103: {  	v42 =	vmul.f32 v22, v62;
	v0 =	vadd.f32 v41, v0  }
0x104: {  	v2 =	vadd.f32 v3, v2;
	v3 =	vmul.f32 v22, v22  }
0x105: {  	v43 =	vmul.f32 v23, v60;
	v0 =	vadd.f32 v42, v0  }
0x106: {  	v2 =	vadd.f32 v3, v2;
	v3 =	vmul.f32 v23, v23  }
0x107: {  	v0 =	vadd.f32 v43, v0  }
0x108: {  	v45 =	vadd.f32 v3, v2  }
0x109: {  	(xrf2) =	vadd.scan.msk.f32 $0xffff, v0  }
0x10a: {  	(xrf2) =	vadd.scan.msk.f32 $0xffff, v45  }
0x10b: {  	v31 =	vld [tilespmem:s19+$0x2900]  }
0x10c: {  	v32 =	vld [tilespmem:s19+$0x2910];
	_ =	sdelay $0x1  }
0x10d: {  	v29 =	vld [tilespmem:s19+$0x2920];
	_ =	sdelay $0x1  }
0x10e: {  	v26 =	vld [tilespmem:s19+$0x2930]  }
0x10f: {  	v46 =	vmul.f32 v31, v4;
	v47 =	vmul.f32 v32, v5  }
0x110: {  	v25 =	vld [tilespmem:s19+$0x2940];
	v28 =	vmul.f32 v32, v32;
	v3 =	vmul.f32 v31, v31  }
0x111: {  	v48 =	vmul.f32 v29, v63;
	v0 =	vadd.f32 v47, v46;
	v2, _, _ =	vpop (xrf2)  }
0x112: {  	v33 =	vmul.f32 v29, v29;
	v3 =	vadd.f32 v28, v3;
	v28 =	vld [tilespmem:s19+$0x2970];
	v27, _, _ =	vpop (xrf2)  }
0x113: {  	v49 =	vmul.f32 v26, v6;
	v0 =	vadd.f32 v48, v0;
	v30 =	vmax.f32 v27, $1.000000020e-16;
	v27 =	vld [tilespmem:s19+$0x2950]  }
0x114: {  	v35 =	vmul.f32 v26, v26;
	v3 =	vadd.f32 v33, v3;
	v34 =	vmul.f32 v30, v44;
	v30 =	vld [tilespmem:s19+$0x2960]  }
0x115: {  	v50 =	vmul.f32 v25, v7;
	v33 =	vld [tilespmem:s19+$0x2980];
	v0 =	vadd.f32 v49, v0  }
0x116: {  	v51 =	vmul.f32 v25, v25;
	v3 =	vadd.f32 v35, v3;
	v36 =	vbroadcast v34, $0xF;
	v34 =	vld [tilespmem:s19+$0x2990]  }
0x117: {  	v38 =	vmul.f32 v28, v60;
	v0 =	vadd.f32 v50, v0  }
0x118: {  	v35 =	vld [tilespmem:s19+$0x29A0];
	v3 =	vadd.f32 v51, v3;
	v52 =	vmul.f32 v27, v8;
	v53 =	vmul.f32 v27, v27  }
0x119: {  	v39 =	vshrl.u32 v36, $0x1;
	v40 =	vmul.f32 $5.000000000e-01, v36;
	v54 =	vmul.f32 v30, v62  }
0x11a: {  	v36 =	vld [tilespmem:s19+$0x29B0];
	v37 =	vmul.f32 v30, v30;
	v0 =	vadd.f32 v52, v0;
	v3 =	vadd.f32 v53, v3  }
0x11b: {  	v55 =	vmul.f32 v33, v4;
	v42 =	vmul.f32 v34, v5  }
0x11c: {  	v41 =	vmul.f32 v28, v28;
	v0 =	vadd.f32 v54, v0;
	v3 =	vadd.f32 v37, v3;
	v37 =	vld [tilespmem:s19+$0x29C0]  }
0x11d: {  	v43 =	vmul.f32 v33, v33;
	v57 =	vmul.f32 v35, v63;
	v1 =	vadd.f32 v42, v55  }
0x11e: {  	v61 =	vsub.s32 $0x5F3759DF, v39;
	v56 =	vmul.f32 v34, v34;
	v0 =	vadd.f32 v38, v0;
	v38 =	vld [tilespmem:s19+$0x29D0]  }
0x11f: {  	v40 =	vmul.f32 v61, v40;
	v49 =	vmul.f32 v36, v6;
	v48 =	vadd.f32 v57, v1  }
0x120: {  	v59 =	vmul.f32 v35, v35;
	v39 =	vld [tilespmem:s19+$0x29E0];
	v58 =	vadd.f32 v56, v43;
	v3 =	vadd.f32 v41, v3  }
0x121: {  	v52 =	vmul.f32 v61, v40;
	(xrf2) =	vadd.scan.msk.f32 $0xffff, v0;
	v0 =	vadd.f32 v49, v48;
	v51 =	vmul.f32 v37, v7  }
0x122: {  	v40 =	vld [tilespmem:s19+$0x29F0];
	v50 =	vmul.f32 v36, v36;
	(xrf2) =	vadd.scan.msk.f32 $0xffff, v3;
	v3 =	vadd.f32 v59, v58  }
0x123: {  	v42 =	vsub.f32 $1.500000000e+00, v52;
	v0 =	vadd.f32 v51, v0;
	v54 =	vmul.f32 v38, v8  }
0x124: {  	v2 =	vbroadcast v2, $0xF;
	v53 =	vmul.f32 v37, v37;
	v3 =	vadd.f32 v50, v3  }
0x125: {  	v56 =	vmul.f32 v39, v62;
	v42 =	vmul.f32 v61, v42;
	v0 =	vadd.f32 v54, v0  }
0x126: {  	v55 =	vmul.f32 v38, v38;
	v3 =	vadd.f32 v53, v3  }
0x127: {  	v58 =	vmul.f32 v40, v60;
	v2 =	vmul.f32 v42, v2;
	v0 =	vadd.f32 v56, v0  }
0x128: {  	v57 =	vmul.f32 v39, v39;
	v3 =	vadd.f32 v55, v3  }
0x129: {  	v46 =	vmul.f32 v2, v24;
	v0 =	vadd.f32 v58, v0  }
0x12a: {  	v59 =	vmul.f32 v40, v40;
	v3 =	vadd.f32 v57, v3  }
0x12b: {  	(xrf2) =	vadd.scan.msk.f32 $0xffff, v0;
	v0 =	vadd.f32 v46, v16;
	v16 =	vld [tilespmem:$0x1FFF0]  }
0x12c: {  	v49 =	vmul.f32 v2, v22;
	v61, _, _ =	vpop (xrf2);
	v3 =	vadd.f32 v59, v3  }
0x12d: {  	v47 =	vmul.f32 v2, v17;
	v21 =	vmul.f32 v2, v21;
	v17 =	vld [tilespmem:s19+$0x2A00];
	v24, _, _ =	vpop (xrf2)  }
0x12e: {  	v48 =	vmul.f32 v2, v19;
	v45 =	vadd.f32 v49, v10;
	v10 =	vld [tilespmem:s19+$0x2A30];
	v24 =	vmax.f32 v24, $1.000000020e-16;
	(xrf2) =	vadd.scan.msk.f32 $0xffff, v3  }
0x12f: {  	v3 =	vadd.f32 v47, v15;
	v15 =	vmul.f32 v2, v18;
	v18 =	vmul.f32 v2, v20  }
0x130: {  	v2 =	vmul.f32 v2, v23;
	v19 =	vmul.f32 v24, v16;
	v16 =	vld [tilespmem:s19+$0x2A10]  }
0x131: {  	v41 =	vadd.f32 v21, v14;
	v14 =	vld [tilespmem:s19+$0x2A20];
	v1 =	vadd.f32 v48, v12  }
0x132: {  	v12 =	vmul.f32 v17, v4;
	v2 =	vadd.f32 v2, v9;
	v9 =	vld [tilespmem:s19+$0x2A40];
	v19 =	vbroadcast v19, $0xF  }
0x133: {  	v42 =	vbroadcast v61, $0xF;
	v51 =	vmul.f32 v10, v6;
	v43 =	vadd.f32 v15, v13  }
0x134: {  	v44 =	vadd.f32 v18, v11;
	v11 =	vmul.f32 $5.000000000e-01, v19;
	v15 =	vshrl.u32 v19, $0x1  }
0x135: {  	v47 =	vld [tilespmem:$0x1FFF0];
	v18 =	vmul.f32 v17, v17;
	v13 =	vmul.f32 v16, v5;
	v22 =	vsub.s32 $0x5F3759DF, v15  }
0x136: {  	v19 =	vmul.f32 v16, v16;
	v50 =	vmul.f32 v22, v11;
	v11 =	vld [tilespmem:s19+$0x2A50]  }
0x137: {  	v24 =	vmul.f32 v9, v7;
	v15 =	vmul.f32 v14, v63;
	v46, _, _ =	vpop (xrf2);
	v13 =	vadd.f32 v13, v12  }
0x138: {  	v53 =	vmul.f32 v9, v9;
	v18 =	vadd.f32 v19, v18;
	v19 =	vmul.f32 v14, v14;
	v12 =	vld [tilespmem:s19+$0x2A60];
	v52, _, _ =	vpop (xrf2)  }
0x139: {  	v20 =	vmul.f32 v22, v50;
	v23 =	vmax.f32 v52, $1.000000020e-16;
	v13 =	vadd.f32 v15, v13;
	v15 =	vld [tilespmem:s19+$0x2A80]  }
0x13a: {  	v18 =	vadd.f32 v19, v18;
	v19 =	vmul.f32 v10, v10;
	v23 =	vmul.f32 v23, v47  }
0x13b: {  	v48 =	vsub.f32 $1.500000000e+00, v20;
	v21 =	vadd.f32 v51, v13;
	v13 =	vld [tilespmem:s19+$0x2A90];
	v55 =	vmul.f32 v11, v8  }
0x13c: {  	v19 =	vadd.f32 v19, v18;
	v18 =	vld [tilespmem:s19+$0x2AA0];
	v49 =	vbroadcast v23, $0xF;
	v56 =	vmul.f32 v11, v11  }
0x13d: {  	v23 =	vld [tilespmem:s19+$0x2A70];
	v57 =	vmul.f32 v12, v62;
	v48 =	vmul.f32 v22, v48;
	v54 =	vadd.f32 v24, v21  }
0x13e: {  	v50 =	vmul.f32 v12, v12;
	v24 =	vadd.f32 v53, v19;
	v58 =	vmul.f32 v15, v4  }
0x13f: {  	v19 =	vld [tilespmem:s19+$0x2AB0];
	v53 =	vmul.f32 v15, v15;
	v42 =	vmul.f32 v48, v42;
	v20 =	vadd.f32 v55, v54  }
0x140: {  	v24 =	vadd.f32 v56, v24;
	v51 =	vmul.f32 v13, v5;
	v54 =	vmul.f32 v13, v13  }
0x141: {  	v59 =	vmul.f32 v18, v63;
	v61 =	vmul.f32 v18, v18;
	v52 =	vadd.f32 v57, v20;
	v20 =	vld [tilespmem:s19+$0x2AC0]  }
0x142: {  	v55 =	vmul.f32 v23, v23;
	v50 =	vadd.f32 v50, v24;
	v24 =	vadd.f32 v51, v58  }
0x143: {  	v21 =	vld [tilespmem:s19+$0x2AD0];
	v31 =	vmul.f32 v42, v31;
	v51 =	vmul.f32 v23, v60;
	v53 =	vadd.f32 v54, v53  }
0x144: {  	v32 =	vmul.f32 v42, v32;
	v56 =	vmul.f32 v19, v6;
	v47 =	vadd.f32 v59, v24  }
0x145: {  	v57 =	vmul.f32 v19, v19;
	v51 =	vadd.f32 v51, v52;
	v24 =	vld [tilespmem:s19+$0x2AE0];
	v61 =	vadd.f32 v61, v53  }
0x146: {  	v50 =	vadd.f32 v55, v50;
	v47 =	vadd.f32 v56, v47;
	v58 =	vmul.f32 v20, v7  }
0x147: {  	v22 =	vld [tilespmem:s19+$0x2AF0];
	v25 =	vmul.f32 v42, v25;
	(xrf2) =	vadd.scan.msk.f32 $0xffff, v51;
	v59 =	vadd.f32 v57, v61;
	v61 =	vmul.f32 v20, v20  }
0x148: {  	v56 =	vshrl.u32 v49, $0x1;
	v57 =	vmul.f32 v21, v8;
	(xrf2) =	vadd.scan.msk.f32 $0xffff, v50;
	v47 =	vadd.f32 v58, v47  }
0x149: {  	v49 =	vmul.f32 $5.000000000e-01, v49;
	v51 =	vadd.f32 v61, v59;
	v58 =	vmul.f32 v21, v21  }
0x14a: {  	v53 =	vsub.s32 $0x5F3759DF, v56;
	v59 =	vmul.f32 v24, v62;
	v47 =	vadd.f32 v57, v47  }
0x14b: {  	v49 =	vmul.f32 v53, v49;
	v61 =	vmul.f32 v24, v24;
	v51 =	vadd.f32 v58, v51  }
0x14c: {  	v3 =	vadd.f32 v32, v3;
	v56 =	vmul.f32 v22, v60;
	v47 =	vadd.f32 v59, v47  }
0x14d: {  	v49 =	vmul.f32 v53, v49;
	v58 =	vmul.f32 v22, v22;
	v57 =	vadd.f32 v61, v51  }
0x14e: {  	v29 =	vmul.f32 v42, v29;
	v32 =	vadd.f32 v25, v43;
	v47 =	vadd.f32 v56, v47  }
0x14f: {  	v25 =	vmul.f32 v42, v28;
	v28 =	vld [tilespmem:$0x1FFF0];
	v59 =	vsub.f32 $1.500000000e+00, v49;
	v61 =	vadd.f32 v58, v57  }
0x150: {  	v26 =	vmul.f32 v42, v26;
	v0 =	vadd.f32 v31, v0;
	(xrf2) =	vadd.scan.msk.f32 $0xffff, v47  }
0x151: {  	v29 =	vadd.f32 v29, v41;
	v31 =	vbroadcast v46, $0xF;
	v52 =	vmul.f32 v53, v59;
	v41, _, _ =	vpop (xrf2);
	(xrf2) =	vadd.scan.msk.f32 $0xffff, v61  }
0x152: {  	v1 =	vadd.f32 v26, v1;
	v26 =	vmul.f32 v42, v27;
	v27, _, _ =	vpop (xrf2)  }
0x153: {  	v31 =	vmul.f32 v52, v31;
	v27 =	vmax.f32 v27, $1.000000020e-16  }
0x154: {  	v30 =	vmul.f32 v42, v30;
	v27 =	vmul.f32 v27, v28  }
0x155: {  	v53 =	vmul.f32 v31, v34;
	v42 =	vmul.f32 v31, v38;
	v28 =	vadd.f32 v26, v44  }
0x156: {  	v2 =	vadd.f32 v25, v2;
	v26 =	vmul.f32 v31, v33;
	v25 =	vbroadcast v27, $0xF  }
0x157: {  	v44 =	vadd.f32 v53, v3;
	v3 =	vmul.f32 v31, v36;
	v58 =	vadd.f32 v42, v28;
	v28 =	vld [tilespmem:$0x1FFF0]  }
0x158: {  	v56 =	vadd.f32 v26, v0;
	v26 =	vshrl.u32 v25, $0x1;
	v27 =	vmul.f32 $5.000000000e-01, v25;
	v25 =	vld [tilespmem:s19+$0x2B00]  }
0x159: {  	v43 =	vsub.s32 $0x5F3759DF, v26;
	v26 =	vld [tilespmem:s19+$0x2B10]  }
0x15a: {  	v30 =	vadd.f32 v30, v45;
	v61 =	vmul.f32 v31, v35;
	v37 =	vmul.f32 v31, v37;
	v54, _, _ =	vpop (xrf2)  }
0x15b: {  	v59 =	vmul.f32 v31, v39;
	v48 =	vadd.f32 v3, v1;
	v57 =	vmul.f32 v43, v27;
	v27 =	vld [tilespmem:s19+$0x2B20];
	v3, _, _ =	vpop (xrf2)  }
0x15c: {  	v52 =	vadd.f32 v61, v29;
	v29 =	vmul.f32 v31, v40;
	v3 =	vmax.f32 v3, $1.000000020e-16  }
0x15d: {  	v50 =	vadd.f32 v37, v32;
	v0 =	vmul.f32 v43, v57;
	v3 =	vmul.f32 v3, v28;
	v28 =	vld [tilespmem:s19+$0x2B30]  }
0x15e: {  	v47 =	vadd.f32 v59, v30;
	v30 =	vld [tilespmem:s19+$0x2B50];
	v31 =	vmul.f32 v25, v4;
	v36 =	vmul.f32 v26, v5  }
0x15f: {  	v53 =	vadd.f32 v29, v2;
	v29 =	vld [tilespmem:s19+$0x2B40];
	v37 =	vmul.f32 v25, v25;
	v38 =	vmul.f32 v26, v26  }
0x160: {  	v33 =	vld [tilespmem:s19+$0x2B90];
	v0 =	vsub.f32 $1.500000000e+00, v0;
	v39 =	vmul.f32 v27, v63;
	v31 =	vadd.f32 v36, v31  }
0x161: {  	v61 =	vbroadcast v41, $0xF;
	v32 =	vld [tilespmem:s19+$0x2B60];
	v40 =	vmul.f32 v27, v27;
	v2 =	vadd.f32 v38, v37  }
0x162: {  	v0 =	vmul.f32 v43, v0;
	v41 =	vadd.f32 v39, v31;
	v31 =	vld [tilespmem:s19+$0x2B80];
	v42 =	vmul.f32 v28, v6  }
0x163: {  	v51 =	vmul.f32 v30, v8;
	v2 =	vadd.f32 v40, v2;
	v45 =	vmul.f32 v28, v28  }
0x164: {  	v34 =	vld [tilespmem:s19+$0x2BA0];
	[tilespmem:$0x1FFB0] =	vst v58;
	v46 =	vmul.f32 v29, v7;
	v58 =	vmul.f32 v0, v61;
	v0 =	vadd.f32 v42, v41  }
0x165: {  	v55 =	vmul.f32 v30, v30;
	v49 =	vmul.f32 v29, v29;
	v2 =	vadd.f32 v45, v2  }
0x166: {  	v35 =	vld [tilespmem:s19+$0x2BB0];
	v57 =	vmul.f32 v32, v62;
	v3 =	vbroadcast v3, $0xF;
	v0 =	vadd.f32 v46, v0  }
0x167: {  	v45 =	vmul.f32 v33, v5;
	v2 =	vadd.f32 v49, v2;
	v61 =	vmul.f32 v31, v4  }
0x168: {  	v40 =	vld [tilespmem:s19+$0x2B70];
	v46 =	vmul.f32 v31, v31;
	v49 =	vmul.f32 v33, v33;
	v0 =	vadd.f32 v51, v0  }
0x169: {  	v36 =	vld [tilespmem:s19+$0x2BC0];
	v2 =	vadd.f32 v55, v2;
	v1 =	vadd.f32 v45, v61;
	v55 =	vmul.f32 v34, v63  }
0x16a: {  	v41 =	vadd.f32 v49, v46;
	v0 =	vadd.f32 v57, v0;
	v57 =	vmul.f32 v34, v34  }
0x16b: {  	v37 =	vld [tilespmem:s19+$0x2BD0];
	v43 =	vshrl.u32 v3, $0x1;
	v61 =	vmul.f32 v35, v6  }
0x16c: {  	v46 =	vmul.f32 v35, v35;
	v1 =	vadd.f32 v55, v1;
	v42 =	vadd.f32 v57, v41  }
0x16d: {  	v38 =	vld [tilespmem:s19+$0x2BE0];
	v59 =	vsub.s32 $0x5F3759DF, v43;
	v51 =	vmul.f32 v32, v32;
	v63 =	vmul.f32 v40, v60  }
0x16e: {  	v39 =	vld [tilespmem:s19+$0x2C00];
	v1 =	vadd.f32 v61, v1;
	v61 =	vmul.f32 v36, v36;
	v60 =	vadd.f32 v46, v42  }
0x16f: {  	v43 =	vld [tilespmem:s19+$0x2C30];
	v2 =	vadd.f32 v51, v2;
	v55 =	vmul.f32 v40, v40;
	v57 =	vmul.f32 v36, v7  }
0x170: {  	v41 =	vld [tilespmem:s19+$0x2C10];
	v0 =	vadd.f32 v63, v0;
	v46 =	vmul.f32 v37, v37;
	v45 =	vadd.f32 v61, v60  }
0x171: {  	v49 =	vld [tilespmem:s19+$0x2BF0];
	v63 =	vmul.f32 v37, v8;
	v1 =	vadd.f32 v57, v1  }
0x172: {  	v2 =	vadd.f32 v55, v2;
	v42 =	vld [tilespmem:s19+$0x2C20];
	(xrf2) =	vadd.scan.msk.f32 $0xffff, v0;
	v0 =	vmul.f32 v38, v38;
	v55 =	vadd.f32 v46, v45  }
0x173: {  	v1 =	vadd.f32 v63, v1;
	v63 =	vld [tilespmem:$0x1FFC0]  }
0x174: {  	v57 =	vmul.f32 v38, v62;
	v0 =	vadd.f32 v0, v55;
	v55 =	vld [tilespmem:$0x1FFE0]  }
0x175: {  	v61 =	vmul.f32 v39, v39;
	v62 =	vmul.f32 v41, v41  }
0x176: {  	v51 =	vmul.f32 v39, v4;
	v60 =	vmul.f32 v41, v5;
	v45 =	vld [tilespmem:s19+$0x2C40]  }
0x177: {  	(xrf2) =	vadd.scan.msk.f32 $0xffff, v2;
	v1 =	vadd.f32 v57, v1;
	v2 =	vadd.f32 v62, v61;
	v57 =	vmul.f32 v42, v42  }
0x178: {  	v60 =	vadd.f32 v60, v51;
	v46 =	vmul.f32 v42, v63  }
0x179: {  	v2 =	vadd.f32 v57, v2;
	v63 =	vmul.f32 v43, v43;
	v62 =	vmul.f32 v49, v55  }
0x17a: {  	v3 =	vmul.f32 $5.000000000e-01, v3;
	v51 =	vld [tilespmem:s19+$0x2C50];
	v61 =	vmul.f32 v43, v6;
	v60 =	vadd.f32 v46, v60  }
0x17b: {  	v2 =	vadd.f32 v63, v2;
	v1 =	vadd.f32 v62, v1;
	v62 =	vmul.f32 v45, v45  }
0x17c: {  	v3 =	vmul.f32 v59, v3;
	v55 =	vld [tilespmem:s19+$0x2C60];
	v46 =	vmov v4;
	v4 =	vmul.f32 v49, v49  }
0x17d: {  	v60 =	vadd.f32 v61, v60;
	v61 =	vmul.f32 v45, v7;
	v2 =	vadd.f32 v62, v2;
	v62 =	vld [tilespmem:$0x1FFD0]  }
0x17e: {  	v3 =	vmul.f32 v59, v3  }
0x17f: {  	v57 =	vld [tilespmem:s19+$0x2C70];
	v0 =	vadd.f32 v4, v0;
	v4 =	vadd.f32 v61, v60;
	v60 =	vmul.f32 v51, v8  }
0x180: {  	v61 =	vmul.f32 v51, v51  }
0x181: {  	v4 =	vadd.f32 v60, v4;
	(xrf2) =	vadd.scan.msk.f32 $0xffff, v1;
	v1 =	vsub.f32 $1.500000000e+00, v3  }
0x182: {  	v3 =	vmul.f32 v55, v55;
	v2 =	vadd.f32 v61, v2;
	v60 =	vmul.f32 v55, v62;
	_ =	sdelay $0x1  }
0x183: {  	v2 =	vadd.f32 v3, v2;
	v3 =	vmul.f32 v57, v57;
	v4 =	vadd.f32 v60, v4;
	v60 =	vld [tilespmem:$0x1FFE0];
	_ =	sdelay $0x1  }
0x184: {  	v2 =	vadd.f32 v3, v2;
	v3 =	vmul.f32 v58, v14;
	v14 =	vld [tilespmem:$0x1FFF0]  }
0x185: {  	v17 =	vmul.f32 v58, v17  }
0x186: {  	(xrf2) =	vadd.scan.msk.f32 $0xffff, v0;
	v0, _, _ =	vpop (xrf2)  }
0x187: {  	v17 =	vadd.f32 v17, v56;
	v61, _, _ =	vpop (xrf2);
	v56 =	vmul.f32 v57, v60  }
0x188: {  	v9 =	vmul.f32 v58, v9;
	v61 =	vmax.f32 v61, $1.000000020e-16  }
0x189: {  	v16 =	vmul.f32 v58, v16;
	v14 =	vmul.f32 v61, v14;
	v4 =	vadd.f32 v56, v4  }
0x18a: {  	v11 =	vmul.f32 v58, v11;
	v12 =	vmul.f32 v58, v12;
	v9 =	vadd.f32 v9, v50;
	v50 =	vld [tilespmem:$0x1FFB0]  }
0x18b: {  	(xrf2) =	vadd.scan.msk.f32 $0xffff, v4;
	v4 =	vmul.f32 v58, v10;
	v10 =	vbroadcast v14, $0xF  }
0x18c: {  	v1 =	vmul.f32 v59, v1;
	v61 =	vbroadcast v54, $0xF  }
0x18d: {  	v16 =	vadd.f32 v16, v44;
	(xrf2) =	vadd.scan.msk.f32 $0xffff, v2;
	v44 =	vshrl.u32 v10, $0x1;
	v10 =	vmul.f32 $5.000000000e-01, v10  }
0x18e: {  	v12 =	vadd.f32 v12, v47;
	v1 =	vmul.f32 v1, v61;
	v2 =	vsub.s32 $0x5F3759DF, v44;
	v44 =	vld [tilespmem:$0x1FFF0]  }
0x18f: {  	v11 =	vadd.f32 v11, v50;
	v0 =	vbroadcast v0, $0xF;
	v10 =	vmul.f32 v2, v10  }
0x190: {  	v15 =	vmul.f32 v1, v15;
	v13 =	vmul.f32 v1, v13;
	v4 =	vadd.f32 v4, v48;
	v48, _, _ =	vpop (xrf2)  }
0x191: {  	v3 =	vadd.f32 v3, v52;
	v14 =	vmul.f32 v58, v23;
	v52, _, _ =	vpop (xrf2);
	v10 =	vmul.f32 v2, v10  }
0x192: {  	v15 =	vadd.f32 v15, v17;
	v13 =	vadd.f32 v13, v16;
	v17 =	vmax.f32 v52, $1.000000020e-16  }
0x193: {  	v16 =	vmul.f32 v1, v18;
	v17 =	vmul.f32 v17, v44;
	v10 =	vsub.f32 $1.500000000e+00, v10  }
0x194: {  	v18 =	vmul.f32 v1, v19;
	v19 =	vmul.f32 v1, v20;
	v14 =	vadd.f32 v14, v53  }
0x195: {  	v3 =	vadd.f32 v16, v3;
	v16 =	vmul.f32 v1, v21;
	v17 =	vbroadcast v17, $0xF  }
0x196: {  	v4 =	vadd.f32 v18, v4;
	v18 =	vmul.f32 v1, v24;
	v53, _, _ =	vpop (xrf2);
	v2 =	vmul.f32 v2, v10  }
0x197: {  	v1 =	vmul.f32 v1, v22;
	v10, _, _ =	vpop (xrf2);
	v54 =	vshrl.u32 v17, $0x1;
	v17 =	vmul.f32 $5.000000000e-01, v17  }
0x198: {  	v0 =	vmul.f32 v2, v0;
	v10 =	vmax.f32 v10, $1.000000020e-16;
	v21 =	vsub.s32 $0x5F3759DF, v54  }
0x199: {  	v9 =	vadd.f32 v19, v9;
	v10 =	vmul.f32 v10, v44;
	v17 =	vmul.f32 v21, v17  }
0x19a: {  	v11 =	vadd.f32 v16, v11;
	v1 =	vadd.f32 v1, v14;
	v14 =	vmul.f32 v0, v25  }
0x19b: {  	v56 =	vbroadcast v10, $0xF;
	v10 =	vadd.f32 v18, v12;
	v12 =	vmul.f32 v21, v17  }
0x19c: {  	v17 =	vmul.f32 v0, v26;
	v14 =	vadd.f32 v14, v15;
	v15 =	vmul.f32 v0, v27  }
0x19d: {  	v16 =	vshrl.u32 v56, $0x1;
	v2 =	vmul.f32 $5.000000000e-01, v56;
	v12 =	vsub.f32 $1.500000000e+00, v12  }
0x19e: {  	v13 =	vadd.f32 v17, v13;
	v17 =	vmul.f32 v0, v28;
	v16 =	vsub.s32 $0x5F3759DF, v16  }
0x19f: {  	v3 =	vadd.f32 v15, v3;
	v15 =	vbroadcast v48, $0xF;
	v2 =	vmul.f32 v16, v2  }
0x1a0: {  	v12 =	vmul.f32 v21, v12;
	v4 =	vadd.f32 v17, v4;
	v17 =	vmul.f32 v0, v29  }
0x1a1: {  	v18 =	vmul.f32 v0, v30;
	v2 =	vmul.f32 v16, v2  }
0x1a2: {  	v12 =	vmul.f32 v12, v15;
	v15 =	vmul.f32 v0, v32;
	v9 =	vadd.f32 v17, v9  }
0x1a3: {  	v0 =	vmul.f32 v0, v40;
	v17 =	vbroadcast v53, $0xF;
	v2 =	vsub.f32 $1.500000000e+00, v2  }
0x1a4: {  	v10 =	vadd.f32 v15, v10;
	v15 =	vmul.f32 v12, v31;
	v58 =	vmul.f32 v12, v33  }
0x1a5: {  	v11 =	vadd.f32 v18, v11;
	v2 =	vmul.f32 v16, v2;
	v16 =	vmul.f32 v12, v34  }
0x1a6: {  	v0 =	vadd.f32 v0, v1;
	v14 =	vadd.f32 v15, v14;
	v15 =	vmul.f32 v12, v35  }
0x1a7: {  	v1 =	vadd.f32 v58, v13;
	v13 =	vmul.f32 v12, v36;
	v3 =	vadd.f32 v16, v3  }
0x1a8: {  	v4 =	vadd.f32 v15, v4;
	v2 =	vmul.f32 v2, v17;
	v15 =	vmul.f32 v12, v37  }
0x1a9: {  	v9 =	vadd.f32 v13, v9;
	v13 =	vmul.f32 v12, v38;
	v12 =	vmul.f32 v12, v49  }
0x1aa: {  	v11 =	vadd.f32 v15, v11;
	v15 =	vmul.f32 v2, v39;
	v17 =	vmul.f32 v2, v41  }
0x1ab: {  	p0 =	sne.s32 s18, $0x9000;
	v10 =	vadd.f32 v13, v10;
	v0 =	vadd.f32 v12, v0;
	v12 =	vmul.f32 v2, v42  }
.Ltmp1:
0x1ac: {  	v59 =	vmul.f32 v2, v43;
	v61 =	vmul.f32 v2, v55;
	v16 =	vadd.f32 v15, v14;
	(pc) =	sbr.rel @p0 .LBB2_5-.Ltmp1, $4  }
0x1ad: {  	v15 =	vadd.f32 v17, v1;
	v14 =	vadd.f32 v12, v3;
	v3 =	vmul.f32 v2, v45  }
0x1ae: {  	v17 =	vmul.f32 v2, v51;
	v12 =	vadd.f32 v59, v4;
	v2 =	vmul.f32 v2, v57  }
0x1af: {  	v27 =	vmov v6;
	v10 =	vadd.f32 v61, v10;
	v13 =	vadd.f32 v3, v9  }
0x1b0: {  	s18 =	sadd.s32 $0x1000, s18;
	v63 =	vld [tilespmem:$0x1FFC0];
	v30 =	vmovc v8;
	v29 =	vmovc v7;
	v4 =	vmov v46;
	v11 =	vadd.f32 v17, v11;
	v9 =	vadd.f32 v2, v0  }
0x1b1: {  	s17 =	sadd.s32 $0x1, s17  }
0x1b2: {  	p0 =	sne.s32 s17, $0x5  }
.Ltmp2:
0x1b3: {  	_ = 	snop;
	(pc) =	sbr.rel @p0 .LBB2_2-.Ltmp2, $2  }
0x1b4: {  	_ =	sdelay $0x2  }
0x1b5: {  	v1 =	vmov v5  }
0x1b6: {  	[tilespmem:$0x5080] =	vst v16  }
0x1b7: {  	[tilespmem:$0x5090] =	vst v15  }
0x1b8: {  	[tilespmem:$0x50A0] =	vst v14  }
0x1b9: {  	[tilespmem:$0x50B0] =	vst v12  }
0x1ba: {  	[tilespmem:$0x50C0] =	vst v13  }
0x1bb: {  	[tilespmem:$0x50D0] =	vst v11;
	s16 =	sadd.s32 $0x1, s16  }
0x1bc: {  	[tilespmem:$0x50E0] =	vst v10;
	p0 =	sne.s32 s16, s9  }
.Ltmp3:
0x1bd: {  	[tilespmem:$0x50F0] =	vst v9;
	(pc) =	sbr.rel @p0 .LBB2_1-.Ltmp3, $4  }
0x1be: {  	[hbm4b:s8+s4] =	stream.linear.scatter [tilespmem:s15], [sflag:$0x3], $0x80, $0x38;
	[tilespmem:$0x5100] =	vst v63  }
0x1bf: {  	_ =	swait.ge [sflag:s10], $0x80  }
0x1c0: {  	[sflag:s10] =	ssyncset.done $0x0  }
0x1c1: {  	[sflag:s10] =	ssyncadd.s32 $0xFFFFFF80  }
0x1c2: {  	_ =	sfence.sel $0x180000  }
0x1c3: {  	[bflag:$0x0] =	sbarrier.arrive $0xFFFF  }
0x1c4: {  	p0 =	sne.s32 s2, $0x0;
	_ =	strace $0x90000047  }
0x1c5: {  	s0 =	sadd.s32 @!p0 $0x100000, s0;
	[bflag:$0x2] =	sbarrier.arrive $0xFFFF  }
0x1c6: {  	[sflag:s0] =	ssyncadd.tile.s32 @!p0 $0x1;
	_ =	shalt  }
.Lfunc_end2:
_tile_overlayer_lowered:
.L_overlay_start_2:
0x1c7: {  	(tag) =	ssettag $0x2  }
0x1c8: {  	s0 =	rddreg [dreg:$0x0];
	s2 =	stileid.u32  }
0x1c9: {  	s1 =	rddreg [dreg:$0x1];
	p0 =	sne.s32 s2, $0x0  }
0x1ca: {  	s3 =	rddreg [dreg:$0x2];
	[bflag:$0x3] =	sbarrier.arrive $0xFFFF;
	s2 =	simm.s32 @!p0 $0x1C04  }
0x1cb: {  	[timem:s3], [sflag:s2] =	dma.local @!p0 [hbm:s0], s1  }
0x1cc: {  	s0 =	simm.s32 @!p0 $0x4  }
0x1cd: {  	_ =	swait.ge @!p0 [sflag:s0], s1  }
0x1ce: {  	s1 =	ssub.s32 @!p0 $0x0, s1;
	[sflag:s0] =	ssyncset.done @!p0 $0x0  }
0x1cf: {  	[sflag:s0] =	ssyncadd.s32 @!p0 s1  }
0x1d0: {  	[bflag:$0x3] =	sbarrier.arrive $0xFFFF  }
0x1d1: {  	_ =	shalt  }

</sc_bundles>
